<compile_context>
chip_gen: v7x
topology: tpu7x:2x2x1
jax: 0.10.2.dev20260603
libtpu: 0.0.44.dev20260713+nightly
codegen_flags: <defaults>
</compile_context>

<pallas_src>
import jax
import jax.numpy as jnp
from jax import lax
from jax.experimental import pallas as pl
from jax.experimental.pallas import tpu as pltpu
from jax.experimental.pallas import tpu_sc as plsc

N = 10000
E = 320000
NFEAT = 128
NHID = 256
HALF = 128
NCLASS = 16

NS = 16
NC = 2
NPAD = 10240
ROWS_PT = NPAD // NS

CHUNK = 128
EPT = 20480
NCHUNK = EPT // CHUNK
EPAD = EPT * NS
NBUF = 2
NGRP = 2

_MESH = plsc.VectorSubcoreMesh(core_axis_name="c", subcore_axis_name="s")


DCH = EPAD // CHUNK // (NC * NS)
DGRP = 4


def _deg_body(dst_hbm, deg_hbm, obuf, idxb, acc, sem):
    c = lax.axis_index("c")
    s = lax.axis_index("s")

    def fill_o(i, carry):
        def fo(j, carry2):
            obuf[i, pl.ds(j * 16, 16)] = jnp.ones((16,), jnp.float32)
            return carry2

        lax.fori_loop(0, HALF // 16, fo, 0)
        return carry

    lax.fori_loop(0, CHUNK, fill_o, 0)

    @pl.loop(0, ROWS_PT, step=CHUNK)
    def _init(r):
        pltpu.sync_copy(obuf, acc.at[pl.ds(s * ROWS_PT + r, CHUNK)])

    plsc.subcore_barrier()

    base = (c * NS + s) * DCH

    pltpu.sync_copy(dst_hbm.at[pl.ds(base, DGRP)], idxb.at[0])

    @pl.loop(0, DCH // DGRP)
    def _grp(g):
        slot = lax.rem(g, 2)
        slotn = lax.rem(g + 1, 2)
        for b in range(DGRP):
            pltpu.async_copy(obuf, acc.at[idxb.at[slot, b]], sem, add=True)

        @pl.when(g + 1 < DCH // DGRP)
        def _():
            pltpu.sync_copy(dst_hbm.at[pl.ds(base + (g + 1) * DGRP, DGRP)],
                            idxb.at[slotn])

        for b in range(DGRP):
            pltpu.make_async_copy(obuf, acc.at[idxb.at[slot, b]], sem).wait()

    plsc.subcore_barrier()
    pltpu.sync_copy(acc.at[pl.ds(s * ROWS_PT, ROWS_PT)],
                    deg_hbm.at[pl.ds(c * NPAD + s * ROWS_PT, ROWS_PT)])


_deg_call = pl.kernel(
    _deg_body,
    out_type=jax.ShapeDtypeStruct((NC * NPAD, HALF), jnp.float32),
    mesh=_MESH,
    scratch_types=[
        pltpu.VMEM((CHUNK, HALF), jnp.float32),
        pltpu.VMEM((2, DGRP, CHUNK), jnp.int32),
        pltpu.VMEM_SHARED((NPAD, HALF), jnp.float32),
        pltpu.SemaphoreType.DMA,
    ],
)


def _conv_body(g_hbm, src_hbm, dst_hbm, out_hbm, isrc, idst, gbuf, acc, sems,
               ssems):
    c = lax.axis_index("c")
    s = lax.axis_index("s")

    pltpu.sync_copy(g_hbm.at[pl.ds(c * NPAD + s * ROWS_PT, ROWS_PT)],
                    acc.at[pl.ds(s * ROWS_PT, ROWS_PT)])
    plsc.subcore_barrier()

    srow = c * (EPAD // CHUNK) + s * NCHUNK
    drow = s * NCHUNK

    pltpu.sync_copy(src_hbm.at[pl.ds(srow, NBUF)], isrc.at[0])
    pltpu.sync_copy(dst_hbm.at[pl.ds(drow, NBUF)], idst.at[0])
    for b in range(NBUF - 1):
        pltpu.async_copy(g_hbm.at[isrc.at[0, b]], gbuf.at[b], sems.at[b])

    @pl.loop(0, NCHUNK, step=NBUF)
    def _loop(j):
        gcur = lax.rem(j // NBUF, NGRP)
        gnext = lax.rem(j // NBUF + 1, NGRP)
        gprev = gnext
        for b in range(NBUF):
            p = j + b + (NBUF - 1)
            slotp = (b + NBUF - 1) % NBUF

            @pl.when(p < NCHUNK)
            def _(b=b, p=p, slotp=slotp, gcur=gcur, gnext=gnext, gprev=gprev):
                if b == 0:
                    @pl.when(j > 0)
                    def _():
                        pltpu.make_async_copy(
                            gbuf.at[slotp], acc.at[idst.at[gprev, slotp]],
                            ssems.at[slotp]).wait()
                    pltpu.async_copy(g_hbm.at[isrc.at[gcur, slotp]],
                                     gbuf.at[slotp], sems.at[slotp])
                else:
                    if b == 1:
                        pltpu.sync_copy(
                            src_hbm.at[pl.ds(srow + j + NBUF, NBUF)],
                            isrc.at[gnext])
                        pltpu.sync_copy(
                            dst_hbm.at[pl.ds(drow + j + NBUF, NBUF)],
                            idst.at[gnext])
                    pltpu.make_async_copy(
                        gbuf.at[slotp], acc.at[idst.at[gcur, slotp]],
                        ssems.at[slotp]).wait()
                    pltpu.async_copy(g_hbm.at[isrc.at[gnext, slotp]],
                                     gbuf.at[slotp], sems.at[slotp])

            pltpu.make_async_copy(g_hbm.at[isrc.at[gcur, b]], gbuf.at[b],
                                  sems.at[b]).wait()
            pltpu.async_copy(gbuf.at[b], acc.at[idst.at[gcur, b]],
                             ssems.at[b], add=True)

    for b in range(NBUF):
        pltpu.make_async_copy(
            gbuf.at[b], acc.at[idst.at[(NCHUNK // NBUF - 1) % NGRP, b]],
            ssems.at[b]).wait()
    plsc.subcore_barrier()
    pltpu.sync_copy(acc.at[pl.ds(s * ROWS_PT, ROWS_PT)],
                    out_hbm.at[pl.ds(c * NPAD + s * ROWS_PT, ROWS_PT)])


_conv_call = pl.kernel(
    _conv_body,
    out_type=jax.ShapeDtypeStruct((NC * NPAD, HALF), jnp.float32),
    mesh=_MESH,
    scratch_types=[
        pltpu.VMEM((NGRP, NBUF, CHUNK), jnp.int32),
        pltpu.VMEM((NGRP, NBUF, CHUNK), jnp.int32),
        pltpu.VMEM((NBUF, CHUNK, HALF), jnp.float32),
        pltpu.VMEM_SHARED((NPAD, HALF), jnp.float32),
        pltpu.SemaphoreType.DMA((NBUF,)),
        pltpu.SemaphoreType.DMA((NBUF,)),
    ],
)


BN = 1024
GRID = NPAD // BN

_DN = (((1,), (1,)), ((), ()))


def _dis(degp):
    return lax.rsqrt(degp[0, :, 0:1] + degp[1, :, 0:1] - 1.0)


def _k2_body(x_ref, degp_ref, w1_ref, out_ref):
    dis = _dis(degp_ref[...])
    h = lax.dot_general(x_ref[...], w1_ref[...], _DN,
                        preferred_element_type=jnp.float32)
    g = h * dis
    out_ref[0, :, :] = g[:, :HALF]
    out_ref[1, :, :] = g[:, HALF:]


_k2_call = pl.pallas_call(
    _k2_body,
    grid=(GRID,),
    in_specs=[
        pl.BlockSpec((BN, NFEAT), lambda i: (i, 0)),
        pl.BlockSpec((NC, BN, HALF), lambda i: (0, i, 0)),
        pl.BlockSpec((NHID, NFEAT), lambda i: (0, 0)),
    ],
    out_specs=pl.BlockSpec((NC, BN, HALF), lambda i: (0, i, 0)),
    out_shape=jax.ShapeDtypeStruct((NC, NPAD, HALF), jnp.float32),
)


def _k4_body(acc_ref, degp_ref, w2_ref, b1_ref, out_ref):
    dis = _dis(degp_ref[...])
    a = jnp.concatenate([acc_ref[0], acc_ref[1]], axis=1)
    z = jax.nn.relu(a * dis + b1_ref[...])
    h = lax.dot_general(z, w2_ref[...], _DN, preferred_element_type=jnp.float32)
    g = h * dis
    out_ref[0, :, :] = g[:, :HALF]
    out_ref[1, :, :] = g[:, HALF:]


_k4_call = pl.pallas_call(
    _k4_body,
    grid=(GRID,),
    in_specs=[
        pl.BlockSpec((NC, BN, HALF), lambda i: (0, i, 0)),
        pl.BlockSpec((NC, BN, HALF), lambda i: (0, i, 0)),
        pl.BlockSpec((NHID, NHID), lambda i: (0, 0)),
        pl.BlockSpec((1, NHID), lambda i: (0, 0)),
    ],
    out_specs=pl.BlockSpec((NC, BN, HALF), lambda i: (0, i, 0)),
    out_shape=jax.ShapeDtypeStruct((NC, NPAD, HALF), jnp.float32),
)


def _k6_body(acc_ref, degp_ref, b2_ref, wf1_ref, bf1_ref, wf2_ref, bf2_ref,
             out_ref):
    dis = _dis(degp_ref[...])
    a = jnp.concatenate([acc_ref[0], acc_ref[1]], axis=1)
    z2 = jax.nn.relu(a * dis + b2_ref[...])
    z3 = jax.nn.relu(lax.dot_general(z2, wf1_ref[...], _DN,
                                     preferred_element_type=jnp.float32)
                     + bf1_ref[...])
    o = lax.dot_general(z3, wf2_ref[...], _DN,
                        preferred_element_type=jnp.float32) + bf2_ref[...]
    out_ref[...] = o


_k6_call = pl.pallas_call(
    _k6_body,
    grid=(GRID,),
    in_specs=[
        pl.BlockSpec((NC, BN, HALF), lambda i: (0, i, 0)),
        pl.BlockSpec((NC, BN, HALF), lambda i: (0, i, 0)),
        pl.BlockSpec((1, NHID), lambda i: (0, 0)),
        pl.BlockSpec((HALF, NHID), lambda i: (0, 0)),
        pl.BlockSpec((1, HALF), lambda i: (0, 0)),
        pl.BlockSpec((NCLASS, HALF), lambda i: (0, 0)),
        pl.BlockSpec((1, NCLASS), lambda i: (0, 0)),
    ],
    out_specs=pl.BlockSpec((BN, NCLASS), lambda i: (i, 0)),
    out_shape=jax.ShapeDtypeStruct((NPAD, NCLASS), jnp.float32),
)


def kernel(x, edge_index, W1, b1, W2, b2, Wf1, bf1, Wf2, bf2):
    x_pad = jnp.pad(x, ((0, NPAD - N), (0, 0)))
    src = edge_index[0]
    dst = edge_index[1]
    ept0 = E // NS
    npad_e = EPT - ept0
    src_fill = (jnp.arange(npad_e, dtype=src.dtype) * 97) % N
    dst_fill = N + (jnp.arange(npad_e, dtype=dst.dtype) % (NPAD - N))
    srcp = jnp.concatenate(
        [src.reshape(NS, ept0),
         jnp.broadcast_to(src_fill, (NS, npad_e))], axis=1).reshape(-1)
    dstp = jnp.concatenate(
        [dst.reshape(NS, ept0),
         jnp.broadcast_to(dst_fill, (NS, npad_e))], axis=1).reshape(-1)
    src2 = jnp.concatenate([srcp, srcp + NPAD]).reshape(-1, CHUNK)
    dstp = dstp.reshape(-1, CHUNK)

    degp = _deg_call(dstp).reshape(NC, NPAD, HALF)
    g1 = _k2_call(x_pad, degp, W1)
    acc1 = _conv_call(g1.reshape(NC * NPAD, HALF), src2, dstp)
    g2 = _k4_call(acc1.reshape(NC, NPAD, HALF), degp, W2, b1.reshape(1, -1))
    acc2 = _conv_call(g2.reshape(NC * NPAD, HALF), src2, dstp)
    out = _k6_call(acc2.reshape(NC, NPAD, HALF), degp, b2.reshape(1, -1),
                   Wf1, bf1.reshape(1, -1), Wf2, bf2.reshape(1, -1))
    return out[:N]

# --- scband reference (transcript-rebuilt; emitter-appended) ---
"""Pipeline reference for scband-gcn-17626545783544 (READ-ONLY COPY).

The authoritative reference and input builder live on the scoring server;
editing this copy changes nothing except your own understanding.
"""

import jax, jax.numpy as jnp
import numpy as np

N = 10000
E = 320000
NFEAT = 128
NHID = 256
NCLASS = 16


def gcn_conv(x, edge_index, W, b):
    # Faithful PyG GCNConv: linear transform, add self-loops, symmetric norm, scatter-add, bias
    n = x.shape[0]
    src = edge_index[0]
    dst = edge_index[1]
    loop = jnp.arange(n, dtype=src.dtype)
    src = jnp.concatenate([src, loop])
    dst = jnp.concatenate([dst, loop])
    h = x @ W.T
    deg = jnp.zeros((n,), dtype=h.dtype).at[dst].add(1.0)
    dis = jnp.where(deg > 0, 1.0 / jnp.sqrt(deg), 0.0)
    norm = dis[src] * dis[dst]
    msg = h[src] * norm[:, None]
    out = jnp.zeros((n, W.shape[0]), dtype=h.dtype).at[dst].add(msg)
    return out + b


def setup_inputs(seed: int = 0) -> dict:
    key = jax.random.key(seed)
    ks = jax.random.split(key, 12)
    x = jax.random.normal(ks[0], (N, NFEAT), dtype=jnp.float32)
    edge_index = jax.random.randint(ks[1], (2, E), 0, N)
    W1 = jax.random.normal(ks[2], (NHID, NFEAT), dtype=jnp.float32) * (1.0 / np.sqrt(NFEAT))
    b1 = jnp.zeros((NHID,), dtype=jnp.float32)
    W2 = jax.random.normal(ks[3], (NHID, NHID), dtype=jnp.float32) * (1.0 / np.sqrt(NHID))
    b2 = jnp.zeros((NHID,), dtype=jnp.float32)
    Wf1 = jax.random.normal(ks[4], (NHID // 2, NHID), dtype=jnp.float32) * (1.0 / np.sqrt(NHID))
    bf1 = jnp.zeros((NHID // 2,), dtype=jnp.float32)
    Wf2 = jax.random.normal(ks[5], (NCLASS, NHID // 2), dtype=jnp.float32) * (1.0 / np.sqrt(NHID // 2))
    bf2 = jnp.zeros((NCLASS,), dtype=jnp.float32)
    return {"x": x, "edge_index": edge_index, "W1": W1, "b1": b1, "W2": W2, "b2": b2,
            "Wf1": Wf1, "bf1": bf1, "Wf2": Wf2, "bf2": bf2}


def reference(x, edge_index, W1, b1, W2, b2, Wf1, bf1, Wf2, bf2):
    # GCN_Body
    h = gcn_conv(x, edge_index, W1, b1)
    h = jax.nn.relu(h)
    h = gcn_conv(h, edge_index, W2, b2)
    h = jax.nn.relu(h)
    # dropout is identity in eval mode (training=False)
    h = jax.nn.relu(h @ Wf1.T + bf1)
    out = h @ Wf2.T + bf2
    return out

if __name__ == "__main__":
    import jax
    _d = setup_inputs()
    print(jax.jit(kernel)(*tuple(_d.values())))

</pallas_src>

<mosaic_0001>
#map = affine_map<(d0, d1) -> (0, 0)>
module attributes {stable_mosaic.version = 14 : i64} {
  func.func @_deg_body(%arg0: i32, %arg1: i32, %arg2: memref<2560x128xi32, #tpu.memory_space<hbm>>, %arg3: memref<20480x128xf32, #tpu.memory_space<hbm>>, %arg4: memref<128x128xf32, #tpu.memory_space<vmem>>, %arg5: memref<2x4x128xi32, #tpu.memory_space<vmem>>, %arg6: memref<10240x128xf32, #tpu.memory_space<vmem_shared>>, %arg7: memref<!tpu.dma_semaphore, #tpu.memory_space<semaphore_mem>>) attributes {dimension_semantics = [#tpu.dimension_semantics<core_parallel>, #tpu.dimension_semantics<subcore_parallel>], iteration_bounds = array<i64: 2, 16>, scalar_prefetch = 0 : i64, scratch_operands = 4 : i64, tpu.core_type = #tpu.core_type<sc_vector_subcore>, window_params = [{transform_indices = #map}, {transform_indices = #map}]} {
    %scan3A = arith.constant 0 : i32
    %scan3A_0 = arith.constant 0 : i32
    %scan3A_1 = arith.constant 128 : i32
    %scan3A_2 = arith.addi %scan3A_0, %scan3A_1 : i32
    %scan3A_3 = arith.constant 1 : i32
    scf.for %scan3A_26 = %scan3A_0 to %scan3A_2 step %scan3A_3  : i32 {
      %scan3A_27 = arith.constant 0 : i32
      %scan3A_28 = arith.constant 0 : i32
      %scan3A_29 = arith.constant 8 : i32
      %scan3A_30 = arith.addi %scan3A_28, %scan3A_29 : i32
      %scan3A_31 = arith.constant 1 : i32
      scf.for %scan3A_33 = %scan3A_28 to %scan3A_30 step %scan3A_31  : i32 {
        %broadcast_in_dim3A = arith.constant 1.000000e+00 : f32
        %broadcast_in_dim3A_34 = vector.broadcast %broadcast_in_dim3A : f32 to vector<16xf32>
        %mul3A_35 = arith.constant 16 : i32
        %mul3A_36 = arith.muli %scan3A_33, %mul3A_35 : i32
        %swap3A = arith.index_cast %scan3A_26 : i32 to index
        %swap3A_37 = arith.index_cast %mul3A_36 : i32 to index
        %swap3A_38 = tpu.vector_load %arg4[%swap3A, %swap3A_37] {strides = array<i32>} : memref<128x128xf32, #tpu.memory_space<vmem>>, vector<1x16xf32>,
        %swap3A_39 = vector.shape_cast %swap3A_38 : vector<1x16xf32> to vector<16xf32>
        %swap3A_40 = vector.shape_cast %broadcast_in_dim3A_34 : vector<16xf32> to vector<1x16xf32>
        tpu.vector_store %arg4[%swap3A, %swap3A_37], %swap3A_40 {strides = array<i32>} : memref<128x128xf32, #tpu.memory_space<vmem>>, vector<1x16xf32>,
      }
      %scan3A_32 = arith.constant 8 : i32
    }
    %scan3A_4 = arith.constant 128 : i32
    %scan3A_5 = arith.constant 0 : i32
    %scan3A_6 = arith.constant 5 : i32
    %scan3A_7 = arith.addi %scan3A_5, %scan3A_6 : i32
    %scan3A_8 = arith.constant 1 : i32
    scf.for %scan3A_26 = %scan3A_5 to %scan3A_7 step %scan3A_8  : i32 {
      %mul3A_27 = arith.constant 128 : i32
      %mul3A_28 = arith.muli %scan3A_26, %mul3A_27 : i32
      %add3A_29 = arith.constant 0 : i32
      %add3A_30 = arith.addi %add3A_29, %mul3A_28 : i32
      %mul3A_31 = arith.constant 640 : i32
      %mul3A_32 = arith.muli %arg1, %mul3A_31 : i32
      %add3A_33 = arith.addi %mul3A_32, %add3A_30 : i32
      "tpu.region"() ({
        %run_scoped3A_34 = tpu.sem_alloc : memref<!tpu.dma_semaphore, #tpu.memory_space<semaphore_mem>>
        %dma_start3A = arith.constant 0 : i32
        %dma_start3A_35 = tpu.memref_slice %arg6[%add3A_33, %dma_start3A] : memref<10240x128xf32, #tpu.memory_space<vmem_shared>> -> memref<128x128xf32, #tpu.memory_space<vmem_shared>>
        %dma_start3A_36 = arith.constant 0 : i32
        %dma_start3A_37 = tpu.memref_slice %arg6[%add3A_33, %dma_start3A_36] : memref<10240x128xf32, #tpu.memory_space<vmem_shared>> -> memref<128x128xf32, #tpu.memory_space<vmem_shared>>
        tpu.enqueue_dma source(%arg4 : memref<128x128xf32, #tpu.memory_space<vmem>>) target(%dma_start3A_37 : memref<128x128xf32, #tpu.memory_space<vmem_shared>>) target_semaphore(%run_scoped3A_34 : memref<!tpu.dma_semaphore, #tpu.memory_space<semaphore_mem>>)
        %dma_wait3A = arith.constant 0 : i32
        %dma_wait3A_38 = tpu.memref_slice %arg6[%add3A_33, %dma_wait3A] : memref<10240x128xf32, #tpu.memory_space<vmem_shared>> -> memref<128x128xf32, #tpu.memory_space<vmem_shared>>
        %dma_wait3A_39 = arith.constant 0 : i32
        %dma_wait3A_40 = tpu.memref_slice %arg6[%add3A_33, %dma_wait3A_39] : memref<10240x128xf32, #tpu.memory_space<vmem_shared>> -> memref<128x128xf32, #tpu.memory_space<vmem_shared>>
        tpu.wait_dma2 semaphore(%run_scoped3A_34 : memref<!tpu.dma_semaphore, #tpu.memory_space<semaphore_mem>>) src(%arg4 : memref<128x128xf32, #tpu.memory_space<vmem>>) dst(%dma_wait3A_40 : memref<128x128xf32, #tpu.memory_space<vmem_shared>>)
        tpu.yield
      }) : () -> ()
    }
    %scan3A_9 = arith.constant 5 : i32
    %barrier3A = arith.constant 0 : index
    tpu.barrier barrier_id(%barrier3A)
    %mul3A = arith.constant 16 : i32
    %mul3A_10 = arith.muli %arg0, %mul3A : i32
    %add3A = arith.addi %mul3A_10, %arg1 : i32
    %mul3A_11 = arith.constant 80 : i32
    %mul3A_12 = arith.muli %add3A, %mul3A_11 : i32
    %run_scoped3A = arith.constant 0 : i32
    "tpu.region"() ({
      %run_scoped3A_26 = tpu.sem_alloc : memref<!tpu.dma_semaphore, #tpu.memory_space<semaphore_mem>>
      %dma_start3A = arith.constant 0 : i32
      %dma_start3A_27 = arith.constant 0 : i32
      %dma_start3A_28 = tpu.memref_slice %arg5[%run_scoped3A, %dma_start3A, %dma_start3A_27] : memref<2x4x128xi32, #tpu.memory_space<vmem>> -> memref<1x4x128xi32, #tpu.memory_space<vmem>>
      %dma_start3A_29 = tpu.memref_squeeze %dma_start3A_28 : memref<1x4x128xi32, #tpu.memory_space<vmem>> -> memref<4x128xi32, #tpu.memory_space<vmem>>
      %dma_start3A_30 = arith.constant 0 : i32
      %dma_start3A_31 = tpu.memref_slice %arg2[%mul3A_12, %dma_start3A_30] : memref<2560x128xi32, #tpu.memory_space<hbm>> -> memref<4x128xi32, #tpu.memory_space<hbm>>
      %dma_start3A_32 = arith.constant 0 : i32
      %dma_start3A_33 = arith.constant 0 : i32
      %dma_start3A_34 = tpu.memref_slice %arg5[%run_scoped3A, %dma_start3A_32, %dma_start3A_33] : memref<2x4x128xi32, #tpu.memory_space<vmem>> -> memref<1x4x128xi32, #tpu.memory_space<vmem>>
      %dma_start3A_35 = tpu.memref_squeeze %dma_start3A_34 : memref<1x4x128xi32, #tpu.memory_space<vmem>> -> memref<4x128xi32, #tpu.memory_space<vmem>>
      %dma_start3A_36 = arith.constant 0 : i32
      %dma_start3A_37 = tpu.memref_slice %arg2[%mul3A_12, %dma_start3A_36] : memref<2560x128xi32, #tpu.memory_space<hbm>> -> memref<4x128xi32, #tpu.memory_space<hbm>>
      tpu.enqueue_dma source(%dma_start3A_37 : memref<4x128xi32, #tpu.memory_space<hbm>>) target(%dma_start3A_35 : memref<4x128xi32, #tpu.memory_space<vmem>>) target_semaphore(%run_scoped3A_26 : memref<!tpu.dma_semaphore, #tpu.memory_space<semaphore_mem>>)
      %dma_wait3A = arith.constant 0 : i32
      %dma_wait3A_38 = arith.constant 0 : i32
      %dma_wait3A_39 = tpu.memref_slice %arg5[%run_scoped3A, %dma_wait3A, %dma_wait3A_38] : memref<2x4x128xi32, #tpu.memory_space<vmem>> -> memref<1x4x128xi32, #tpu.memory_space<vmem>>
      %dma_wait3A_40 = tpu.memref_squeeze %dma_wait3A_39 : memref<1x4x128xi32, #tpu.memory_space<vmem>> -> memref<4x128xi32, #tpu.memory_space<vmem>>
      %dma_wait3A_41 = arith.constant 0 : i32
      %dma_wait3A_42 = tpu.memref_slice %arg2[%mul3A_12, %dma_wait3A_41] : memref<2560x128xi32, #tpu.memory_space<hbm>> -> memref<4x128xi32, #tpu.memory_space<hbm>>
      %dma_wait3A_43 = arith.constant 0 : i32
      %dma_wait3A_44 = arith.constant 0 : i32
      %dma_wait3A_45 = tpu.memref_slice %arg5[%run_scoped3A, %dma_wait3A_43, %dma_wait3A_44] : memref<2x4x128xi32, #tpu.memory_space<vmem>> -> memref<1x4x128xi32, #tpu.memory_space<vmem>>
      %dma_wait3A_46 = tpu.memref_squeeze %dma_wait3A_45 : memref<1x4x128xi32, #tpu.memory_space<vmem>> -> memref<4x128xi32, #tpu.memory_space<vmem>>
      %dma_wait3A_47 = arith.constant 0 : i32
      %dma_wait3A_48 = tpu.memref_slice %arg2[%mul3A_12, %dma_wait3A_47] : memref<2560x128xi32, #tpu.memory_space<hbm>> -> memref<4x128xi32, #tpu.memory_space<hbm>>
      tpu.wait_dma2 semaphore(%run_scoped3A_26 : memref<!tpu.dma_semaphore, #tpu.memory_space<semaphore_mem>>) src(%dma_wait3A_48 : memref<4x128xi32, #tpu.memory_space<hbm>>) dst(%dma_wait3A_46 : memref<4x128xi32, #tpu.memory_space<vmem>>)
      tpu.yield
    }) : () -> ()
    %scan3A_13 = arith.constant 0 : i32
    %scan3A_14 = arith.constant 20 : i32
    %scan3A_15 = arith.addi %scan3A_13, %scan3A_14 : i32
    %scan3A_16 = arith.constant 1 : i32
    scf.for %scan3A_26 = %scan3A_13 to %scan3A_15 step %scan3A_16  : i32 {
      %mul3A_27 = arith.constant 1 : i32
      %mul3A_28 = arith.muli %scan3A_26, %mul3A_27 : i32
      %add3A_29 = arith.constant 0 : i32
      %add3A_30 = arith.addi %add3A_29, %mul3A_28 : i32
      %rem3A = arith.constant 2 : i32
      %rem3A_31 = arith.remsi %add3A_30, %rem3A : i32
      %add3A_32 = arith.constant 1 : i32
      %add3A_33 = arith.addi %add3A_30, %add3A_32 : i32
      %rem3A_34 = arith.constant 2 : i32
      %rem3A_35 = arith.remsi %add3A_33, %rem3A_34 : i32
      %dma_start3A = arith.constant 0 : i32
      %dma_start3A_36 = arith.constant 0 : i32
      %dma_start3A_37 = tpu.memref_slice %arg5[%rem3A_31, %dma_start3A, %dma_start3A_36] : memref<2x4x128xi32, #tpu.memory_space<vmem>> -> memref<1x1x128xi32, #tpu.memory_space<vmem>>
      %dma_start3A_38 = tpu.memref_squeeze %dma_start3A_37 : memref<1x1x128xi32, #tpu.memory_space<vmem>> -> memref<128xi32, #tpu.memory_space<vmem>>
      %dma_start3A_39 = arith.constant 0 : i32
      %dma_start3A_40 = arith.constant 0 : i32
      %dma_start3A_41 = tpu.memref_slice %arg6[%dma_start3A_39, %dma_start3A_40] : memref<10240x128xf32, #tpu.memory_space<vmem_shared>> -> memref<10240x128xf32, #tpu.memory_space<vmem_shared>>
      tpu.enqueue_indirect_dma source(%arg4 : memref<128x128xf32, #tpu.memory_space<vmem>>) target(%dma_start3A_41 : memref<10240x128xf32, #tpu.memory_space<vmem_shared>>) offsets(%dma_start3A_38 : memref<128xi32, #tpu.memory_space<vmem>>) semaphore(%arg7 : memref<!tpu.dma_semaphore, #tpu.memory_space<semaphore_mem>>) {add = true}
      %dma_start3A_42 = arith.constant 1 : i32
      %dma_start3A_43 = arith.constant 0 : i32
      %dma_start3A_44 = tpu.memref_slice %arg5[%rem3A_31, %dma_start3A_42, %dma_start3A_43] : memref<2x4x128xi32, #tpu.memory_space<vmem>> -> memref<1x1x128xi32, #tpu.memory_space<vmem>>
      %dma_start3A_45 = tpu.memref_squeeze %dma_start3A_44 : memref<1x1x128xi32, #tpu.memory_space<vmem>> -> memref<128xi32, #tpu.memory_space<vmem>>
      %dma_start3A_46 = arith.constant 0 : i32
      %dma_start3A_47 = arith.constant 0 : i32
      %dma_start3A_48 = tpu.memref_slice %arg6[%dma_start3A_46, %dma_start3A_47] : memref<10240x128xf32, #tpu.memory_space<vmem_shared>> -> memref<10240x128xf32, #tpu.memory_space<vmem_shared>>
      tpu.enqueue_indirect_dma source(%arg4 : memref<128x128xf32, #tpu.memory_space<vmem>>) target(%dma_start3A_48 : memref<10240x128xf32, #tpu.memory_space<vmem_shared>>) offsets(%dma_start3A_45 : memref<128xi32, #tpu.memory_space<vmem>>) semaphore(%arg7 : memref<!tpu.dma_semaphore, #tpu.memory_space<semaphore_mem>>) {add = true}
      %dma_start3A_49 = arith.constant 2 : i32
      %dma_start3A_50 = arith.constant 0 : i32
      %dma_start3A_51 = tpu.memref_slice %arg5[%rem3A_31, %dma_start3A_49, %dma_start3A_50] : memref<2x4x128xi32, #tpu.memory_space<vmem>> -> memref<1x1x128xi32, #tpu.memory_space<vmem>>
      %dma_start3A_52 = tpu.memref_squeeze %dma_start3A_51 : memref<1x1x128xi32, #tpu.memory_space<vmem>> -> memref<128xi32, #tpu.memory_space<vmem>>
      %dma_start3A_53 = arith.constant 0 : i32
      %dma_start3A_54 = arith.constant 0 : i32
      %dma_start3A_55 = tpu.memref_slice %arg6[%dma_start3A_53, %dma_start3A_54] : memref<10240x128xf32, #tpu.memory_space<vmem_shared>> -> memref<10240x128xf32, #tpu.memory_space<vmem_shared>>
      tpu.enqueue_indirect_dma source(%arg4 : memref<128x128xf32, #tpu.memory_space<vmem>>) target(%dma_start3A_55 : memref<10240x128xf32, #tpu.memory_space<vmem_shared>>) offsets(%dma_start3A_52 : memref<128xi32, #tpu.memory_space<vmem>>) semaphore(%arg7 : memref<!tpu.dma_semaphore, #tpu.memory_space<semaphore_mem>>) {add = true}
      %dma_start3A_56 = arith.constant 3 : i32
      %dma_start3A_57 = arith.constant 0 : i32
      %dma_start3A_58 = tpu.memref_slice %arg5[%rem3A_31, %dma_start3A_56, %dma_start3A_57] : memref<2x4x128xi32, #tpu.memory_space<vmem>> -> memref<1x1x128xi32, #tpu.memory_space<vmem>>
      %dma_start3A_59 = tpu.memref_squeeze %dma_start3A_58 : memref<1x1x128xi32, #tpu.memory_space<vmem>> -> memref<128xi32, #tpu.memory_space<vmem>>
      %dma_start3A_60 = arith.constant 0 : i32
      %dma_start3A_61 = arith.constant 0 : i32
      %dma_start3A_62 = tpu.memref_slice %arg6[%dma_start3A_60, %dma_start3A_61] : memref<10240x128xf32, #tpu.memory_space<vmem_shared>> -> memref<10240x128xf32, #tpu.memory_space<vmem_shared>>
      tpu.enqueue_indirect_dma source(%arg4 : memref<128x128xf32, #tpu.memory_space<vmem>>) target(%dma_start3A_62 : memref<10240x128xf32, #tpu.memory_space<vmem_shared>>) offsets(%dma_start3A_59 : memref<128xi32, #tpu.memory_space<vmem>>) semaphore(%arg7 : memref<!tpu.dma_semaphore, #tpu.memory_space<semaphore_mem>>) {add = true}
      %add3A_63 = arith.constant 1 : i32
      %add3A_64 = arith.addi %add3A_30, %add3A_63 : i32
      %lt3A = arith.constant 20 : i32
      %lt3A_65 = arith.cmpi slt, %add3A_64, %lt3A : i32
      %convert_element_type3A = arith.extui %lt3A_65 : i1 to i32
      %cond3A = arith.constant 0 : i32
      %cond3A_66 = arith.cmpi ne, %convert_element_type3A, %cond3A : i32
      scf.if %cond3A_66 {
        %add3A_94 = arith.constant 1 : i32
        %add3A_95 = arith.addi %add3A_30, %add3A_94 : i32
        %mul3A_96 = arith.constant 4 : i32
        %mul3A_97 = arith.muli %add3A_95, %mul3A_96 : i32
        %add3A_98 = arith.addi %mul3A_12, %mul3A_97 : i32
        "tpu.region"() ({
          %run_scoped3A_99 = tpu.sem_alloc : memref<!tpu.dma_semaphore, #tpu.memory_space<semaphore_mem>>
          %dma_start3A_100 = arith.constant 0 : i32
          %dma_start3A_101 = arith.constant 0 : i32
          %dma_start3A_102 = tpu.memref_slice %arg5[%rem3A_35, %dma_start3A_100, %dma_start3A_101] : memref<2x4x128xi32, #tpu.memory_space<vmem>> -> memref<1x4x128xi32, #tpu.memory_space<vmem>>
          %dma_start3A_103 = tpu.memref_squeeze %dma_start3A_102 : memref<1x4x128xi32, #tpu.memory_space<vmem>> -> memref<4x128xi32, #tpu.memory_space<vmem>>
          %dma_start3A_104 = arith.constant 0 : i32
          %dma_start3A_105 = tpu.memref_slice %arg2[%add3A_98, %dma_start3A_104] : memref<2560x128xi32, #tpu.memory_space<hbm>> -> memref<4x128xi32, #tpu.memory_space<hbm>>
          %dma_start3A_106 = arith.constant 0 : i32
          %dma_start3A_107 = arith.constant 0 : i32
          %dma_start3A_108 = tpu.memref_slice %arg5[%rem3A_35, %dma_start3A_106, %dma_start3A_107] : memref<2x4x128xi32, #tpu.memory_space<vmem>> -> memref<1x4x128xi32, #tpu.memory_space<vmem>>
          %dma_start3A_109 = tpu.memref_squeeze %dma_start3A_108 : memref<1x4x128xi32, #tpu.memory_space<vmem>> -> memref<4x128xi32, #tpu.memory_space<vmem>>
          %dma_start3A_110 = arith.constant 0 : i32
          %dma_start3A_111 = tpu.memref_slice %arg2[%add3A_98, %dma_start3A_110] : memref<2560x128xi32, #tpu.memory_space<hbm>> -> memref<4x128xi32, #tpu.memory_space<hbm>>
          tpu.enqueue_dma source(%dma_start3A_111 : memref<4x128xi32, #tpu.memory_space<hbm>>) target(%dma_start3A_109 : memref<4x128xi32, #tpu.memory_space<vmem>>) target_semaphore(%run_scoped3A_99 : memref<!tpu.dma_semaphore, #tpu.memory_space<semaphore_mem>>)
          %dma_wait3A_112 = arith.constant 0 : i32
          %dma_wait3A_113 = arith.constant 0 : i32
          %dma_wait3A_114 = tpu.memref_slice %arg5[%rem3A_35, %dma_wait3A_112, %dma_wait3A_113] : memref<2x4x128xi32, #tpu.memory_space<vmem>> -> memref<1x4x128xi32, #tpu.memory_space<vmem>>
          %dma_wait3A_115 = tpu.memref_squeeze %dma_wait3A_114 : memref<1x4x128xi32, #tpu.memory_space<vmem>> -> memref<4x128xi32, #tpu.memory_space<vmem>>
          %dma_wait3A_116 = arith.constant 0 : i32
          %dma_wait3A_117 = tpu.memref_slice %arg2[%add3A_98, %dma_wait3A_116] : memref<2560x128xi32, #tpu.memory_space<hbm>> -> memref<4x128xi32, #tpu.memory_space<hbm>>
          %dma_wait3A_118 = arith.constant 0 : i32
          %dma_wait3A_119 = arith.constant 0 : i32
          %dma_wait3A_120 = tpu.memref_slice %arg5[%rem3A_35, %dma_wait3A_118, %dma_wait3A_119] : memref<2x4x128xi32, #tpu.memory_space<vmem>> -> memref<1x4x128xi32, #tpu.memory_space<vmem>>
          %dma_wait3A_121 = tpu.memref_squeeze %dma_wait3A_120 : memref<1x4x128xi32, #tpu.memory_space<vmem>> -> memref<4x128xi32, #tpu.memory_space<vmem>>
          %dma_wait3A_122 = arith.constant 0 : i32
          %dma_wait3A_123 = tpu.memref_slice %arg2[%add3A_98, %dma_wait3A_122] : memref<2560x128xi32, #tpu.memory_space<hbm>> -> memref<4x128xi32, #tpu.memory_space<hbm>>
          tpu.wait_dma2 semaphore(%run_scoped3A_99 : memref<!tpu.dma_semaphore, #tpu.memory_space<semaphore_mem>>) src(%dma_wait3A_123 : memref<4x128xi32, #tpu.memory_space<hbm>>) dst(%dma_wait3A_121 : memref<4x128xi32, #tpu.memory_space<vmem>>)
          tpu.yield
        }) : () -> ()
      } else {
      }
      %dma_wait3A = arith.constant 0 : i32
      %dma_wait3A_67 = arith.constant 0 : i32
      %dma_wait3A_68 = tpu.memref_slice %arg5[%rem3A_31, %dma_wait3A, %dma_wait3A_67] : memref<2x4x128xi32, #tpu.memory_space<vmem>> -> memref<1x1x128xi32, #tpu.memory_space<vmem>>
      %dma_wait3A_69 = tpu.memref_squeeze %dma_wait3A_68 : memref<1x1x128xi32, #tpu.memory_space<vmem>> -> memref<128xi32, #tpu.memory_space<vmem>>
      %dma_wait3A_70 = arith.constant 0 : i32
      %dma_wait3A_71 = arith.constant 0 : i32
      %dma_wait3A_72 = tpu.memref_slice %arg6[%dma_wait3A_70, %dma_wait3A_71] : memref<10240x128xf32, #tpu.memory_space<vmem_shared>> -> memref<10240x128xf32, #tpu.memory_space<vmem_shared>>
      tpu.wait_indirect_dma semaphore(%arg7 : memref<!tpu.dma_semaphore, #tpu.memory_space<semaphore_mem>>) src(%arg4 : memref<128x128xf32, #tpu.memory_space<vmem>>) dst(%dma_wait3A_72 : memref<10240x128xf32, #tpu.memory_space<vmem_shared>>)
      %dma_wait3A_73 = arith.constant 1 : i32
      %dma_wait3A_74 = arith.constant 0 : i32
      %dma_wait3A_75 = tpu.memref_slice %arg5[%rem3A_31, %dma_wait3A_73, %dma_wait3A_74] : memref<2x4x128xi32, #tpu.memory_space<vmem>> -> memref<1x1x128xi32, #tpu.memory_space<vmem>>
      %dma_wait3A_76 = tpu.memref_squeeze %dma_wait3A_75 : memref<1x1x128xi32, #tpu.memory_space<vmem>> -> memref<128xi32, #tpu.memory_space<vmem>>
      %dma_wait3A_77 = arith.constant 0 : i32
      %dma_wait3A_78 = arith.constant 0 : i32
      %dma_wait3A_79 = tpu.memref_slice %arg6[%dma_wait3A_77, %dma_wait3A_78] : memref<10240x128xf32, #tpu.memory_space<vmem_shared>> -> memref<10240x128xf32, #tpu.memory_space<vmem_shared>>
      tpu.wait_indirect_dma semaphore(%arg7 : memref<!tpu.dma_semaphore, #tpu.memory_space<semaphore_mem>>) src(%arg4 : memref<128x128xf32, #tpu.memory_space<vmem>>) dst(%dma_wait3A_79 : memref<10240x128xf32, #tpu.memory_space<vmem_shared>>)
      %dma_wait3A_80 = arith.constant 2 : i32
      %dma_wait3A_81 = arith.constant 0 : i32
      %dma_wait3A_82 = tpu.memref_slice %arg5[%rem3A_31, %dma_wait3A_80, %dma_wait3A_81] : memref<2x4x128xi32, #tpu.memory_space<vmem>> -> memref<1x1x128xi32, #tpu.memory_space<vmem>>
      %dma_wait3A_83 = tpu.memref_squeeze %dma_wait3A_82 : memref<1x1x128xi32, #tpu.memory_space<vmem>> -> memref<128xi32, #tpu.memory_space<vmem>>
      %dma_wait3A_84 = arith.constant 0 : i32
      %dma_wait3A_85 = arith.constant 0 : i32
      %dma_wait3A_86 = tpu.memref_slice %arg6[%dma_wait3A_84, %dma_wait3A_85] : memref<10240x128xf32, #tpu.memory_space<vmem_shared>> -> memref<10240x128xf32, #tpu.memory_space<vmem_shared>>
      tpu.wait_indirect_dma semaphore(%arg7 : memref<!tpu.dma_semaphore, #tpu.memory_space<semaphore_mem>>) src(%arg4 : memref<128x128xf32, #tpu.memory_space<vmem>>) dst(%dma_wait3A_86 : memref<10240x128xf32, #tpu.memory_space<vmem_shared>>)
      %dma_wait3A_87 = arith.constant 3 : i32
      %dma_wait3A_88 = arith.constant 0 : i32
      %dma_wait3A_89 = tpu.memref_slice %arg5[%rem3A_31, %dma_wait3A_87, %dma_wait3A_88] : memref<2x4x128xi32, #tpu.memory_space<vmem>> -> memref<1x1x128xi32, #tpu.memory_space<vmem>>
      %dma_wait3A_90 = tpu.memref_squeeze %dma_wait3A_89 : memref<1x1x128xi32, #tpu.memory_space<vmem>> -> memref<128xi32, #tpu.memory_space<vmem>>
      %dma_wait3A_91 = arith.constant 0 : i32
      %dma_wait3A_92 = arith.constant 0 : i32
      %dma_wait3A_93 = tpu.memref_slice %arg6[%dma_wait3A_91, %dma_wait3A_92] : memref<10240x128xf32, #tpu.memory_space<vmem_shared>> -> memref<10240x128xf32, #tpu.memory_space<vmem_shared>>
      tpu.wait_indirect_dma semaphore(%arg7 : memref<!tpu.dma_semaphore, #tpu.memory_space<semaphore_mem>>) src(%arg4 : memref<128x128xf32, #tpu.memory_space<vmem>>) dst(%dma_wait3A_93 : memref<10240x128xf32, #tpu.memory_space<vmem_shared>>)
    }
    %scan3A_17 = arith.constant 20 : i32
    %barrier3A_18 = arith.constant 0 : index
    tpu.barrier barrier_id(%barrier3A_18)
    %mul3A_19 = arith.constant 640 : i32
    %mul3A_20 = arith.muli %arg1, %mul3A_19 : i32
    %mul3A_21 = arith.constant 10240 : i32
    %mul3A_22 = arith.muli %arg0, %mul3A_21 : i32
    %mul3A_23 = arith.constant 640 : i32
    %mul3A_24 = arith.muli %arg1, %mul3A_23 : i32
    %add3A_25 = arith.addi %mul3A_22, %mul3A_24 : i32
    "tpu.region"() ({
      %run_scoped3A_26 = tpu.sem_alloc : memref<!tpu.dma_semaphore, #tpu.memory_space<semaphore_mem>>
      %dma_start3A = arith.constant 0 : i32
      %dma_start3A_27 = tpu.memref_slice %arg3[%add3A_25, %dma_start3A] : memref<20480x128xf32, #tpu.memory_space<hbm>> -> memref<640x128xf32, #tpu.memory_space<hbm>>
      %dma_start3A_28 = arith.constant 0 : i32
      %dma_start3A_29 = tpu.memref_slice %arg6[%mul3A_20, %dma_start3A_28] : memref<10240x128xf32, #tpu.memory_space<vmem_shared>> -> memref<640x128xf32, #tpu.memory_space<vmem_shared>>
      tpu.enqueue_dma source(%dma_start3A_29 : memref<640x128xf32, #tpu.memory_space<vmem_shared>>) target(%dma_start3A_27 : memref<640x128xf32, #tpu.memory_space<hbm>>) target_semaphore(%run_scoped3A_26 : memref<!tpu.dma_semaphore, #tpu.memory_space<semaphore_mem>>)
      %dma_wait3A = arith.constant 0 : i32
      %dma_wait3A_30 = tpu.memref_slice %arg3[%add3A_25, %dma_wait3A] : memref<20480x128xf32, #tpu.memory_space<hbm>> -> memref<640x128xf32, #tpu.memory_space<hbm>>
      %dma_wait3A_31 = arith.constant 0 : i32
      %dma_wait3A_32 = tpu.memref_slice %arg6[%mul3A_20, %dma_wait3A_31] : memref<10240x128xf32, #tpu.memory_space<vmem_shared>> -> memref<640x128xf32, #tpu.memory_space<vmem_shared>>
      tpu.wait_dma2 semaphore(%run_scoped3A_26 : memref<!tpu.dma_semaphore, #tpu.memory_space<semaphore_mem>>) src(%dma_wait3A_32 : memref<640x128xf32, #tpu.memory_space<vmem_shared>>) dst(%dma_wait3A_30 : memref<640x128xf32, #tpu.memory_space<hbm>>)
      tpu.yield
    }) : () -> ()
    return
  }
}

#map = affine_map<(d0, d1) -> (0, 0)>
module attributes {stable_mosaic.version = 14 : i64} {
  func.func @_conv_body(%arg0: i32, %arg1: i32, %arg2: memref<20480x128xf32, #tpu.memory_space<hbm>>, %arg3: memref<5120x128xi32, #tpu.memory_space<hbm>>, %arg4: memref<2560x128xi32, #tpu.memory_space<hbm>>, %arg5: memref<20480x128xf32, #tpu.memory_space<hbm>>, %arg6: memref<2x2x128xi32, #tpu.memory_space<vmem>>, %arg7: memref<2x2x128xi32, #tpu.memory_space<vmem>>, %arg8: memref<2x128x128xf32, #tpu.memory_space<vmem>>, %arg9: memref<10240x128xf32, #tpu.memory_space<vmem_shared>>, %arg10: memref<2x!tpu.dma_semaphore, #tpu.memory_space<semaphore_mem>>, %arg11: memref<2x!tpu.dma_semaphore, #tpu.memory_space<semaphore_mem>>) attributes {dimension_semantics = [#tpu.dimension_semantics<core_parallel>, #tpu.dimension_semantics<subcore_parallel>], iteration_bounds = array<i64: 2, 16>, scalar_prefetch = 0 : i64, scratch_operands = 6 : i64, tpu.core_type = #tpu.core_type<sc_vector_subcore>, window_params = [{transform_indices = #map}, {transform_indices = #map}, {transform_indices = #map}, {transform_indices = #map}]} {
    %mul3A = arith.constant 10240 : i32
    %mul3A_0 = arith.muli %arg0, %mul3A : i32
    %mul3A_1 = arith.constant 640 : i32
    %mul3A_2 = arith.muli %arg1, %mul3A_1 : i32
    %add3A = arith.addi %mul3A_0, %mul3A_2 : i32
    %mul3A_3 = arith.constant 640 : i32
    %mul3A_4 = arith.muli %arg1, %mul3A_3 : i32
    "tpu.region"() ({
      %run_scoped3A_71 = tpu.sem_alloc : memref<!tpu.dma_semaphore, #tpu.memory_space<semaphore_mem>>
      %dma_start3A_72 = arith.constant 0 : i32
      %dma_start3A_73 = tpu.memref_slice %arg9[%mul3A_4, %dma_start3A_72] : memref<10240x128xf32, #tpu.memory_space<vmem_shared>> -> memref<640x128xf32, #tpu.memory_space<vmem_shared>>
      %dma_start3A_74 = arith.constant 0 : i32
      %dma_start3A_75 = tpu.memref_slice %arg2[%add3A, %dma_start3A_74] : memref<20480x128xf32, #tpu.memory_space<hbm>> -> memref<640x128xf32, #tpu.memory_space<hbm>>
      tpu.enqueue_dma source(%dma_start3A_75 : memref<640x128xf32, #tpu.memory_space<hbm>>) target(%dma_start3A_73 : memref<640x128xf32, #tpu.memory_space<vmem_shared>>) target_semaphore(%run_scoped3A_71 : memref<!tpu.dma_semaphore, #tpu.memory_space<semaphore_mem>>)
      %dma_wait3A_76 = arith.constant 0 : i32
      %dma_wait3A_77 = tpu.memref_slice %arg9[%mul3A_4, %dma_wait3A_76] : memref<10240x128xf32, #tpu.memory_space<vmem_shared>> -> memref<640x128xf32, #tpu.memory_space<vmem_shared>>
      %dma_wait3A_78 = arith.constant 0 : i32
      %dma_wait3A_79 = tpu.memref_slice %arg2[%add3A, %dma_wait3A_78] : memref<20480x128xf32, #tpu.memory_space<hbm>> -> memref<640x128xf32, #tpu.memory_space<hbm>>
      tpu.wait_dma2 semaphore(%run_scoped3A_71 : memref<!tpu.dma_semaphore, #tpu.memory_space<semaphore_mem>>) src(%dma_wait3A_79 : memref<640x128xf32, #tpu.memory_space<hbm>>) dst(%dma_wait3A_77 : memref<640x128xf32, #tpu.memory_space<vmem_shared>>)
      tpu.yield
    }) : () -> ()
    %barrier3A = arith.constant 0 : index
    tpu.barrier barrier_id(%barrier3A)
    %mul3A_5 = arith.constant 2560 : i32
    %mul3A_6 = arith.muli %arg0, %mul3A_5 : i32
    %mul3A_7 = arith.constant 160 : i32
    %mul3A_8 = arith.muli %arg1, %mul3A_7 : i32
    %add3A_9 = arith.addi %mul3A_6, %mul3A_8 : i32
    %mul3A_10 = arith.constant 160 : i32
    %mul3A_11 = arith.muli %arg1, %mul3A_10 : i32
    %run_scoped3A = arith.constant 0 : i32
    "tpu.region"() ({
      %run_scoped3A_71 = tpu.sem_alloc : memref<!tpu.dma_semaphore, #tpu.memory_space<semaphore_mem>>
      %dma_start3A_72 = arith.constant 0 : i32
      %dma_start3A_73 = arith.constant 0 : i32
      %dma_start3A_74 = tpu.memref_slice %arg6[%run_scoped3A, %dma_start3A_72, %dma_start3A_73] : memref<2x2x128xi32, #tpu.memory_space<vmem>> -> memref<1x2x128xi32, #tpu.memory_space<vmem>>
      %dma_start3A_75 = tpu.memref_squeeze %dma_start3A_74 : memref<1x2x128xi32, #tpu.memory_space<vmem>> -> memref<2x128xi32, #tpu.memory_space<vmem>>
      %dma_start3A_76 = arith.constant 0 : i32
      %dma_start3A_77 = tpu.memref_slice %arg3[%add3A_9, %dma_start3A_76] : memref<5120x128xi32, #tpu.memory_space<hbm>> -> memref<2x128xi32, #tpu.memory_space<hbm>>
      %dma_start3A_78 = arith.constant 0 : i32
      %dma_start3A_79 = arith.constant 0 : i32
      %dma_start3A_80 = tpu.memref_slice %arg6[%run_scoped3A, %dma_start3A_78, %dma_start3A_79] : memref<2x2x128xi32, #tpu.memory_space<vmem>> -> memref<1x2x128xi32, #tpu.memory_space<vmem>>
      %dma_start3A_81 = tpu.memref_squeeze %dma_start3A_80 : memref<1x2x128xi32, #tpu.memory_space<vmem>> -> memref<2x128xi32, #tpu.memory_space<vmem>>
      %dma_start3A_82 = arith.constant 0 : i32
      %dma_start3A_83 = tpu.memref_slice %arg3[%add3A_9, %dma_start3A_82] : memref<5120x128xi32, #tpu.memory_space<hbm>> -> memref<2x128xi32, #tpu.memory_space<hbm>>
      tpu.enqueue_dma source(%dma_start3A_83 : memref<2x128xi32, #tpu.memory_space<hbm>>) target(%dma_start3A_81 : memref<2x128xi32, #tpu.memory_space<vmem>>) target_semaphore(%run_scoped3A_71 : memref<!tpu.dma_semaphore, #tpu.memory_space<semaphore_mem>>)
      %dma_wait3A_84 = arith.constant 0 : i32
      %dma_wait3A_85 = arith.constant 0 : i32
      %dma_wait3A_86 = tpu.memref_slice %arg6[%run_scoped3A, %dma_wait3A_84, %dma_wait3A_85] : memref<2x2x128xi32, #tpu.memory_space<vmem>> -> memref<1x2x128xi32, #tpu.memory_space<vmem>>
      %dma_wait3A_87 = tpu.memref_squeeze %dma_wait3A_86 : memref<1x2x128xi32, #tpu.memory_space<vmem>> -> memref<2x128xi32, #tpu.memory_space<vmem>>
      %dma_wait3A_88 = arith.constant 0 : i32
      %dma_wait3A_89 = tpu.memref_slice %arg3[%add3A_9, %dma_wait3A_88] : memref<5120x128xi32, #tpu.memory_space<hbm>> -> memref<2x128xi32, #tpu.memory_space<hbm>>
      %dma_wait3A_90 = arith.constant 0 : i32
      %dma_wait3A_91 = arith.constant 0 : i32
      %dma_wait3A_92 = tpu.memref_slice %arg6[%run_scoped3A, %dma_wait3A_90, %dma_wait3A_91] : memref<2x2x128xi32, #tpu.memory_space<vmem>> -> memref<1x2x128xi32, #tpu.memory_space<vmem>>
      %dma_wait3A_93 = tpu.memref_squeeze %dma_wait3A_92 : memref<1x2x128xi32, #tpu.memory_space<vmem>> -> memref<2x128xi32, #tpu.memory_space<vmem>>
      %dma_wait3A_94 = arith.constant 0 : i32
      %dma_wait3A_95 = tpu.memref_slice %arg3[%add3A_9, %dma_wait3A_94] : memref<5120x128xi32, #tpu.memory_space<hbm>> -> memref<2x128xi32, #tpu.memory_space<hbm>>
      tpu.wait_dma2 semaphore(%run_scoped3A_71 : memref<!tpu.dma_semaphore, #tpu.memory_space<semaphore_mem>>) src(%dma_wait3A_95 : memref<2x128xi32, #tpu.memory_space<hbm>>) dst(%dma_wait3A_93 : memref<2x128xi32, #tpu.memory_space<vmem>>)
      tpu.yield
    }) : () -> ()
    %run_scoped3A_12 = arith.constant 0 : i32
    "tpu.region"() ({
      %run_scoped3A_71 = tpu.sem_alloc : memref<!tpu.dma_semaphore, #tpu.memory_space<semaphore_mem>>
      %dma_start3A_72 = arith.constant 0 : i32
      %dma_start3A_73 = arith.constant 0 : i32
      %dma_start3A_74 = tpu.memref_slice %arg7[%run_scoped3A_12, %dma_start3A_72, %dma_start3A_73] : memref<2x2x128xi32, #tpu.memory_space<vmem>> -> memref<1x2x128xi32, #tpu.memory_space<vmem>>
      %dma_start3A_75 = tpu.memref_squeeze %dma_start3A_74 : memref<1x2x128xi32, #tpu.memory_space<vmem>> -> memref<2x128xi32, #tpu.memory_space<vmem>>
      %dma_start3A_76 = arith.constant 0 : i32
      %dma_start3A_77 = tpu.memref_slice %arg4[%mul3A_11, %dma_start3A_76] : memref<2560x128xi32, #tpu.memory_space<hbm>> -> memref<2x128xi32, #tpu.memory_space<hbm>>
      %dma_start3A_78 = arith.constant 0 : i32
      %dma_start3A_79 = arith.constant 0 : i32
      %dma_start3A_80 = tpu.memref_slice %arg7[%run_scoped3A_12, %dma_start3A_78, %dma_start3A_79] : memref<2x2x128xi32, #tpu.memory_space<vmem>> -> memref<1x2x128xi32, #tpu.memory_space<vmem>>
      %dma_start3A_81 = tpu.memref_squeeze %dma_start3A_80 : memref<1x2x128xi32, #tpu.memory_space<vmem>> -> memref<2x128xi32, #tpu.memory_space<vmem>>
      %dma_start3A_82 = arith.constant 0 : i32
      %dma_start3A_83 = tpu.memref_slice %arg4[%mul3A_11, %dma_start3A_82] : memref<2560x128xi32, #tpu.memory_space<hbm>> -> memref<2x128xi32, #tpu.memory_space<hbm>>
      tpu.enqueue_dma source(%dma_start3A_83 : memref<2x128xi32, #tpu.memory_space<hbm>>) target(%dma_start3A_81 : memref<2x128xi32, #tpu.memory_space<vmem>>) target_semaphore(%run_scoped3A_71 : memref<!tpu.dma_semaphore, #tpu.memory_space<semaphore_mem>>)
      %dma_wait3A_84 = arith.constant 0 : i32
      %dma_wait3A_85 = arith.constant 0 : i32
      %dma_wait3A_86 = tpu.memref_slice %arg7[%run_scoped3A_12, %dma_wait3A_84, %dma_wait3A_85] : memref<2x2x128xi32, #tpu.memory_space<vmem>> -> memref<1x2x128xi32, #tpu.memory_space<vmem>>
      %dma_wait3A_87 = tpu.memref_squeeze %dma_wait3A_86 : memref<1x2x128xi32, #tpu.memory_space<vmem>> -> memref<2x128xi32, #tpu.memory_space<vmem>>
      %dma_wait3A_88 = arith.constant 0 : i32
      %dma_wait3A_89 = tpu.memref_slice %arg4[%mul3A_11, %dma_wait3A_88] : memref<2560x128xi32, #tpu.memory_space<hbm>> -> memref<2x128xi32, #tpu.memory_space<hbm>>
      %dma_wait3A_90 = arith.constant 0 : i32
      %dma_wait3A_91 = arith.constant 0 : i32
      %dma_wait3A_92 = tpu.memref_slice %arg7[%run_scoped3A_12, %dma_wait3A_90, %dma_wait3A_91] : memref<2x2x128xi32, #tpu.memory_space<vmem>> -> memref<1x2x128xi32, #tpu.memory_space<vmem>>
      %dma_wait3A_93 = tpu.memref_squeeze %dma_wait3A_92 : memref<1x2x128xi32, #tpu.memory_space<vmem>> -> memref<2x128xi32, #tpu.memory_space<vmem>>
      %dma_wait3A_94 = arith.constant 0 : i32
      %dma_wait3A_95 = tpu.memref_slice %arg4[%mul3A_11, %dma_wait3A_94] : memref<2560x128xi32, #tpu.memory_space<hbm>> -> memref<2x128xi32, #tpu.memory_space<hbm>>
      tpu.wait_dma2 semaphore(%run_scoped3A_71 : memref<!tpu.dma_semaphore, #tpu.memory_space<semaphore_mem>>) src(%dma_wait3A_95 : memref<2x128xi32, #tpu.memory_space<hbm>>) dst(%dma_wait3A_93 : memref<2x128xi32, #tpu.memory_space<vmem>>)
      tpu.yield
    }) : () -> ()
    %dma_start3A = arith.constant 0 : i32
    %dma_start3A_13 = arith.constant 0 : i32
    %dma_start3A_14 = arith.constant 0 : i32
    %dma_start3A_15 = arith.constant 0 : i32
    %dma_start3A_16 = arith.constant 0 : i32
    %dma_start3A_17 = arith.constant 0 : i32
    %dma_start3A_18 = tpu.memref_slice %arg8[%dma_start3A_14, %dma_start3A_16, %dma_start3A_17] : memref<2x128x128xf32, #tpu.memory_space<vmem>> -> memref<1x128x128xf32, #tpu.memory_space<vmem>>
    %dma_start3A_19 = tpu.memref_squeeze %dma_start3A_18 : memref<1x128x128xf32, #tpu.memory_space<vmem>> -> memref<128x128xf32, #tpu.memory_space<vmem>>
    %dma_start3A_20 = arith.constant 0 : i32
    %dma_start3A_21 = tpu.memref_slice %arg6[%dma_start3A, %dma_start3A_13, %dma_start3A_20] : memref<2x2x128xi32, #tpu.memory_space<vmem>> -> memref<1x1x128xi32, #tpu.memory_space<vmem>>
    %dma_start3A_22 = tpu.memref_squeeze %dma_start3A_21 : memref<1x1x128xi32, #tpu.memory_space<vmem>> -> memref<128xi32, #tpu.memory_space<vmem>>
    %dma_start3A_23 = arith.constant 0 : i32
    %dma_start3A_24 = arith.constant 0 : i32
    %dma_start3A_25 = tpu.memref_slice %arg2[%dma_start3A_23, %dma_start3A_24] : memref<20480x128xf32, #tpu.memory_space<hbm>> -> memref<20480x128xf32, #tpu.memory_space<hbm>>
    %dma_start3A_26 = tpu.memref_slice %arg10[%dma_start3A_15] : memref<2x!tpu.dma_semaphore, #tpu.memory_space<semaphore_mem>> -> memref<1x!tpu.dma_semaphore, #tpu.memory_space<semaphore_mem>>
    %dma_start3A_27 = tpu.memref_squeeze %dma_start3A_26 : memref<1x!tpu.dma_semaphore, #tpu.memory_space<semaphore_mem>> -> memref<!tpu.dma_semaphore, #tpu.memory_space<semaphore_mem>>
    tpu.enqueue_indirect_dma source(%dma_start3A_25 : memref<20480x128xf32, #tpu.memory_space<hbm>>) target(%dma_start3A_19 : memref<128x128xf32, #tpu.memory_space<vmem>>) offsets(%dma_start3A_22 : memref<128xi32, #tpu.memory_space<vmem>>) semaphore(%dma_start3A_27 : memref<!tpu.dma_semaphore, #tpu.memory_space<semaphore_mem>>)
    %scan3A = arith.constant 0 : i32
    %scan3A_28 = arith.constant 80 : i32
    %scan3A_29 = arith.addi %scan3A, %scan3A_28 : i32
    %scan3A_30 = arith.constant 1 : i32
    scf.for %scan3A_71 = %scan3A to %scan3A_29 step %scan3A_30  : i32 {
      %mul3A_72 = arith.constant 2 : i32
      %mul3A_73 = arith.muli %scan3A_71, %mul3A_72 : i32
      %add3A_74 = arith.constant 0 : i32
      %add3A_75 = arith.addi %add3A_74, %mul3A_73 : i32
      %jit3A = arith.constant 2 : i32
      %div3A = arith.divsi %add3A_75, %jit3A : i32
      %sign3A = arith.constant 0 : i32
      %sign3A_76 = arith.cmpi sgt, %add3A_75, %sign3A : i32
      %sign3A_77 = arith.extui %sign3A_76 : i1 to i32
      %sign3A_78 = arith.constant 0 : i32
      %sign3A_79 = arith.cmpi slt, %add3A_75, %sign3A_78 : i32
      %sign3A_80 = arith.extui %sign3A_79 : i1 to i32
      %sign3A_81 = arith.subi %sign3A_77, %sign3A_80 : i32
      %sign3A_82 = arith.constant 0 : i32
      %sign3A_83 = arith.cmpi sgt, %jit3A, %sign3A_82 : i32
      %sign3A_84 = arith.extui %sign3A_83 : i1 to i32
      %sign3A_85 = arith.constant 0 : i32
      %sign3A_86 = arith.cmpi slt, %jit3A, %sign3A_85 : i32
      %sign3A_87 = arith.extui %sign3A_86 : i1 to i32
      %sign3A_88 = arith.subi %sign3A_84, %sign3A_87 : i32
      %ne3A = arith.cmpi ne, %sign3A_81, %sign3A_88 : i32
      %rem3A = arith.remsi %add3A_75, %jit3A : i32
      %ne3A_89 = arith.constant 0 : i32
      %ne3A_90 = arith.cmpi ne, %rem3A, %ne3A_89 : i32
      %and3A = arith.andi %ne3A, %ne3A_90 : i1
      %sub3A = arith.constant 1 : i32
      %sub3A_91 = arith.subi %div3A, %sub3A : i32
      %select_n3A = arith.select %and3A, %sub3A_91, %div3A : i32
      %rem3A_92 = arith.constant 2 : i32
      %rem3A_93 = arith.remsi %select_n3A, %rem3A_92 : i32
      %jit3A_94 = arith.constant 2 : i32
      %div3A_95 = arith.divsi %add3A_75, %jit3A_94 : i32
      %sign3A_96 = arith.constant 0 : i32
      %sign3A_97 = arith.cmpi sgt, %add3A_75, %sign3A_96 : i32
      %sign3A_98 = arith.extui %sign3A_97 : i1 to i32
      %sign3A_99 = arith.constant 0 : i32
      %sign3A_100 = arith.cmpi slt, %add3A_75, %sign3A_99 : i32
      %sign3A_101 = arith.extui %sign3A_100 : i1 to i32
      %sign3A_102 = arith.subi %sign3A_98, %sign3A_101 : i32
      %sign3A_103 = arith.constant 0 : i32
      %sign3A_104 = arith.cmpi sgt, %jit3A_94, %sign3A_103 : i32
      %sign3A_105 = arith.extui %sign3A_104 : i1 to i32
      %sign3A_106 = arith.constant 0 : i32
      %sign3A_107 = arith.cmpi slt, %jit3A_94, %sign3A_106 : i32
      %sign3A_108 = arith.extui %sign3A_107 : i1 to i32
      %sign3A_109 = arith.subi %sign3A_105, %sign3A_108 : i32
      %ne3A_110 = arith.cmpi ne, %sign3A_102, %sign3A_109 : i32
      %rem3A_111 = arith.remsi %add3A_75, %jit3A_94 : i32
      %ne3A_112 = arith.constant 0 : i32
      %ne3A_113 = arith.cmpi ne, %rem3A_111, %ne3A_112 : i32
      %and3A_114 = arith.andi %ne3A_110, %ne3A_113 : i1
      %sub3A_115 = arith.constant 1 : i32
      %sub3A_116 = arith.subi %div3A_95, %sub3A_115 : i32
      %select_n3A_117 = arith.select %and3A_114, %sub3A_116, %div3A_95 : i32
      %add3A_118 = arith.constant 1 : i32
      %add3A_119 = arith.addi %select_n3A_117, %add3A_118 : i32
      %rem3A_120 = arith.constant 2 : i32
      %rem3A_121 = arith.remsi %add3A_119, %rem3A_120 : i32
      %add3A_122 = arith.constant 0 : i32
      %add3A_123 = arith.addi %add3A_75, %add3A_122 : i32
      %add3A_124 = arith.constant 1 : i32
      %add3A_125 = arith.addi %add3A_123, %add3A_124 : i32
      %lt3A = arith.constant 160 : i32
      %lt3A_126 = arith.cmpi slt, %add3A_125, %lt3A : i32
      %convert_element_type3A = arith.extui %lt3A_126 : i1 to i32
      %cond3A = arith.constant 0 : i32
      %cond3A_127 = arith.cmpi ne, %convert_element_type3A, %cond3A : i32
      scf.if %cond3A_127 {
        %gt3A = arith.constant 0 : i32
        %gt3A_197 = arith.cmpi sgt, %add3A_75, %gt3A : i32
        %convert_element_type3A_198 = arith.extui %gt3A_197 : i1 to i32
        %cond3A_199 = arith.constant 0 : i32
        %cond3A_200 = arith.cmpi ne, %convert_element_type3A_198, %cond3A_199 : i32
        scf.if %cond3A_200 {
          %dma_wait3A_216 = arith.constant 1 : i32
          %dma_wait3A_217 = arith.constant 1 : i32
          %dma_wait3A_218 = arith.constant 1 : i32
          %dma_wait3A_219 = arith.constant 0 : i32
          %dma_wait3A_220 = arith.constant 0 : i32
          %dma_wait3A_221 = tpu.memref_slice %arg8[%dma_wait3A_216, %dma_wait3A_219, %dma_wait3A_220] : memref<2x128x128xf32, #tpu.memory_space<vmem>> -> memref<1x128x128xf32, #tpu.memory_space<vmem>>
          %dma_wait3A_222 = tpu.memref_squeeze %dma_wait3A_221 : memref<1x128x128xf32, #tpu.memory_space<vmem>> -> memref<128x128xf32, #tpu.memory_space<vmem>>
          %dma_wait3A_223 = arith.constant 0 : i32
          %dma_wait3A_224 = tpu.memref_slice %arg7[%rem3A_121, %dma_wait3A_217, %dma_wait3A_223] : memref<2x2x128xi32, #tpu.memory_space<vmem>> -> memref<1x1x128xi32, #tpu.memory_space<vmem>>
          %dma_wait3A_225 = tpu.memref_squeeze %dma_wait3A_224 : memref<1x1x128xi32, #tpu.memory_space<vmem>> -> memref<128xi32, #tpu.memory_space<vmem>>
          %dma_wait3A_226 = arith.constant 0 : i32
          %dma_wait3A_227 = arith.constant 0 : i32
          %dma_wait3A_228 = tpu.memref_slice %arg9[%dma_wait3A_226, %dma_wait3A_227] : memref<10240x128xf32, #tpu.memory_space<vmem_shared>> -> memref<10240x128xf32, #tpu.memory_space<vmem_shared>>
          %dma_wait3A_229 = tpu.memref_slice %arg11[%dma_wait3A_218] : memref<2x!tpu.dma_semaphore, #tpu.memory_space<semaphore_mem>> -> memref<1x!tpu.dma_semaphore, #tpu.memory_space<semaphore_mem>>
          %dma_wait3A_230 = tpu.memref_squeeze %dma_wait3A_229 : memref<1x!tpu.dma_semaphore, #tpu.memory_space<semaphore_mem>> -> memref<!tpu.dma_semaphore, #tpu.memory_space<semaphore_mem>>
          tpu.wait_indirect_dma semaphore(%dma_wait3A_230 : memref<!tpu.dma_semaphore, #tpu.memory_space<semaphore_mem>>) src(%dma_wait3A_222 : memref<128x128xf32, #tpu.memory_space<vmem>>) dst(%dma_wait3A_228 : memref<10240x128xf32, #tpu.memory_space<vmem_shared>>)
        } else {
        }
        %dma_start3A_201 = arith.constant 1 : i32
        %dma_start3A_202 = arith.constant 1 : i32
        %dma_start3A_203 = arith.constant 1 : i32
        %dma_start3A_204 = arith.constant 0 : i32
        %dma_start3A_205 = arith.constant 0 : i32
        %dma_start3A_206 = tpu.memref_slice %arg8[%dma_start3A_202, %dma_start3A_204, %dma_start3A_205] : memref<2x128x128xf32, #tpu.memory_space<vmem>> -> memref<1x128x128xf32, #tpu.memory_space<vmem>>
        %dma_start3A_207 = tpu.memref_squeeze %dma_start3A_206 : memref<1x128x128xf32, #tpu.memory_space<vmem>> -> memref<128x128xf32, #tpu.memory_space<vmem>>
        %dma_start3A_208 = arith.constant 0 : i32
        %dma_start3A_209 = tpu.memref_slice %arg6[%rem3A_93, %dma_start3A_201, %dma_start3A_208] : memref<2x2x128xi32, #tpu.memory_space<vmem>> -> memref<1x1x128xi32, #tpu.memory_space<vmem>>
        %dma_start3A_210 = tpu.memref_squeeze %dma_start3A_209 : memref<1x1x128xi32, #tpu.memory_space<vmem>> -> memref<128xi32, #tpu.memory_space<vmem>>
        %dma_start3A_211 = arith.constant 0 : i32
        %dma_start3A_212 = arith.constant 0 : i32
        %dma_start3A_213 = tpu.memref_slice %arg2[%dma_start3A_211, %dma_start3A_212] : memref<20480x128xf32, #tpu.memory_space<hbm>> -> memref<20480x128xf32, #tpu.memory_space<hbm>>
        %dma_start3A_214 = tpu.memref_slice %arg10[%dma_start3A_203] : memref<2x!tpu.dma_semaphore, #tpu.memory_space<semaphore_mem>> -> memref<1x!tpu.dma_semaphore, #tpu.memory_space<semaphore_mem>>
        %dma_start3A_215 = tpu.memref_squeeze %dma_start3A_214 : memref<1x!tpu.dma_semaphore, #tpu.memory_space<semaphore_mem>> -> memref<!tpu.dma_semaphore, #tpu.memory_space<semaphore_mem>>
        tpu.enqueue_indirect_dma source(%dma_start3A_213 : memref<20480x128xf32, #tpu.memory_space<hbm>>) target(%dma_start3A_207 : memref<128x128xf32, #tpu.memory_space<vmem>>) offsets(%dma_start3A_210 : memref<128xi32, #tpu.memory_space<vmem>>) semaphore(%dma_start3A_215 : memref<!tpu.dma_semaphore, #tpu.memory_space<semaphore_mem>>)
      } else {
      }
      %dma_wait3A_128 = arith.constant 0 : i32
      %dma_wait3A_129 = arith.constant 0 : i32
      %dma_wait3A_130 = arith.constant 0 : i32
      %dma_wait3A_131 = arith.constant 0 : i32
      %dma_wait3A_132 = arith.constant 0 : i32
      %dma_wait3A_133 = tpu.memref_slice %arg8[%dma_wait3A_129, %dma_wait3A_131, %dma_wait3A_132] : memref<2x128x128xf32, #tpu.memory_space<vmem>> -> memref<1x128x128xf32, #tpu.memory_space<vmem>>
      %dma_wait3A_134 = tpu.memref_squeeze %dma_wait3A_133 : memref<1x128x128xf32, #tpu.memory_space<vmem>> -> memref<128x128xf32, #tpu.memory_space<vmem>>
      %dma_wait3A_135 = arith.constant 0 : i32
      %dma_wait3A_136 = tpu.memref_slice %arg6[%rem3A_93, %dma_wait3A_128, %dma_wait3A_135] : memref<2x2x128xi32, #tpu.memory_space<vmem>> -> memref<1x1x128xi32, #tpu.memory_space<vmem>>
      %dma_wait3A_137 = tpu.memref_squeeze %dma_wait3A_136 : memref<1x1x128xi32, #tpu.memory_space<vmem>> -> memref<128xi32, #tpu.memory_space<vmem>>
      %dma_wait3A_138 = arith.constant 0 : i32
      %dma_wait3A_139 = arith.constant 0 : i32
      %dma_wait3A_140 = tpu.memref_slice %arg2[%dma_wait3A_138, %dma_wait3A_139] : memref<20480x128xf32, #tpu.memory_space<hbm>> -> memref<20480x128xf32, #tpu.memory_space<hbm>>
      %dma_wait3A_141 = tpu.memref_slice %arg10[%dma_wait3A_130] : memref<2x!tpu.dma_semaphore, #tpu.memory_space<semaphore_mem>> -> memref<1x!tpu.dma_semaphore, #tpu.memory_space<semaphore_mem>>
      %dma_wait3A_142 = tpu.memref_squeeze %dma_wait3A_141 : memref<1x!tpu.dma_semaphore, #tpu.memory_space<semaphore_mem>> -> memref<!tpu.dma_semaphore, #tpu.memory_space<semaphore_mem>>
      tpu.wait_indirect_dma semaphore(%dma_wait3A_142 : memref<!tpu.dma_semaphore, #tpu.memory_space<semaphore_mem>>) src(%dma_wait3A_140 : memref<20480x128xf32, #tpu.memory_space<hbm>>) dst(%dma_wait3A_134 : memref<128x128xf32, #tpu.memory_space<vmem>>)
      %dma_start3A_143 = arith.constant 0 : i32
      %dma_start3A_144 = arith.constant 0 : i32
      %dma_start3A_145 = arith.constant 0 : i32
      %dma_start3A_146 = arith.constant 0 : i32
      %dma_start3A_147 = arith.constant 0 : i32
      %dma_start3A_148 = tpu.memref_slice %arg8[%dma_start3A_143, %dma_start3A_146, %dma_start3A_147] : memref<2x128x128xf32, #tpu.memory_space<vmem>> -> memref<1x128x128xf32, #tpu.memory_space<vmem>>
      %dma_start3A_149 = tpu.memref_squeeze %dma_start3A_148 : memref<1x128x128xf32, #tpu.memory_space<vmem>> -> memref<128x128xf32, #tpu.memory_space<vmem>>
      %dma_start3A_150 = arith.constant 0 : i32
      %dma_start3A_151 = tpu.memref_slice %arg7[%rem3A_93, %dma_start3A_144, %dma_start3A_150] : memref<2x2x128xi32, #tpu.memory_space<vmem>> -> memref<1x1x128xi32, #tpu.memory_space<vmem>>
      %dma_start3A_152 = tpu.memref_squeeze %dma_start3A_151 : memref<1x1x128xi32, #tpu.memory_space<vmem>> -> memref<128xi32, #tpu.memory_space<vmem>>
      %dma_start3A_153 = arith.constant 0 : i32
      %dma_start3A_154 = arith.constant 0 : i32
      %dma_start3A_155 = tpu.memref_slice %arg9[%dma_start3A_153, %dma_start3A_154] : memref<10240x128xf32, #tpu.memory_space<vmem_shared>> -> memref<10240x128xf32, #tpu.memory_space<vmem_shared>>
      %dma_start3A_156 = tpu.memref_slice %arg11[%dma_start3A_145] : memref<2x!tpu.dma_semaphore, #tpu.memory_space<semaphore_mem>> -> memref<1x!tpu.dma_semaphore, #tpu.memory_space<semaphore_mem>>
      %dma_start3A_157 = tpu.memref_squeeze %dma_start3A_156 : memref<1x!tpu.dma_semaphore, #tpu.memory_space<semaphore_mem>> -> memref<!tpu.dma_semaphore, #tpu.memory_space<semaphore_mem>>
      tpu.enqueue_indirect_dma source(%dma_start3A_149 : memref<128x128xf32, #tpu.memory_space<vmem>>) target(%dma_start3A_155 : memref<10240x128xf32, #tpu.memory_space<vmem_shared>>) offsets(%dma_start3A_152 : memref<128xi32, #tpu.memory_space<vmem>>) semaphore(%dma_start3A_157 : memref<!tpu.dma_semaphore, #tpu.memory_space<semaphore_mem>>) {add = true}
      %add3A_158 = arith.constant 1 : i32
      %add3A_159 = arith.addi %add3A_75, %add3A_158 : i32
      %add3A_160 = arith.constant 1 : i32
      %add3A_161 = arith.addi %add3A_159, %add3A_160 : i32
      %lt3A_162 = arith.constant 160 : i32
      %lt3A_163 = arith.cmpi slt, %add3A_161, %lt3A_162 : i32
      %convert_element_type3A_164 = arith.extui %lt3A_163 : i1 to i32
      %cond3A_165 = arith.constant 0 : i32
      %cond3A_166 = arith.cmpi ne, %convert_element_type3A_164, %cond3A_165 : i32
      scf.if %cond3A_166 {
        %add3A_197 = arith.addi %add3A_9, %add3A_75 : i32
        %add3A_198 = arith.constant 2 : i32
        %add3A_199 = arith.addi %add3A_197, %add3A_198 : i32
        "tpu.region"() ({
          %run_scoped3A_233 = tpu.sem_alloc : memref<!tpu.dma_semaphore, #tpu.memory_space<semaphore_mem>>
          %dma_start3A_234 = arith.constant 0 : i32
          %dma_start3A_235 = arith.constant 0 : i32
          %dma_start3A_236 = tpu.memref_slice %arg6[%rem3A_121, %dma_start3A_234, %dma_start3A_235] : memref<2x2x128xi32, #tpu.memory_space<vmem>> -> memref<1x2x128xi32, #tpu.memory_space<vmem>>
          %dma_start3A_237 = tpu.memref_squeeze %dma_start3A_236 : memref<1x2x128xi32, #tpu.memory_space<vmem>> -> memref<2x128xi32, #tpu.memory_space<vmem>>
          %dma_start3A_238 = arith.constant 0 : i32
          %dma_start3A_239 = tpu.memref_slice %arg3[%add3A_199, %dma_start3A_238] : memref<5120x128xi32, #tpu.memory_space<hbm>> -> memref<2x128xi32, #tpu.memory_space<hbm>>
          %dma_start3A_240 = arith.constant 0 : i32
          %dma_start3A_241 = arith.constant 0 : i32
          %dma_start3A_242 = tpu.memref_slice %arg6[%rem3A_121, %dma_start3A_240, %dma_start3A_241] : memref<2x2x128xi32, #tpu.memory_space<vmem>> -> memref<1x2x128xi32, #tpu.memory_space<vmem>>
          %dma_start3A_243 = tpu.memref_squeeze %dma_start3A_242 : memref<1x2x128xi32, #tpu.memory_space<vmem>> -> memref<2x128xi32, #tpu.memory_space<vmem>>
          %dma_start3A_244 = arith.constant 0 : i32
          %dma_start3A_245 = tpu.memref_slice %arg3[%add3A_199, %dma_start3A_244] : memref<5120x128xi32, #tpu.memory_space<hbm>> -> memref<2x128xi32, #tpu.memory_space<hbm>>
          tpu.enqueue_dma source(%dma_start3A_245 : memref<2x128xi32, #tpu.memory_space<hbm>>) target(%dma_start3A_243 : memref<2x128xi32, #tpu.memory_space<vmem>>) target_semaphore(%run_scoped3A_233 : memref<!tpu.dma_semaphore, #tpu.memory_space<semaphore_mem>>)
          %dma_wait3A_246 = arith.constant 0 : i32
          %dma_wait3A_247 = arith.constant 0 : i32
          %dma_wait3A_248 = tpu.memref_slice %arg6[%rem3A_121, %dma_wait3A_246, %dma_wait3A_247] : memref<2x2x128xi32, #tpu.memory_space<vmem>> -> memref<1x2x128xi32, #tpu.memory_space<vmem>>
          %dma_wait3A_249 = tpu.memref_squeeze %dma_wait3A_248 : memref<1x2x128xi32, #tpu.memory_space<vmem>> -> memref<2x128xi32, #tpu.memory_space<vmem>>
          %dma_wait3A_250 = arith.constant 0 : i32
          %dma_wait3A_251 = tpu.memref_slice %arg3[%add3A_199, %dma_wait3A_250] : memref<5120x128xi32, #tpu.memory_space<hbm>> -> memref<2x128xi32, #tpu.memory_space<hbm>>
          %dma_wait3A_252 = arith.constant 0 : i32
          %dma_wait3A_253 = arith.constant 0 : i32
          %dma_wait3A_254 = tpu.memref_slice %arg6[%rem3A_121, %dma_wait3A_252, %dma_wait3A_253] : memref<2x2x128xi32, #tpu.memory_space<vmem>> -> memref<1x2x128xi32, #tpu.memory_space<vmem>>
          %dma_wait3A_255 = tpu.memref_squeeze %dma_wait3A_254 : memref<1x2x128xi32, #tpu.memory_space<vmem>> -> memref<2x128xi32, #tpu.memory_space<vmem>>
          %dma_wait3A_256 = arith.constant 0 : i32
          %dma_wait3A_257 = tpu.memref_slice %arg3[%add3A_199, %dma_wait3A_256] : memref<5120x128xi32, #tpu.memory_space<hbm>> -> memref<2x128xi32, #tpu.memory_space<hbm>>
          tpu.wait_dma2 semaphore(%run_scoped3A_233 : memref<!tpu.dma_semaphore, #tpu.memory_space<semaphore_mem>>) src(%dma_wait3A_257 : memref<2x128xi32, #tpu.memory_space<hbm>>) dst(%dma_wait3A_255 : memref<2x128xi32, #tpu.memory_space<vmem>>)
          tpu.yield
        }) : () -> ()
        %add3A_200 = arith.addi %mul3A_11, %add3A_75 : i32
        %add3A_201 = arith.constant 2 : i32
        %add3A_202 = arith.addi %add3A_200, %add3A_201 : i32
        "tpu.region"() ({
          %run_scoped3A_233 = tpu.sem_alloc : memref<!tpu.dma_semaphore, #tpu.memory_space<semaphore_mem>>
          %dma_start3A_234 = arith.constant 0 : i32
          %dma_start3A_235 = arith.constant 0 : i32
          %dma_start3A_236 = tpu.memref_slice %arg7[%rem3A_121, %dma_start3A_234, %dma_start3A_235] : memref<2x2x128xi32, #tpu.memory_space<vmem>> -> memref<1x2x128xi32, #tpu.memory_space<vmem>>
          %dma_start3A_237 = tpu.memref_squeeze %dma_start3A_236 : memref<1x2x128xi32, #tpu.memory_space<vmem>> -> memref<2x128xi32, #tpu.memory_space<vmem>>
          %dma_start3A_238 = arith.constant 0 : i32
          %dma_start3A_239 = tpu.memref_slice %arg4[%add3A_202, %dma_start3A_238] : memref<2560x128xi32, #tpu.memory_space<hbm>> -> memref<2x128xi32, #tpu.memory_space<hbm>>
          %dma_start3A_240 = arith.constant 0 : i32
          %dma_start3A_241 = arith.constant 0 : i32
          %dma_start3A_242 = tpu.memref_slice %arg7[%rem3A_121, %dma_start3A_240, %dma_start3A_241] : memref<2x2x128xi32, #tpu.memory_space<vmem>> -> memref<1x2x128xi32, #tpu.memory_space<vmem>>
          %dma_start3A_243 = tpu.memref_squeeze %dma_start3A_242 : memref<1x2x128xi32, #tpu.memory_space<vmem>> -> memref<2x128xi32, #tpu.memory_space<vmem>>
          %dma_start3A_244 = arith.constant 0 : i32
          %dma_start3A_245 = tpu.memref_slice %arg4[%add3A_202, %dma_start3A_244] : memref<2560x128xi32, #tpu.memory_space<hbm>> -> memref<2x128xi32, #tpu.memory_space<hbm>>
          tpu.enqueue_dma source(%dma_start3A_245 : memref<2x128xi32, #tpu.memory_space<hbm>>) target(%dma_start3A_243 : memref<2x128xi32, #tpu.memory_space<vmem>>) target_semaphore(%run_scoped3A_233 : memref<!tpu.dma_semaphore, #tpu.memory_space<semaphore_mem>>)
          %dma_wait3A_246 = arith.constant 0 : i32
          %dma_wait3A_247 = arith.constant 0 : i32
          %dma_wait3A_248 = tpu.memref_slice %arg7[%rem3A_121, %dma_wait3A_246, %dma_wait3A_247] : memref<2x2x128xi32, #tpu.memory_space<vmem>> -> memref<1x2x128xi32, #tpu.memory_space<vmem>>
          %dma_wait3A_249 = tpu.memref_squeeze %dma_wait3A_248 : memref<1x2x128xi32, #tpu.memory_space<vmem>> -> memref<2x128xi32, #tpu.memory_space<vmem>>
          %dma_wait3A_250 = arith.constant 0 : i32
          %dma_wait3A_251 = tpu.memref_slice %arg4[%add3A_202, %dma_wait3A_250] : memref<2560x128xi32, #tpu.memory_space<hbm>> -> memref<2x128xi32, #tpu.memory_space<hbm>>
          %dma_wait3A_252 = arith.constant 0 : i32
          %dma_wait3A_253 = arith.constant 0 : i32
          %dma_wait3A_254 = tpu.memref_slice %arg7[%rem3A_121, %dma_wait3A_252, %dma_wait3A_253] : memref<2x2x128xi32, #tpu.memory_space<vmem>> -> memref<1x2x128xi32, #tpu.memory_space<vmem>>
          %dma_wait3A_255 = tpu.memref_squeeze %dma_wait3A_254 : memref<1x2x128xi32, #tpu.memory_space<vmem>> -> memref<2x128xi32, #tpu.memory_space<vmem>>
          %dma_wait3A_256 = arith.constant 0 : i32
          %dma_wait3A_257 = tpu.memref_slice %arg4[%add3A_202, %dma_wait3A_256] : memref<2560x128xi32, #tpu.memory_space<hbm>> -> memref<2x128xi32, #tpu.memory_space<hbm>>
          tpu.wait_dma2 semaphore(%run_scoped3A_233 : memref<!tpu.dma_semaphore, #tpu.memory_space<semaphore_mem>>) src(%dma_wait3A_257 : memref<2x128xi32, #tpu.memory_space<hbm>>) dst(%dma_wait3A_255 : memref<2x128xi32, #tpu.memory_space<vmem>>)
          tpu.yield
        }) : () -> ()
        %dma_wait3A_203 = arith.constant 0 : i32
        %dma_wait3A_204 = arith.constant 0 : i32
        %dma_wait3A_205 = arith.constant 0 : i32
        %dma_wait3A_206 = arith.constant 0 : i32
        %dma_wait3A_207 = arith.constant 0 : i32
        %dma_wait3A_208 = tpu.memref_slice %arg8[%dma_wait3A_203, %dma_wait3A_206, %dma_wait3A_207] : memref<2x128x128xf32, #tpu.memory_space<vmem>> -> memref<1x128x128xf32, #tpu.memory_space<vmem>>
        %dma_wait3A_209 = tpu.memref_squeeze %dma_wait3A_208 : memref<1x128x128xf32, #tpu.memory_space<vmem>> -> memref<128x128xf32, #tpu.memory_space<vmem>>
        %dma_wait3A_210 = arith.constant 0 : i32
        %dma_wait3A_211 = tpu.memref_slice %arg7[%rem3A_93, %dma_wait3A_204, %dma_wait3A_210] : memref<2x2x128xi32, #tpu.memory_space<vmem>> -> memref<1x1x128xi32, #tpu.memory_space<vmem>>
        %dma_wait3A_212 = tpu.memref_squeeze %dma_wait3A_211 : memref<1x1x128xi32, #tpu.memory_space<vmem>> -> memref<128xi32, #tpu.memory_space<vmem>>
        %dma_wait3A_213 = arith.constant 0 : i32
        %dma_wait3A_214 = arith.constant 0 : i32
        %dma_wait3A_215 = tpu.memref_slice %arg9[%dma_wait3A_213, %dma_wait3A_214] : memref<10240x128xf32, #tpu.memory_space<vmem_shared>> -> memref<10240x128xf32, #tpu.memory_space<vmem_shared>>
        %dma_wait3A_216 = tpu.memref_slice %arg11[%dma_wait3A_205] : memref<2x!tpu.dma_semaphore, #tpu.memory_space<semaphore_mem>> -> memref<1x!tpu.dma_semaphore, #tpu.memory_space<semaphore_mem>>
        %dma_wait3A_217 = tpu.memref_squeeze %dma_wait3A_216 : memref<1x!tpu.dma_semaphore, #tpu.memory_space<semaphore_mem>> -> memref<!tpu.dma_semaphore, #tpu.memory_space<semaphore_mem>>
        tpu.wait_indirect_dma semaphore(%dma_wait3A_217 : memref<!tpu.dma_semaphore, #tpu.memory_space<semaphore_mem>>) src(%dma_wait3A_209 : memref<128x128xf32, #tpu.memory_space<vmem>>) dst(%dma_wait3A_215 : memref<10240x128xf32, #tpu.memory_space<vmem_shared>>)
        %dma_start3A_218 = arith.constant 0 : i32
        %dma_start3A_219 = arith.constant 0 : i32
        %dma_start3A_220 = arith.constant 0 : i32
        %dma_start3A_221 = arith.constant 0 : i32
        %dma_start3A_222 = arith.constant 0 : i32
        %dma_start3A_223 = tpu.memref_slice %arg8[%dma_start3A_219, %dma_start3A_221, %dma_start3A_222] : memref<2x128x128xf32, #tpu.memory_space<vmem>> -> memref<1x128x128xf32, #tpu.memory_space<vmem>>
        %dma_start3A_224 = tpu.memref_squeeze %dma_start3A_223 : memref<1x128x128xf32, #tpu.memory_space<vmem>> -> memref<128x128xf32, #tpu.memory_space<vmem>>
        %dma_start3A_225 = arith.constant 0 : i32
        %dma_start3A_226 = tpu.memref_slice %arg6[%rem3A_121, %dma_start3A_218, %dma_start3A_225] : memref<2x2x128xi32, #tpu.memory_space<vmem>> -> memref<1x1x128xi32, #tpu.memory_space<vmem>>
        %dma_start3A_227 = tpu.memref_squeeze %dma_start3A_226 : memref<1x1x128xi32, #tpu.memory_space<vmem>> -> memref<128xi32, #tpu.memory_space<vmem>>
        %dma_start3A_228 = arith.constant 0 : i32
        %dma_start3A_229 = arith.constant 0 : i32
        %dma_start3A_230 = tpu.memref_slice %arg2[%dma_start3A_228, %dma_start3A_229] : memref<20480x128xf32, #tpu.memory_space<hbm>> -> memref<20480x128xf32, #tpu.memory_space<hbm>>
        %dma_start3A_231 = tpu.memref_slice %arg10[%dma_start3A_220] : memref<2x!tpu.dma_semaphore, #tpu.memory_space<semaphore_mem>> -> memref<1x!tpu.dma_semaphore, #tpu.memory_space<semaphore_mem>>
        %dma_start3A_232 = tpu.memref_squeeze %dma_start3A_231 : memref<1x!tpu.dma_semaphore, #tpu.memory_space<semaphore_mem>> -> memref<!tpu.dma_semaphore, #tpu.memory_space<semaphore_mem>>
        tpu.enqueue_indirect_dma source(%dma_start3A_230 : memref<20480x128xf32, #tpu.memory_space<hbm>>) target(%dma_start3A_224 : memref<128x128xf32, #tpu.memory_space<vmem>>) offsets(%dma_start3A_227 : memref<128xi32, #tpu.memory_space<vmem>>) semaphore(%dma_start3A_232 : memref<!tpu.dma_semaphore, #tpu.memory_space<semaphore_mem>>)
      } else {
      }
      %dma_wait3A_167 = arith.constant 1 : i32
      %dma_wait3A_168 = arith.constant 1 : i32
      %dma_wait3A_169 = arith.constant 1 : i32
      %dma_wait3A_170 = arith.constant 0 : i32
      %dma_wait3A_171 = arith.constant 0 : i32
      %dma_wait3A_172 = tpu.memref_slice %arg8[%dma_wait3A_168, %dma_wait3A_170, %dma_wait3A_171] : memref<2x128x128xf32, #tpu.memory_space<vmem>> -> memref<1x128x128xf32, #tpu.memory_space<vmem>>
      %dma_wait3A_173 = tpu.memref_squeeze %dma_wait3A_172 : memref<1x128x128xf32, #tpu.memory_space<vmem>> -> memref<128x128xf32, #tpu.memory_space<vmem>>
      %dma_wait3A_174 = arith.constant 0 : i32
      %dma_wait3A_175 = tpu.memref_slice %arg6[%rem3A_93, %dma_wait3A_167, %dma_wait3A_174] : memref<2x2x128xi32, #tpu.memory_space<vmem>> -> memref<1x1x128xi32, #tpu.memory_space<vmem>>
      %dma_wait3A_176 = tpu.memref_squeeze %dma_wait3A_175 : memref<1x1x128xi32, #tpu.memory_space<vmem>> -> memref<128xi32, #tpu.memory_space<vmem>>
      %dma_wait3A_177 = arith.constant 0 : i32
      %dma_wait3A_178 = arith.constant 0 : i32
      %dma_wait3A_179 = tpu.memref_slice %arg2[%dma_wait3A_177, %dma_wait3A_178] : memref<20480x128xf32, #tpu.memory_space<hbm>> -> memref<20480x128xf32, #tpu.memory_space<hbm>>
      %dma_wait3A_180 = tpu.memref_slice %arg10[%dma_wait3A_169] : memref<2x!tpu.dma_semaphore, #tpu.memory_space<semaphore_mem>> -> memref<1x!tpu.dma_semaphore, #tpu.memory_space<semaphore_mem>>
      %dma_wait3A_181 = tpu.memref_squeeze %dma_wait3A_180 : memref<1x!tpu.dma_semaphore, #tpu.memory_space<semaphore_mem>> -> memref<!tpu.dma_semaphore, #tpu.memory_space<semaphore_mem>>
      tpu.wait_indirect_dma semaphore(%dma_wait3A_181 : memref<!tpu.dma_semaphore, #tpu.memory_space<semaphore_mem>>) src(%dma_wait3A_179 : memref<20480x128xf32, #tpu.memory_space<hbm>>) dst(%dma_wait3A_173 : memref<128x128xf32, #tpu.memory_space<vmem>>)
      %dma_start3A_182 = arith.constant 1 : i32
      %dma_start3A_183 = arith.constant 1 : i32
      %dma_start3A_184 = arith.constant 1 : i32
      %dma_start3A_185 = arith.constant 0 : i32
      %dma_start3A_186 = arith.constant 0 : i32
      %dma_start3A_187 = tpu.memref_slice %arg8[%dma_start3A_182, %dma_start3A_185, %dma_start3A_186] : memref<2x128x128xf32, #tpu.memory_space<vmem>> -> memref<1x128x128xf32, #tpu.memory_space<vmem>>
      %dma_start3A_188 = tpu.memref_squeeze %dma_start3A_187 : memref<1x128x128xf32, #tpu.memory_space<vmem>> -> memref<128x128xf32, #tpu.memory_space<vmem>>
      %dma_start3A_189 = arith.constant 0 : i32
      %dma_start3A_190 = tpu.memref_slice %arg7[%rem3A_93, %dma_start3A_183, %dma_start3A_189] : memref<2x2x128xi32, #tpu.memory_space<vmem>> -> memref<1x1x128xi32, #tpu.memory_space<vmem>>
      %dma_start3A_191 = tpu.memref_squeeze %dma_start3A_190 : memref<1x1x128xi32, #tpu.memory_space<vmem>> -> memref<128xi32, #tpu.memory_space<vmem>>
      %dma_start3A_192 = arith.constant 0 : i32
      %dma_start3A_193 = arith.constant 0 : i32
      %dma_start3A_194 = tpu.memref_slice %arg9[%dma_start3A_192, %dma_start3A_193] : memref<10240x128xf32, #tpu.memory_space<vmem_shared>> -> memref<10240x128xf32, #tpu.memory_space<vmem_shared>>
      %dma_start3A_195 = tpu.memref_slice %arg11[%dma_start3A_184] : memref<2x!tpu.dma_semaphore, #tpu.memory_space<semaphore_mem>> -> memref<1x!tpu.dma_semaphore, #tpu.memory_space<semaphore_mem>>
      %dma_start3A_196 = tpu.memref_squeeze %dma_start3A_195 : memref<1x!tpu.dma_semaphore, #tpu.memory_space<semaphore_mem>> -> memref<!tpu.dma_semaphore, #tpu.memory_space<semaphore_mem>>
      tpu.enqueue_indirect_dma source(%dma_start3A_188 : memref<128x128xf32, #tpu.memory_space<vmem>>) target(%dma_start3A_194 : memref<10240x128xf32, #tpu.memory_space<vmem_shared>>) offsets(%dma_start3A_191 : memref<128xi32, #tpu.memory_space<vmem>>) semaphore(%dma_start3A_196 : memref<!tpu.dma_semaphore, #tpu.memory_space<semaphore_mem>>) {add = true}
    }
    %scan3A_31 = arith.constant 80 : i32
    %dma_wait3A = arith.constant 0 : i32
    %dma_wait3A_32 = arith.constant 1 : i32
    %dma_wait3A_33 = arith.constant 0 : i32
    %dma_wait3A_34 = arith.constant 0 : i32
    %dma_wait3A_35 = arith.constant 0 : i32
    %dma_wait3A_36 = arith.constant 0 : i32
    %dma_wait3A_37 = tpu.memref_slice %arg8[%dma_wait3A, %dma_wait3A_35, %dma_wait3A_36] : memref<2x128x128xf32, #tpu.memory_space<vmem>> -> memref<1x128x128xf32, #tpu.memory_space<vmem>>
    %dma_wait3A_38 = tpu.memref_squeeze %dma_wait3A_37 : memref<1x128x128xf32, #tpu.memory_space<vmem>> -> memref<128x128xf32, #tpu.memory_space<vmem>>
    %dma_wait3A_39 = arith.constant 0 : i32
    %dma_wait3A_40 = tpu.memref_slice %arg7[%dma_wait3A_32, %dma_wait3A_33, %dma_wait3A_39] : memref<2x2x128xi32, #tpu.memory_space<vmem>> -> memref<1x1x128xi32, #tpu.memory_space<vmem>>
    %dma_wait3A_41 = tpu.memref_squeeze %dma_wait3A_40 : memref<1x1x128xi32, #tpu.memory_space<vmem>> -> memref<128xi32, #tpu.memory_space<vmem>>
    %dma_wait3A_42 = arith.constant 0 : i32
    %dma_wait3A_43 = arith.constant 0 : i32
    %dma_wait3A_44 = tpu.memref_slice %arg9[%dma_wait3A_42, %dma_wait3A_43] : memref<10240x128xf32, #tpu.memory_space<vmem_shared>> -> memref<10240x128xf32, #tpu.memory_space<vmem_shared>>
    %dma_wait3A_45 = tpu.memref_slice %arg11[%dma_wait3A_34] : memref<2x!tpu.dma_semaphore, #tpu.memory_space<semaphore_mem>> -> memref<1x!tpu.dma_semaphore, #tpu.memory_space<semaphore_mem>>
    %dma_wait3A_46 = tpu.memref_squeeze %dma_wait3A_45 : memref<1x!tpu.dma_semaphore, #tpu.memory_space<semaphore_mem>> -> memref<!tpu.dma_semaphore, #tpu.memory_space<semaphore_mem>>
    tpu.wait_indirect_dma semaphore(%dma_wait3A_46 : memref<!tpu.dma_semaphore, #tpu.memory_space<semaphore_mem>>) src(%dma_wait3A_38 : memref<128x128xf32, #tpu.memory_space<vmem>>) dst(%dma_wait3A_44 : memref<10240x128xf32, #tpu.memory_space<vmem_shared>>)
    %dma_wait3A_47 = arith.constant 1 : i32
    %dma_wait3A_48 = arith.constant 1 : i32
    %dma_wait3A_49 = arith.constant 1 : i32
    %dma_wait3A_50 = arith.constant 1 : i32
    %dma_wait3A_51 = arith.constant 0 : i32
    %dma_wait3A_52 = arith.constant 0 : i32
    %dma_wait3A_53 = tpu.memref_slice %arg8[%dma_wait3A_47, %dma_wait3A_51, %dma_wait3A_52] : memref<2x128x128xf32, #tpu.memory_space<vmem>> -> memref<1x128x128xf32, #tpu.memory_space<vmem>>
    %dma_wait3A_54 = tpu.memref_squeeze %dma_wait3A_53 : memref<1x128x128xf32, #tpu.memory_space<vmem>> -> memref<128x128xf32, #tpu.memory_space<vmem>>
    %dma_wait3A_55 = arith.constant 0 : i32
    %dma_wait3A_56 = tpu.memref_slice %arg7[%dma_wait3A_48, %dma_wait3A_49, %dma_wait3A_55] : memref<2x2x128xi32, #tpu.memory_space<vmem>> -> memref<1x1x128xi32, #tpu.memory_space<vmem>>
    %dma_wait3A_57 = tpu.memref_squeeze %dma_wait3A_56 : memref<1x1x128xi32, #tpu.memory_space<vmem>> -> memref<128xi32, #tpu.memory_space<vmem>>
    %dma_wait3A_58 = arith.constant 0 : i32
    %dma_wait3A_59 = arith.constant 0 : i32
    %dma_wait3A_60 = tpu.memref_slice %arg9[%dma_wait3A_58, %dma_wait3A_59] : memref<10240x128xf32, #tpu.memory_space<vmem_shared>> -> memref<10240x128xf32, #tpu.memory_space<vmem_shared>>
    %dma_wait3A_61 = tpu.memref_slice %arg11[%dma_wait3A_50] : memref<2x!tpu.dma_semaphore, #tpu.memory_space<semaphore_mem>> -> memref<1x!tpu.dma_semaphore, #tpu.memory_space<semaphore_mem>>
    %dma_wait3A_62 = tpu.memref_squeeze %dma_wait3A_61 : memref<1x!tpu.dma_semaphore, #tpu.memory_space<semaphore_mem>> -> memref<!tpu.dma_semaphore, #tpu.memory_space<semaphore_mem>>
    tpu.wait_indirect_dma semaphore(%dma_wait3A_62 : memref<!tpu.dma_semaphore, #tpu.memory_space<semaphore_mem>>) src(%dma_wait3A_54 : memref<128x128xf32, #tpu.memory_space<vmem>>) dst(%dma_wait3A_60 : memref<10240x128xf32, #tpu.memory_space<vmem_shared>>)
    %barrier3A_63 = arith.constant 0 : index
    tpu.barrier barrier_id(%barrier3A_63)
    %mul3A_64 = arith.constant 640 : i32
    %mul3A_65 = arith.muli %arg1, %mul3A_64 : i32
    %mul3A_66 = arith.constant 10240 : i32
    %mul3A_67 = arith.muli %arg0, %mul3A_66 : i32
    %mul3A_68 = arith.constant 640 : i32
    %mul3A_69 = arith.muli %arg1, %mul3A_68 : i32
    %add3A_70 = arith.addi %mul3A_67, %mul3A_69 : i32
    "tpu.region"() ({
      %run_scoped3A_71 = tpu.sem_alloc : memref<!tpu.dma_semaphore, #tpu.memory_space<semaphore_mem>>
      %dma_start3A_72 = arith.constant 0 : i32
      %dma_start3A_73 = tpu.memref_slice %arg5[%add3A_70, %dma_start3A_72] : memref<20480x128xf32, #tpu.memory_space<hbm>> -> memref<640x128xf32, #tpu.memory_space<hbm>>
      %dma_start3A_74 = arith.constant 0 : i32
      %dma_start3A_75 = tpu.memref_slice %arg9[%mul3A_65, %dma_start3A_74] : memref<10240x128xf32, #tpu.memory_space<vmem_shared>> -> memref<640x128xf32, #tpu.memory_space<vmem_shared>>
      tpu.enqueue_dma source(%dma_start3A_75 : memref<640x128xf32, #tpu.memory_space<vmem_shared>>) target(%dma_start3A_73 : memref<640x128xf32, #tpu.memory_space<hbm>>) target_semaphore(%run_scoped3A_71 : memref<!tpu.dma_semaphore, #tpu.memory_space<semaphore_mem>>)
      %dma_wait3A_76 = arith.constant 0 : i32
      %dma_wait3A_77 = tpu.memref_slice %arg5[%add3A_70, %dma_wait3A_76] : memref<20480x128xf32, #tpu.memory_space<hbm>> -> memref<640x128xf32, #tpu.memory_space<hbm>>
      %dma_wait3A_78 = arith.constant 0 : i32
      %dma_wait3A_79 = tpu.memref_slice %arg9[%mul3A_65, %dma_wait3A_78] : memref<10240x128xf32, #tpu.memory_space<vmem_shared>> -> memref<640x128xf32, #tpu.memory_space<vmem_shared>>
      tpu.wait_dma2 semaphore(%run_scoped3A_71 : memref<!tpu.dma_semaphore, #tpu.memory_space<semaphore_mem>>) src(%dma_wait3A_79 : memref<640x128xf32, #tpu.memory_space<vmem_shared>>) dst(%dma_wait3A_77 : memref<640x128xf32, #tpu.memory_space<hbm>>)
      tpu.yield
    }) : () -> ()
    return
  }
}

#map = affine_map<(d0, d1) -> (0, 0)>
module attributes {stable_mosaic.version = 14 : i64} {
  func.func @_conv_body(%arg0: i32, %arg1: i32, %arg2: memref<20480x128xf32, #tpu.memory_space<hbm>>, %arg3: memref<5120x128xi32, #tpu.memory_space<hbm>>, %arg4: memref<2560x128xi32, #tpu.memory_space<hbm>>, %arg5: memref<20480x128xf32, #tpu.memory_space<hbm>>, %arg6: memref<2x2x128xi32, #tpu.memory_space<vmem>>, %arg7: memref<2x2x128xi32, #tpu.memory_space<vmem>>, %arg8: memref<2x128x128xf32, #tpu.memory_space<vmem>>, %arg9: memref<10240x128xf32, #tpu.memory_space<vmem_shared>>, %arg10: memref<2x!tpu.dma_semaphore, #tpu.memory_space<semaphore_mem>>, %arg11: memref<2x!tpu.dma_semaphore, #tpu.memory_space<semaphore_mem>>) attributes {dimension_semantics = [#tpu.dimension_semantics<core_parallel>, #tpu.dimension_semantics<subcore_parallel>], iteration_bounds = array<i64: 2, 16>, scalar_prefetch = 0 : i64, scratch_operands = 6 : i64, tpu.core_type = #tpu.core_type<sc_vector_subcore>, window_params = [{transform_indices = #map}, {transform_indices = #map}, {transform_indices = #map}, {transform_indices = #map}]} {
    %mul3A = arith.constant 10240 : i32
    %mul3A_0 = arith.muli %arg0, %mul3A : i32
    %mul3A_1 = arith.constant 640 : i32
    %mul3A_2 = arith.muli %arg1, %mul3A_1 : i32
    %add3A = arith.addi %mul3A_0, %mul3A_2 : i32
    %mul3A_3 = arith.constant 640 : i32
    %mul3A_4 = arith.muli %arg1, %mul3A_3 : i32
    "tpu.region"() ({
      %run_scoped3A_71 = tpu.sem_alloc : memref<!tpu.dma_semaphore, #tpu.memory_space<semaphore_mem>>
      %dma_start3A_72 = arith.constant 0 : i32
      %dma_start3A_73 = tpu.memref_slice %arg9[%mul3A_4, %dma_start3A_72] : memref<10240x128xf32, #tpu.memory_space<vmem_shared>> -> memref<640x128xf32, #tpu.memory_space<vmem_shared>>
      %dma_start3A_74 = arith.constant 0 : i32
      %dma_start3A_75 = tpu.memref_slice %arg2[%add3A, %dma_start3A_74] : memref<20480x128xf32, #tpu.memory_space<hbm>> -> memref<640x128xf32, #tpu.memory_space<hbm>>
      tpu.enqueue_dma source(%dma_start3A_75 : memref<640x128xf32, #tpu.memory_space<hbm>>) target(%dma_start3A_73 : memref<640x128xf32, #tpu.memory_space<vmem_shared>>) target_semaphore(%run_scoped3A_71 : memref<!tpu.dma_semaphore, #tpu.memory_space<semaphore_mem>>)
      %dma_wait3A_76 = arith.constant 0 : i32
      %dma_wait3A_77 = tpu.memref_slice %arg9[%mul3A_4, %dma_wait3A_76] : memref<10240x128xf32, #tpu.memory_space<vmem_shared>> -> memref<640x128xf32, #tpu.memory_space<vmem_shared>>
      %dma_wait3A_78 = arith.constant 0 : i32
      %dma_wait3A_79 = tpu.memref_slice %arg2[%add3A, %dma_wait3A_78] : memref<20480x128xf32, #tpu.memory_space<hbm>> -> memref<640x128xf32, #tpu.memory_space<hbm>>
      tpu.wait_dma2 semaphore(%run_scoped3A_71 : memref<!tpu.dma_semaphore, #tpu.memory_space<semaphore_mem>>) src(%dma_wait3A_79 : memref<640x128xf32, #tpu.memory_space<hbm>>) dst(%dma_wait3A_77 : memref<640x128xf32, #tpu.memory_space<vmem_shared>>)
      tpu.yield
    }) : () -> ()
    %barrier3A = arith.constant 0 : index
    tpu.barrier barrier_id(%barrier3A)
    %mul3A_5 = arith.constant 2560 : i32
    %mul3A_6 = arith.muli %arg0, %mul3A_5 : i32
    %mul3A_7 = arith.constant 160 : i32
    %mul3A_8 = arith.muli %arg1, %mul3A_7 : i32
    %add3A_9 = arith.addi %mul3A_6, %mul3A_8 : i32
    %mul3A_10 = arith.constant 160 : i32
    %mul3A_11 = arith.muli %arg1, %mul3A_10 : i32
    %run_scoped3A = arith.constant 0 : i32
    "tpu.region"() ({
      %run_scoped3A_71 = tpu.sem_alloc : memref<!tpu.dma_semaphore, #tpu.memory_space<semaphore_mem>>
      %dma_start3A_72 = arith.constant 0 : i32
      %dma_start3A_73 = arith.constant 0 : i32
      %dma_start3A_74 = tpu.memref_slice %arg6[%run_scoped3A, %dma_start3A_72, %dma_start3A_73] : memref<2x2x128xi32, #tpu.memory_space<vmem>> -> memref<1x2x128xi32, #tpu.memory_space<vmem>>
      %dma_start3A_75 = tpu.memref_squeeze %dma_start3A_74 : memref<1x2x128xi32, #tpu.memory_space<vmem>> -> memref<2x128xi32, #tpu.memory_space<vmem>>
      %dma_start3A_76 = arith.constant 0 : i32
      %dma_start3A_77 = tpu.memref_slice %arg3[%add3A_9, %dma_start3A_76] : memref<5120x128xi32, #tpu.memory_space<hbm>> -> memref<2x128xi32, #tpu.memory_space<hbm>>
      %dma_start3A_78 = arith.constant 0 : i32
      %dma_start3A_79 = arith.constant 0 : i32
      %dma_start3A_80 = tpu.memref_slice %arg6[%run_scoped3A, %dma_start3A_78, %dma_start3A_79] : memref<2x2x128xi32, #tpu.memory_space<vmem>> -> memref<1x2x128xi32, #tpu.memory_space<vmem>>
      %dma_start3A_81 = tpu.memref_squeeze %dma_start3A_80 : memref<1x2x128xi32, #tpu.memory_space<vmem>> -> memref<2x128xi32, #tpu.memory_space<vmem>>
      %dma_start3A_82 = arith.constant 0 : i32
      %dma_start3A_83 = tpu.memref_slice %arg3[%add3A_9, %dma_start3A_82] : memref<5120x128xi32, #tpu.memory_space<hbm>> -> memref<2x128xi32, #tpu.memory_space<hbm>>
      tpu.enqueue_dma source(%dma_start3A_83 : memref<2x128xi32, #tpu.memory_space<hbm>>) target(%dma_start3A_81 : memref<2x128xi32, #tpu.memory_space<vmem>>) target_semaphore(%run_scoped3A_71 : memref<!tpu.dma_semaphore, #tpu.memory_space<semaphore_mem>>)
      %dma_wait3A_84 = arith.constant 0 : i32
      %dma_wait3A_85 = arith.constant 0 : i32
      %dma_wait3A_86 = tpu.memref_slice %arg6[%run_scoped3A, %dma_wait3A_84, %dma_wait3A_85] : memref<2x2x128xi32, #tpu.memory_space<vmem>> -> memref<1x2x128xi32, #tpu.memory_space<vmem>>
      %dma_wait3A_87 = tpu.memref_squeeze %dma_wait3A_86 : memref<1x2x128xi32, #tpu.memory_space<vmem>> -> memref<2x128xi32, #tpu.memory_space<vmem>>
      %dma_wait3A_88 = arith.constant 0 : i32
      %dma_wait3A_89 = tpu.memref_slice %arg3[%add3A_9, %dma_wait3A_88] : memref<5120x128xi32, #tpu.memory_space<hbm>> -> memref<2x128xi32, #tpu.memory_space<hbm>>
      %dma_wait3A_90 = arith.constant 0 : i32
      %dma_wait3A_91 = arith.constant 0 : i32
      %dma_wait3A_92 = tpu.memref_slice %arg6[%run_scoped3A, %dma_wait3A_90, %dma_wait3A_91] : memref<2x2x128xi32, #tpu.memory_space<vmem>> -> memref<1x2x128xi32, #tpu.memory_space<vmem>>
      %dma_wait3A_93 = tpu.memref_squeeze %dma_wait3A_92 : memref<1x2x128xi32, #tpu.memory_space<vmem>> -> memref<2x128xi32, #tpu.memory_space<vmem>>
      %dma_wait3A_94 = arith.constant 0 : i32
      %dma_wait3A_95 = tpu.memref_slice %arg3[%add3A_9, %dma_wait3A_94] : memref<5120x128xi32, #tpu.memory_space<hbm>> -> memref<2x128xi32, #tpu.memory_space<hbm>>
      tpu.wait_dma2 semaphore(%run_scoped3A_71 : memref<!tpu.dma_semaphore, #tpu.memory_space<semaphore_mem>>) src(%dma_wait3A_95 : memref<2x128xi32, #tpu.memory_space<hbm>>) dst(%dma_wait3A_93 : memref<2x128xi32, #tpu.memory_space<vmem>>)
      tpu.yield
    }) : () -> ()
    %run_scoped3A_12 = arith.constant 0 : i32
    "tpu.region"() ({
      %run_scoped3A_71 = tpu.sem_alloc : memref<!tpu.dma_semaphore, #tpu.memory_space<semaphore_mem>>
      %dma_start3A_72 = arith.constant 0 : i32
      %dma_start3A_73 = arith.constant 0 : i32
      %dma_start3A_74 = tpu.memref_slice %arg7[%run_scoped3A_12, %dma_start3A_72, %dma_start3A_73] : memref<2x2x128xi32, #tpu.memory_space<vmem>> -> memref<1x2x128xi32, #tpu.memory_space<vmem>>
      %dma_start3A_75 = tpu.memref_squeeze %dma_start3A_74 : memref<1x2x128xi32, #tpu.memory_space<vmem>> -> memref<2x128xi32, #tpu.memory_space<vmem>>
      %dma_start3A_76 = arith.constant 0 : i32
      %dma_start3A_77 = tpu.memref_slice %arg4[%mul3A_11, %dma_start3A_76] : memref<2560x128xi32, #tpu.memory_space<hbm>> -> memref<2x128xi32, #tpu.memory_space<hbm>>
      %dma_start3A_78 = arith.constant 0 : i32
      %dma_start3A_79 = arith.constant 0 : i32
      %dma_start3A_80 = tpu.memref_slice %arg7[%run_scoped3A_12, %dma_start3A_78, %dma_start3A_79] : memref<2x2x128xi32, #tpu.memory_space<vmem>> -> memref<1x2x128xi32, #tpu.memory_space<vmem>>
      %dma_start3A_81 = tpu.memref_squeeze %dma_start3A_80 : memref<1x2x128xi32, #tpu.memory_space<vmem>> -> memref<2x128xi32, #tpu.memory_space<vmem>>
      %dma_start3A_82 = arith.constant 0 : i32
      %dma_start3A_83 = tpu.memref_slice %arg4[%mul3A_11, %dma_start3A_82] : memref<2560x128xi32, #tpu.memory_space<hbm>> -> memref<2x128xi32, #tpu.memory_space<hbm>>
      tpu.enqueue_dma source(%dma_start3A_83 : memref<2x128xi32, #tpu.memory_space<hbm>>) target(%dma_start3A_81 : memref<2x128xi32, #tpu.memory_space<vmem>>) target_semaphore(%run_scoped3A_71 : memref<!tpu.dma_semaphore, #tpu.memory_space<semaphore_mem>>)
      %dma_wait3A_84 = arith.constant 0 : i32
      %dma_wait3A_85 = arith.constant 0 : i32
      %dma_wait3A_86 = tpu.memref_slice %arg7[%run_scoped3A_12, %dma_wait3A_84, %dma_wait3A_85] : memref<2x2x128xi32, #tpu.memory_space<vmem>> -> memref<1x2x128xi32, #tpu.memory_space<vmem>>
      %dma_wait3A_87 = tpu.memref_squeeze %dma_wait3A_86 : memref<1x2x128xi32, #tpu.memory_space<vmem>> -> memref<2x128xi32, #tpu.memory_space<vmem>>
      %dma_wait3A_88 = arith.constant 0 : i32
      %dma_wait3A_89 = tpu.memref_slice %arg4[%mul3A_11, %dma_wait3A_88] : memref<2560x128xi32, #tpu.memory_space<hbm>> -> memref<2x128xi32, #tpu.memory_space<hbm>>
      %dma_wait3A_90 = arith.constant 0 : i32
      %dma_wait3A_91 = arith.constant 0 : i32
      %dma_wait3A_92 = tpu.memref_slice %arg7[%run_scoped3A_12, %dma_wait3A_90, %dma_wait3A_91] : memref<2x2x128xi32, #tpu.memory_space<vmem>> -> memref<1x2x128xi32, #tpu.memory_space<vmem>>
      %dma_wait3A_93 = tpu.memref_squeeze %dma_wait3A_92 : memref<1x2x128xi32, #tpu.memory_space<vmem>> -> memref<2x128xi32, #tpu.memory_space<vmem>>
      %dma_wait3A_94 = arith.constant 0 : i32
      %dma_wait3A_95 = tpu.memref_slice %arg4[%mul3A_11, %dma_wait3A_94] : memref<2560x128xi32, #tpu.memory_space<hbm>> -> memref<2x128xi32, #tpu.memory_space<hbm>>
      tpu.wait_dma2 semaphore(%run_scoped3A_71 : memref<!tpu.dma_semaphore, #tpu.memory_space<semaphore_mem>>) src(%dma_wait3A_95 : memref<2x128xi32, #tpu.memory_space<hbm>>) dst(%dma_wait3A_93 : memref<2x128xi32, #tpu.memory_space<vmem>>)
      tpu.yield
    }) : () -> ()
    %dma_start3A = arith.constant 0 : i32
    %dma_start3A_13 = arith.constant 0 : i32
    %dma_start3A_14 = arith.constant 0 : i32
    %dma_start3A_15 = arith.constant 0 : i32
    %dma_start3A_16 = arith.constant 0 : i32
    %dma_start3A_17 = arith.constant 0 : i32
    %dma_start3A_18 = tpu.memref_slice %arg8[%dma_start3A_14, %dma_start3A_16, %dma_start3A_17] : memref<2x128x128xf32, #tpu.memory_space<vmem>> -> memref<1x128x128xf32, #tpu.memory_space<vmem>>
    %dma_start3A_19 = tpu.memref_squeeze %dma_start3A_18 : memref<1x128x128xf32, #tpu.memory_space<vmem>> -> memref<128x128xf32, #tpu.memory_space<vmem>>
    %dma_start3A_20 = arith.constant 0 : i32
    %dma_start3A_21 = tpu.memref_slice %arg6[%dma_start3A, %dma_start3A_13, %dma_start3A_20] : memref<2x2x128xi32, #tpu.memory_space<vmem>> -> memref<1x1x128xi32, #tpu.memory_space<vmem>>
    %dma_start3A_22 = tpu.memref_squeeze %dma_start3A_21 : memref<1x1x128xi32, #tpu.memory_space<vmem>> -> memref<128xi32, #tpu.memory_space<vmem>>
    %dma_start3A_23 = arith.constant 0 : i32
    %dma_start3A_24 = arith.constant 0 : i32
    %dma_start3A_25 = tpu.memref_slice %arg2[%dma_start3A_23, %dma_start3A_24] : memref<20480x128xf32, #tpu.memory_space<hbm>> -> memref<20480x128xf32, #tpu.memory_space<hbm>>
    %dma_start3A_26 = tpu.memref_slice %arg10[%dma_start3A_15] : memref<2x!tpu.dma_semaphore, #tpu.memory_space<semaphore_mem>> -> memref<1x!tpu.dma_semaphore, #tpu.memory_space<semaphore_mem>>
    %dma_start3A_27 = tpu.memref_squeeze %dma_start3A_26 : memref<1x!tpu.dma_semaphore, #tpu.memory_space<semaphore_mem>> -> memref<!tpu.dma_semaphore, #tpu.memory_space<semaphore_mem>>
    tpu.enqueue_indirect_dma source(%dma_start3A_25 : memref<20480x128xf32, #tpu.memory_space<hbm>>) target(%dma_start3A_19 : memref<128x128xf32, #tpu.memory_space<vmem>>) offsets(%dma_start3A_22 : memref<128xi32, #tpu.memory_space<vmem>>) semaphore(%dma_start3A_27 : memref<!tpu.dma_semaphore, #tpu.memory_space<semaphore_mem>>)
    %scan3A = arith.constant 0 : i32
    %scan3A_28 = arith.constant 80 : i32
    %scan3A_29 = arith.addi %scan3A, %scan3A_28 : i32
    %scan3A_30 = arith.constant 1 : i32
    scf.for %scan3A_71 = %scan3A to %scan3A_29 step %scan3A_30  : i32 {
      %mul3A_72 = arith.constant 2 : i32
      %mul3A_73 = arith.muli %scan3A_71, %mul3A_72 : i32
      %add3A_74 = arith.constant 0 : i32
      %add3A_75 = arith.addi %add3A_74, %mul3A_73 : i32
      %jit3A = arith.constant 2 : i32
      %div3A = arith.divsi %add3A_75, %jit3A : i32
      %sign3A = arith.constant 0 : i32
      %sign3A_76 = arith.cmpi sgt, %add3A_75, %sign3A : i32
      %sign3A_77 = arith.extui %sign3A_76 : i1 to i32
      %sign3A_78 = arith.constant 0 : i32
      %sign3A_79 = arith.cmpi slt, %add3A_75, %sign3A_78 : i32
      %sign3A_80 = arith.extui %sign3A_79 : i1 to i32
      %sign3A_81 = arith.subi %sign3A_77, %sign3A_80 : i32
      %sign3A_82 = arith.constant 0 : i32
      %sign3A_83 = arith.cmpi sgt, %jit3A, %sign3A_82 : i32
      %sign3A_84 = arith.extui %sign3A_83 : i1 to i32
      %sign3A_85 = arith.constant 0 : i32
      %sign3A_86 = arith.cmpi slt, %jit3A, %sign3A_85 : i32
      %sign3A_87 = arith.extui %sign3A_86 : i1 to i32
      %sign3A_88 = arith.subi %sign3A_84, %sign3A_87 : i32
      %ne3A = arith.cmpi ne, %sign3A_81, %sign3A_88 : i32
      %rem3A = arith.remsi %add3A_75, %jit3A : i32
      %ne3A_89 = arith.constant 0 : i32
      %ne3A_90 = arith.cmpi ne, %rem3A, %ne3A_89 : i32
      %and3A = arith.andi %ne3A, %ne3A_90 : i1
      %sub3A = arith.constant 1 : i32
      %sub3A_91 = arith.subi %div3A, %sub3A : i32
      %select_n3A = arith.select %and3A, %sub3A_91, %div3A : i32
      %rem3A_92 = arith.constant 2 : i32
      %rem3A_93 = arith.remsi %select_n3A, %rem3A_92 : i32
      %jit3A_94 = arith.constant 2 : i32
      %div3A_95 = arith.divsi %add3A_75, %jit3A_94 : i32
      %sign3A_96 = arith.constant 0 : i32
      %sign3A_97 = arith.cmpi sgt, %add3A_75, %sign3A_96 : i32
      %sign3A_98 = arith.extui %sign3A_97 : i1 to i32
      %sign3A_99 = arith.constant 0 : i32
      %sign3A_100 = arith.cmpi slt, %add3A_75, %sign3A_99 : i32
      %sign3A_101 = arith.extui %sign3A_100 : i1 to i32
      %sign3A_102 = arith.subi %sign3A_98, %sign3A_101 : i32
      %sign3A_103 = arith.constant 0 : i32
      %sign3A_104 = arith.cmpi sgt, %jit3A_94, %sign3A_103 : i32
      %sign3A_105 = arith.extui %sign3A_104 : i1 to i32
      %sign3A_106 = arith.constant 0 : i32
      %sign3A_107 = arith.cmpi slt, %jit3A_94, %sign3A_106 : i32
      %sign3A_108 = arith.extui %sign3A_107 : i1 to i32
      %sign3A_109 = arith.subi %sign3A_105, %sign3A_108 : i32
      %ne3A_110 = arith.cmpi ne, %sign3A_102, %sign3A_109 : i32
      %rem3A_111 = arith.remsi %add3A_75, %jit3A_94 : i32
      %ne3A_112 = arith.constant 0 : i32
      %ne3A_113 = arith.cmpi ne, %rem3A_111, %ne3A_112 : i32
      %and3A_114 = arith.andi %ne3A_110, %ne3A_113 : i1
      %sub3A_115 = arith.constant 1 : i32
      %sub3A_116 = arith.subi %div3A_95, %sub3A_115 : i32
      %select_n3A_117 = arith.select %and3A_114, %sub3A_116, %div3A_95 : i32
      %add3A_118 = arith.constant 1 : i32
      %add3A_119 = arith.addi %select_n3A_117, %add3A_118 : i32
      %rem3A_120 = arith.constant 2 : i32
      %rem3A_121 = arith.remsi %add3A_119, %rem3A_120 : i32
      %add3A_122 = arith.constant 0 : i32
      %add3A_123 = arith.addi %add3A_75, %add3A_122 : i32
      %add3A_124 = arith.constant 1 : i32
      %add3A_125 = arith.addi %add3A_123, %add3A_124 : i32
      %lt3A = arith.constant 160 : i32
      %lt3A_126 = arith.cmpi slt, %add3A_125, %lt3A : i32
      %convert_element_type3A = arith.extui %lt3A_126 : i1 to i32
      %cond3A = arith.constant 0 : i32
      %cond3A_127 = arith.cmpi ne, %convert_element_type3A, %cond3A : i32
      scf.if %cond3A_127 {
        %gt3A = arith.constant 0 : i32
        %gt3A_197 = arith.cmpi sgt, %add3A_75, %gt3A : i32
        %convert_element_type3A_198 = arith.extui %gt3A_197 : i1 to i32
        %cond3A_199 = arith.constant 0 : i32
        %cond3A_200 = arith.cmpi ne, %convert_element_type3A_198, %cond3A_199 : i32
        scf.if %cond3A_200 {
          %dma_wait3A_216 = arith.constant 1 : i32
          %dma_wait3A_217 = arith.constant 1 : i32
          %dma_wait3A_218 = arith.constant 1 : i32
          %dma_wait3A_219 = arith.constant 0 : i32
          %dma_wait3A_220 = arith.constant 0 : i32
          %dma_wait3A_221 = tpu.memref_slice %arg8[%dma_wait3A_216, %dma_wait3A_219, %dma_wait3A_220] : memref<2x128x128xf32, #tpu.memory_space<vmem>> -> memref<1x128x128xf32, #tpu.memory_space<vmem>>
          %dma_wait3A_222 = tpu.memref_squeeze %dma_wait3A_221 : memref<1x128x128xf32, #tpu.memory_space<vmem>> -> memref<128x128xf32, #tpu.memory_space<vmem>>
          %dma_wait3A_223 = arith.constant 0 : i32
          %dma_wait3A_224 = tpu.memref_slice %arg7[%rem3A_121, %dma_wait3A_217, %dma_wait3A_223] : memref<2x2x128xi32, #tpu.memory_space<vmem>> -> memref<1x1x128xi32, #tpu.memory_space<vmem>>
          %dma_wait3A_225 = tpu.memref_squeeze %dma_wait3A_224 : memref<1x1x128xi32, #tpu.memory_space<vmem>> -> memref<128xi32, #tpu.memory_space<vmem>>
          %dma_wait3A_226 = arith.constant 0 : i32
          %dma_wait3A_227 = arith.constant 0 : i32
          %dma_wait3A_228 = tpu.memref_slice %arg9[%dma_wait3A_226, %dma_wait3A_227] : memref<10240x128xf32, #tpu.memory_space<vmem_shared>> -> memref<10240x128xf32, #tpu.memory_space<vmem_shared>>
          %dma_wait3A_229 = tpu.memref_slice %arg11[%dma_wait3A_218] : memref<2x!tpu.dma_semaphore, #tpu.memory_space<semaphore_mem>> -> memref<1x!tpu.dma_semaphore, #tpu.memory_space<semaphore_mem>>
          %dma_wait3A_230 = tpu.memref_squeeze %dma_wait3A_229 : memref<1x!tpu.dma_semaphore, #tpu.memory_space<semaphore_mem>> -> memref<!tpu.dma_semaphore, #tpu.memory_space<semaphore_mem>>
          tpu.wait_indirect_dma semaphore(%dma_wait3A_230 : memref<!tpu.dma_semaphore, #tpu.memory_space<semaphore_mem>>) src(%dma_wait3A_222 : memref<128x128xf32, #tpu.memory_space<vmem>>) dst(%dma_wait3A_228 : memref<10240x128xf32, #tpu.memory_space<vmem_shared>>)
        } else {
        }
        %dma_start3A_201 = arith.constant 1 : i32
        %dma_start3A_202 = arith.constant 1 : i32
        %dma_start3A_203 = arith.constant 1 : i32
        %dma_start3A_204 = arith.constant 0 : i32
        %dma_start3A_205 = arith.constant 0 : i32
        %dma_start3A_206 = tpu.memref_slice %arg8[%dma_start3A_202, %dma_start3A_204, %dma_start3A_205] : memref<2x128x128xf32, #tpu.memory_space<vmem>> -> memref<1x128x128xf32, #tpu.memory_space<vmem>>
        %dma_start3A_207 = tpu.memref_squeeze %dma_start3A_206 : memref<1x128x128xf32, #tpu.memory_space<vmem>> -> memref<128x128xf32, #tpu.memory_space<vmem>>
        %dma_start3A_208 = arith.constant 0 : i32
        %dma_start3A_209 = tpu.memref_slice %arg6[%rem3A_93, %dma_start3A_201, %dma_start3A_208] : memref<2x2x128xi32, #tpu.memory_space<vmem>> -> memref<1x1x128xi32, #tpu.memory_space<vmem>>
        %dma_start3A_210 = tpu.memref_squeeze %dma_start3A_209 : memref<1x1x128xi32, #tpu.memory_space<vmem>> -> memref<128xi32, #tpu.memory_space<vmem>>
        %dma_start3A_211 = arith.constant 0 : i32
        %dma_start3A_212 = arith.constant 0 : i32
        %dma_start3A_213 = tpu.memref_slice %arg2[%dma_start3A_211, %dma_start3A_212] : memref<20480x128xf32, #tpu.memory_space<hbm>> -> memref<20480x128xf32, #tpu.memory_space<hbm>>
        %dma_start3A_214 = tpu.memref_slice %arg10[%dma_start3A_203] : memref<2x!tpu.dma_semaphore, #tpu.memory_space<semaphore_mem>> -> memref<1x!tpu.dma_semaphore, #tpu.memory_space<semaphore_mem>>
        %dma_start3A_215 = tpu.memref_squeeze %dma_start3A_214 : memref<1x!tpu.dma_semaphore, #tpu.memory_space<semaphore_mem>> -> memref<!tpu.dma_semaphore, #tpu.memory_space<semaphore_mem>>
        tpu.enqueue_indirect_dma source(%dma_start3A_213 : memref<20480x128xf32, #tpu.memory_space<hbm>>) target(%dma_start3A_207 : memref<128x128xf32, #tpu.memory_space<vmem>>) offsets(%dma_start3A_210 : memref<128xi32, #tpu.memory_space<vmem>>) semaphore(%dma_start3A_215 : memref<!tpu.dma_semaphore, #tpu.memory_space<semaphore_mem>>)
      } else {
      }
      %dma_wait3A_128 = arith.constant 0 : i32
      %dma_wait3A_129 = arith.constant 0 : i32
      %dma_wait3A_130 = arith.constant 0 : i32
      %dma_wait3A_131 = arith.constant 0 : i32
      %dma_wait3A_132 = arith.constant 0 : i32
      %dma_wait3A_133 = tpu.memref_slice %arg8[%dma_wait3A_129, %dma_wait3A_131, %dma_wait3A_132] : memref<2x128x128xf32, #tpu.memory_space<vmem>> -> memref<1x128x128xf32, #tpu.memory_space<vmem>>
      %dma_wait3A_134 = tpu.memref_squeeze %dma_wait3A_133 : memref<1x128x128xf32, #tpu.memory_space<vmem>> -> memref<128x128xf32, #tpu.memory_space<vmem>>
      %dma_wait3A_135 = arith.constant 0 : i32
      %dma_wait3A_136 = tpu.memref_slice %arg6[%rem3A_93, %dma_wait3A_128, %dma_wait3A_135] : memref<2x2x128xi32, #tpu.memory_space<vmem>> -> memref<1x1x128xi32, #tpu.memory_space<vmem>>
      %dma_wait3A_137 = tpu.memref_squeeze %dma_wait3A_136 : memref<1x1x128xi32, #tpu.memory_space<vmem>> -> memref<128xi32, #tpu.memory_space<vmem>>
      %dma_wait3A_138 = arith.constant 0 : i32
      %dma_wait3A_139 = arith.constant 0 : i32
      %dma_wait3A_140 = tpu.memref_slice %arg2[%dma_wait3A_138, %dma_wait3A_139] : memref<20480x128xf32, #tpu.memory_space<hbm>> -> memref<20480x128xf32, #tpu.memory_space<hbm>>
      %dma_wait3A_141 = tpu.memref_slice %arg10[%dma_wait3A_130] : memref<2x!tpu.dma_semaphore, #tpu.memory_space<semaphore_mem>> -> memref<1x!tpu.dma_semaphore, #tpu.memory_space<semaphore_mem>>
      %dma_wait3A_142 = tpu.memref_squeeze %dma_wait3A_141 : memref<1x!tpu.dma_semaphore, #tpu.memory_space<semaphore_mem>> -> memref<!tpu.dma_semaphore, #tpu.memory_space<semaphore_mem>>
      tpu.wait_indirect_dma semaphore(%dma_wait3A_142 : memref<!tpu.dma_semaphore, #tpu.memory_space<semaphore_mem>>) src(%dma_wait3A_140 : memref<20480x128xf32, #tpu.memory_space<hbm>>) dst(%dma_wait3A_134 : memref<128x128xf32, #tpu.memory_space<vmem>>)
      %dma_start3A_143 = arith.constant 0 : i32
      %dma_start3A_144 = arith.constant 0 : i32
      %dma_start3A_145 = arith.constant 0 : i32
      %dma_start3A_146 = arith.constant 0 : i32
      %dma_start3A_147 = arith.constant 0 : i32
      %dma_start3A_148 = tpu.memref_slice %arg8[%dma_start3A_143, %dma_start3A_146, %dma_start3A_147] : memref<2x128x128xf32, #tpu.memory_space<vmem>> -> memref<1x128x128xf32, #tpu.memory_space<vmem>>
      %dma_start3A_149 = tpu.memref_squeeze %dma_start3A_148 : memref<1x128x128xf32, #tpu.memory_space<vmem>> -> memref<128x128xf32, #tpu.memory_space<vmem>>
      %dma_start3A_150 = arith.constant 0 : i32
      %dma_start3A_151 = tpu.memref_slice %arg7[%rem3A_93, %dma_start3A_144, %dma_start3A_150] : memref<2x2x128xi32, #tpu.memory_space<vmem>> -> memref<1x1x128xi32, #tpu.memory_space<vmem>>
      %dma_start3A_152 = tpu.memref_squeeze %dma_start3A_151 : memref<1x1x128xi32, #tpu.memory_space<vmem>> -> memref<128xi32, #tpu.memory_space<vmem>>
      %dma_start3A_153 = arith.constant 0 : i32
      %dma_start3A_154 = arith.constant 0 : i32
      %dma_start3A_155 = tpu.memref_slice %arg9[%dma_start3A_153, %dma_start3A_154] : memref<10240x128xf32, #tpu.memory_space<vmem_shared>> -> memref<10240x128xf32, #tpu.memory_space<vmem_shared>>
      %dma_start3A_156 = tpu.memref_slice %arg11[%dma_start3A_145] : memref<2x!tpu.dma_semaphore, #tpu.memory_space<semaphore_mem>> -> memref<1x!tpu.dma_semaphore, #tpu.memory_space<semaphore_mem>>
      %dma_start3A_157 = tpu.memref_squeeze %dma_start3A_156 : memref<1x!tpu.dma_semaphore, #tpu.memory_space<semaphore_mem>> -> memref<!tpu.dma_semaphore, #tpu.memory_space<semaphore_mem>>
      tpu.enqueue_indirect_dma source(%dma_start3A_149 : memref<128x128xf32, #tpu.memory_space<vmem>>) target(%dma_start3A_155 : memref<10240x128xf32, #tpu.memory_space<vmem_shared>>) offsets(%dma_start3A_152 : memref<128xi32, #tpu.memory_space<vmem>>) semaphore(%dma_start3A_157 : memref<!tpu.dma_semaphore, #tpu.memory_space<semaphore_mem>>) {add = true}
      %add3A_158 = arith.constant 1 : i32
      %add3A_159 = arith.addi %add3A_75, %add3A_158 : i32
      %add3A_160 = arith.constant 1 : i32
      %add3A_161 = arith.addi %add3A_159, %add3A_160 : i32
      %lt3A_162 = arith.constant 160 : i32
      %lt3A_163 = arith.cmpi slt, %add3A_161, %lt3A_162 : i32
      %convert_element_type3A_164 = arith.extui %lt3A_163 : i1 to i32
      %cond3A_165 = arith.constant 0 : i32
      %cond3A_166 = arith.cmpi ne, %convert_element_type3A_164, %cond3A_165 : i32
      scf.if %cond3A_166 {
        %add3A_197 = arith.addi %add3A_9, %add3A_75 : i32
        %add3A_198 = arith.constant 2 : i32
        %add3A_199 = arith.addi %add3A_197, %add3A_198 : i32
        "tpu.region"() ({
          %run_scoped3A_233 = tpu.sem_alloc : memref<!tpu.dma_semaphore, #tpu.memory_space<semaphore_mem>>
          %dma_start3A_234 = arith.constant 0 : i32
          %dma_start3A_235 = arith.constant 0 : i32
          %dma_start3A_236 = tpu.memref_slice %arg6[%rem3A_121, %dma_start3A_234, %dma_start3A_235] : memref<2x2x128xi32, #tpu.memory_space<vmem>> -> memref<1x2x128xi32, #tpu.memory_space<vmem>>
          %dma_start3A_237 = tpu.memref_squeeze %dma_start3A_236 : memref<1x2x128xi32, #tpu.memory_space<vmem>> -> memref<2x128xi32, #tpu.memory_space<vmem>>
          %dma_start3A_238 = arith.constant 0 : i32
          %dma_start3A_239 = tpu.memref_slice %arg3[%add3A_199, %dma_start3A_238] : memref<5120x128xi32, #tpu.memory_space<hbm>> -> memref<2x128xi32, #tpu.memory_space<hbm>>
          %dma_start3A_240 = arith.constant 0 : i32
          %dma_start3A_241 = arith.constant 0 : i32
          %dma_start3A_242 = tpu.memref_slice %arg6[%rem3A_121, %dma_start3A_240, %dma_start3A_241] : memref<2x2x128xi32, #tpu.memory_space<vmem>> -> memref<1x2x128xi32, #tpu.memory_space<vmem>>
          %dma_start3A_243 = tpu.memref_squeeze %dma_start3A_242 : memref<1x2x128xi32, #tpu.memory_space<vmem>> -> memref<2x128xi32, #tpu.memory_space<vmem>>
          %dma_start3A_244 = arith.constant 0 : i32
          %dma_start3A_245 = tpu.memref_slice %arg3[%add3A_199, %dma_start3A_244] : memref<5120x128xi32, #tpu.memory_space<hbm>> -> memref<2x128xi32, #tpu.memory_space<hbm>>
          tpu.enqueue_dma source(%dma_start3A_245 : memref<2x128xi32, #tpu.memory_space<hbm>>) target(%dma_start3A_243 : memref<2x128xi32, #tpu.memory_space<vmem>>) target_semaphore(%run_scoped3A_233 : memref<!tpu.dma_semaphore, #tpu.memory_space<semaphore_mem>>)
          %dma_wait3A_246 = arith.constant 0 : i32
          %dma_wait3A_247 = arith.constant 0 : i32
          %dma_wait3A_248 = tpu.memref_slice %arg6[%rem3A_121, %dma_wait3A_246, %dma_wait3A_247] : memref<2x2x128xi32, #tpu.memory_space<vmem>> -> memref<1x2x128xi32, #tpu.memory_space<vmem>>
          %dma_wait3A_249 = tpu.memref_squeeze %dma_wait3A_248 : memref<1x2x128xi32, #tpu.memory_space<vmem>> -> memref<2x128xi32, #tpu.memory_space<vmem>>
          %dma_wait3A_250 = arith.constant 0 : i32
          %dma_wait3A_251 = tpu.memref_slice %arg3[%add3A_199, %dma_wait3A_250] : memref<5120x128xi32, #tpu.memory_space<hbm>> -> memref<2x128xi32, #tpu.memory_space<hbm>>
          %dma_wait3A_252 = arith.constant 0 : i32
          %dma_wait3A_253 = arith.constant 0 : i32
          %dma_wait3A_254 = tpu.memref_slice %arg6[%rem3A_121, %dma_wait3A_252, %dma_wait3A_253] : memref<2x2x128xi32, #tpu.memory_space<vmem>> -> memref<1x2x128xi32, #tpu.memory_space<vmem>>
          %dma_wait3A_255 = tpu.memref_squeeze %dma_wait3A_254 : memref<1x2x128xi32, #tpu.memory_space<vmem>> -> memref<2x128xi32, #tpu.memory_space<vmem>>
          %dma_wait3A_256 = arith.constant 0 : i32
          %dma_wait3A_257 = tpu.memref_slice %arg3[%add3A_199, %dma_wait3A_256] : memref<5120x128xi32, #tpu.memory_space<hbm>> -> memref<2x128xi32, #tpu.memory_space<hbm>>
          tpu.wait_dma2 semaphore(%run_scoped3A_233 : memref<!tpu.dma_semaphore, #tpu.memory_space<semaphore_mem>>) src(%dma_wait3A_257 : memref<2x128xi32, #tpu.memory_space<hbm>>) dst(%dma_wait3A_255 : memref<2x128xi32, #tpu.memory_space<vmem>>)
          tpu.yield
        }) : () -> ()
        %add3A_200 = arith.addi %mul3A_11, %add3A_75 : i32
        %add3A_201 = arith.constant 2 : i32
        %add3A_202 = arith.addi %add3A_200, %add3A_201 : i32
        "tpu.region"() ({
          %run_scoped3A_233 = tpu.sem_alloc : memref<!tpu.dma_semaphore, #tpu.memory_space<semaphore_mem>>
          %dma_start3A_234 = arith.constant 0 : i32
          %dma_start3A_235 = arith.constant 0 : i32
          %dma_start3A_236 = tpu.memref_slice %arg7[%rem3A_121, %dma_start3A_234, %dma_start3A_235] : memref<2x2x128xi32, #tpu.memory_space<vmem>> -> memref<1x2x128xi32, #tpu.memory_space<vmem>>
          %dma_start3A_237 = tpu.memref_squeeze %dma_start3A_236 : memref<1x2x128xi32, #tpu.memory_space<vmem>> -> memref<2x128xi32, #tpu.memory_space<vmem>>
          %dma_start3A_238 = arith.constant 0 : i32
          %dma_start3A_239 = tpu.memref_slice %arg4[%add3A_202, %dma_start3A_238] : memref<2560x128xi32, #tpu.memory_space<hbm>> -> memref<2x128xi32, #tpu.memory_space<hbm>>
          %dma_start3A_240 = arith.constant 0 : i32
          %dma_start3A_241 = arith.constant 0 : i32
          %dma_start3A_242 = tpu.memref_slice %arg7[%rem3A_121, %dma_start3A_240, %dma_start3A_241] : memref<2x2x128xi32, #tpu.memory_space<vmem>> -> memref<1x2x128xi32, #tpu.memory_space<vmem>>
          %dma_start3A_243 = tpu.memref_squeeze %dma_start3A_242 : memref<1x2x128xi32, #tpu.memory_space<vmem>> -> memref<2x128xi32, #tpu.memory_space<vmem>>
          %dma_start3A_244 = arith.constant 0 : i32
          %dma_start3A_245 = tpu.memref_slice %arg4[%add3A_202, %dma_start3A_244] : memref<2560x128xi32, #tpu.memory_space<hbm>> -> memref<2x128xi32, #tpu.memory_space<hbm>>
          tpu.enqueue_dma source(%dma_start3A_245 : memref<2x128xi32, #tpu.memory_space<hbm>>) target(%dma_start3A_243 : memref<2x128xi32, #tpu.memory_space<vmem>>) target_semaphore(%run_scoped3A_233 : memref<!tpu.dma_semaphore, #tpu.memory_space<semaphore_mem>>)
          %dma_wait3A_246 = arith.constant 0 : i32
          %dma_wait3A_247 = arith.constant 0 : i32
          %dma_wait3A_248 = tpu.memref_slice %arg7[%rem3A_121, %dma_wait3A_246, %dma_wait3A_247] : memref<2x2x128xi32, #tpu.memory_space<vmem>> -> memref<1x2x128xi32, #tpu.memory_space<vmem>>
          %dma_wait3A_249 = tpu.memref_squeeze %dma_wait3A_248 : memref<1x2x128xi32, #tpu.memory_space<vmem>> -> memref<2x128xi32, #tpu.memory_space<vmem>>
          %dma_wait3A_250 = arith.constant 0 : i32
          %dma_wait3A_251 = tpu.memref_slice %arg4[%add3A_202, %dma_wait3A_250] : memref<2560x128xi32, #tpu.memory_space<hbm>> -> memref<2x128xi32, #tpu.memory_space<hbm>>
          %dma_wait3A_252 = arith.constant 0 : i32
          %dma_wait3A_253 = arith.constant 0 : i32
          %dma_wait3A_254 = tpu.memref_slice %arg7[%rem3A_121, %dma_wait3A_252, %dma_wait3A_253] : memref<2x2x128xi32, #tpu.memory_space<vmem>> -> memref<1x2x128xi32, #tpu.memory_space<vmem>>
          %dma_wait3A_255 = tpu.memref_squeeze %dma_wait3A_254 : memref<1x2x128xi32, #tpu.memory_space<vmem>> -> memref<2x128xi32, #tpu.memory_space<vmem>>
          %dma_wait3A_256 = arith.constant 0 : i32
          %dma_wait3A_257 = tpu.memref_slice %arg4[%add3A_202, %dma_wait3A_256] : memref<2560x128xi32, #tpu.memory_space<hbm>> -> memref<2x128xi32, #tpu.memory_space<hbm>>
          tpu.wait_dma2 semaphore(%run_scoped3A_233 : memref<!tpu.dma_semaphore, #tpu.memory_space<semaphore_mem>>) src(%dma_wait3A_257 : memref<2x128xi32, #tpu.memory_space<hbm>>) dst(%dma_wait3A_255 : memref<2x128xi32, #tpu.memory_space<vmem>>)
          tpu.yield
        }) : () -> ()
        %dma_wait3A_203 = arith.constant 0 : i32
        %dma_wait3A_204 = arith.constant 0 : i32
        %dma_wait3A_205 = arith.constant 0 : i32
        %dma_wait3A_206 = arith.constant 0 : i32
        %dma_wait3A_207 = arith.constant 0 : i32
        %dma_wait3A_208 = tpu.memref_slice %arg8[%dma_wait3A_203, %dma_wait3A_206, %dma_wait3A_207] : memref<2x128x128xf32, #tpu.memory_space<vmem>> -> memref<1x128x128xf32, #tpu.memory_space<vmem>>
        %dma_wait3A_209 = tpu.memref_squeeze %dma_wait3A_208 : memref<1x128x128xf32, #tpu.memory_space<vmem>> -> memref<128x128xf32, #tpu.memory_space<vmem>>
        %dma_wait3A_210 = arith.constant 0 : i32
        %dma_wait3A_211 = tpu.memref_slice %arg7[%rem3A_93, %dma_wait3A_204, %dma_wait3A_210] : memref<2x2x128xi32, #tpu.memory_space<vmem>> -> memref<1x1x128xi32, #tpu.memory_space<vmem>>
        %dma_wait3A_212 = tpu.memref_squeeze %dma_wait3A_211 : memref<1x1x128xi32, #tpu.memory_space<vmem>> -> memref<128xi32, #tpu.memory_space<vmem>>
        %dma_wait3A_213 = arith.constant 0 : i32
        %dma_wait3A_214 = arith.constant 0 : i32
        %dma_wait3A_215 = tpu.memref_slice %arg9[%dma_wait3A_213, %dma_wait3A_214] : memref<10240x128xf32, #tpu.memory_space<vmem_shared>> -> memref<10240x128xf32, #tpu.memory_space<vmem_shared>>
        %dma_wait3A_216 = tpu.memref_slice %arg11[%dma_wait3A_205] : memref<2x!tpu.dma_semaphore, #tpu.memory_space<semaphore_mem>> -> memref<1x!tpu.dma_semaphore, #tpu.memory_space<semaphore_mem>>
        %dma_wait3A_217 = tpu.memref_squeeze %dma_wait3A_216 : memref<1x!tpu.dma_semaphore, #tpu.memory_space<semaphore_mem>> -> memref<!tpu.dma_semaphore, #tpu.memory_space<semaphore_mem>>
        tpu.wait_indirect_dma semaphore(%dma_wait3A_217 : memref<!tpu.dma_semaphore, #tpu.memory_space<semaphore_mem>>) src(%dma_wait3A_209 : memref<128x128xf32, #tpu.memory_space<vmem>>) dst(%dma_wait3A_215 : memref<10240x128xf32, #tpu.memory_space<vmem_shared>>)
        %dma_start3A_218 = arith.constant 0 : i32
        %dma_start3A_219 = arith.constant 0 : i32
        %dma_start3A_220 = arith.constant 0 : i32
        %dma_start3A_221 = arith.constant 0 : i32
        %dma_start3A_222 = arith.constant 0 : i32
        %dma_start3A_223 = tpu.memref_slice %arg8[%dma_start3A_219, %dma_start3A_221, %dma_start3A_222] : memref<2x128x128xf32, #tpu.memory_space<vmem>> -> memref<1x128x128xf32, #tpu.memory_space<vmem>>
        %dma_start3A_224 = tpu.memref_squeeze %dma_start3A_223 : memref<1x128x128xf32, #tpu.memory_space<vmem>> -> memref<128x128xf32, #tpu.memory_space<vmem>>
        %dma_start3A_225 = arith.constant 0 : i32
        %dma_start3A_226 = tpu.memref_slice %arg6[%rem3A_121, %dma_start3A_218, %dma_start3A_225] : memref<2x2x128xi32, #tpu.memory_space<vmem>> -> memref<1x1x128xi32, #tpu.memory_space<vmem>>
        %dma_start3A_227 = tpu.memref_squeeze %dma_start3A_226 : memref<1x1x128xi32, #tpu.memory_space<vmem>> -> memref<128xi32, #tpu.memory_space<vmem>>
        %dma_start3A_228 = arith.constant 0 : i32
        %dma_start3A_229 = arith.constant 0 : i32
        %dma_start3A_230 = tpu.memref_slice %arg2[%dma_start3A_228, %dma_start3A_229] : memref<20480x128xf32, #tpu.memory_space<hbm>> -> memref<20480x128xf32, #tpu.memory_space<hbm>>
        %dma_start3A_231 = tpu.memref_slice %arg10[%dma_start3A_220] : memref<2x!tpu.dma_semaphore, #tpu.memory_space<semaphore_mem>> -> memref<1x!tpu.dma_semaphore, #tpu.memory_space<semaphore_mem>>
        %dma_start3A_232 = tpu.memref_squeeze %dma_start3A_231 : memref<1x!tpu.dma_semaphore, #tpu.memory_space<semaphore_mem>> -> memref<!tpu.dma_semaphore, #tpu.memory_space<semaphore_mem>>
        tpu.enqueue_indirect_dma source(%dma_start3A_230 : memref<20480x128xf32, #tpu.memory_space<hbm>>) target(%dma_start3A_224 : memref<128x128xf32, #tpu.memory_space<vmem>>) offsets(%dma_start3A_227 : memref<128xi32, #tpu.memory_space<vmem>>) semaphore(%dma_start3A_232 : memref<!tpu.dma_semaphore, #tpu.memory_space<semaphore_mem>>)
      } else {
      }
      %dma_wait3A_167 = arith.constant 1 : i32
      %dma_wait3A_168 = arith.constant 1 : i32
      %dma_wait3A_169 = arith.constant 1 : i32
      %dma_wait3A_170 = arith.constant 0 : i32
      %dma_wait3A_171 = arith.constant 0 : i32
      %dma_wait3A_172 = tpu.memref_slice %arg8[%dma_wait3A_168, %dma_wait3A_170, %dma_wait3A_171] : memref<2x128x128xf32, #tpu.memory_space<vmem>> -> memref<1x128x128xf32, #tpu.memory_space<vmem>>
      %dma_wait3A_173 = tpu.memref_squeeze %dma_wait3A_172 : memref<1x128x128xf32, #tpu.memory_space<vmem>> -> memref<128x128xf32, #tpu.memory_space<vmem>>
      %dma_wait3A_174 = arith.constant 0 : i32
      %dma_wait3A_175 = tpu.memref_slice %arg6[%rem3A_93, %dma_wait3A_167, %dma_wait3A_174] : memref<2x2x128xi32, #tpu.memory_space<vmem>> -> memref<1x1x128xi32, #tpu.memory_space<vmem>>
      %dma_wait3A_176 = tpu.memref_squeeze %dma_wait3A_175 : memref<1x1x128xi32, #tpu.memory_space<vmem>> -> memref<128xi32, #tpu.memory_space<vmem>>
      %dma_wait3A_177 = arith.constant 0 : i32
      %dma_wait3A_178 = arith.constant 0 : i32
      %dma_wait3A_179 = tpu.memref_slice %arg2[%dma_wait3A_177, %dma_wait3A_178] : memref<20480x128xf32, #tpu.memory_space<hbm>> -> memref<20480x128xf32, #tpu.memory_space<hbm>>
      %dma_wait3A_180 = tpu.memref_slice %arg10[%dma_wait3A_169] : memref<2x!tpu.dma_semaphore, #tpu.memory_space<semaphore_mem>> -> memref<1x!tpu.dma_semaphore, #tpu.memory_space<semaphore_mem>>
      %dma_wait3A_181 = tpu.memref_squeeze %dma_wait3A_180 : memref<1x!tpu.dma_semaphore, #tpu.memory_space<semaphore_mem>> -> memref<!tpu.dma_semaphore, #tpu.memory_space<semaphore_mem>>
      tpu.wait_indirect_dma semaphore(%dma_wait3A_181 : memref<!tpu.dma_semaphore, #tpu.memory_space<semaphore_mem>>) src(%dma_wait3A_179 : memref<20480x128xf32, #tpu.memory_space<hbm>>) dst(%dma_wait3A_173 : memref<128x128xf32, #tpu.memory_space<vmem>>)
      %dma_start3A_182 = arith.constant 1 : i32
      %dma_start3A_183 = arith.constant 1 : i32
      %dma_start3A_184 = arith.constant 1 : i32
      %dma_start3A_185 = arith.constant 0 : i32
      %dma_start3A_186 = arith.constant 0 : i32
      %dma_start3A_187 = tpu.memref_slice %arg8[%dma_start3A_182, %dma_start3A_185, %dma_start3A_186] : memref<2x128x128xf32, #tpu.memory_space<vmem>> -> memref<1x128x128xf32, #tpu.memory_space<vmem>>
      %dma_start3A_188 = tpu.memref_squeeze %dma_start3A_187 : memref<1x128x128xf32, #tpu.memory_space<vmem>> -> memref<128x128xf32, #tpu.memory_space<vmem>>
      %dma_start3A_189 = arith.constant 0 : i32
      %dma_start3A_190 = tpu.memref_slice %arg7[%rem3A_93, %dma_start3A_183, %dma_start3A_189] : memref<2x2x128xi32, #tpu.memory_space<vmem>> -> memref<1x1x128xi32, #tpu.memory_space<vmem>>
      %dma_start3A_191 = tpu.memref_squeeze %dma_start3A_190 : memref<1x1x128xi32, #tpu.memory_space<vmem>> -> memref<128xi32, #tpu.memory_space<vmem>>
      %dma_start3A_192 = arith.constant 0 : i32
      %dma_start3A_193 = arith.constant 0 : i32
      %dma_start3A_194 = tpu.memref_slice %arg9[%dma_start3A_192, %dma_start3A_193] : memref<10240x128xf32, #tpu.memory_space<vmem_shared>> -> memref<10240x128xf32, #tpu.memory_space<vmem_shared>>
      %dma_start3A_195 = tpu.memref_slice %arg11[%dma_start3A_184] : memref<2x!tpu.dma_semaphore, #tpu.memory_space<semaphore_mem>> -> memref<1x!tpu.dma_semaphore, #tpu.memory_space<semaphore_mem>>
      %dma_start3A_196 = tpu.memref_squeeze %dma_start3A_195 : memref<1x!tpu.dma_semaphore, #tpu.memory_space<semaphore_mem>> -> memref<!tpu.dma_semaphore, #tpu.memory_space<semaphore_mem>>
      tpu.enqueue_indirect_dma source(%dma_start3A_188 : memref<128x128xf32, #tpu.memory_space<vmem>>) target(%dma_start3A_194 : memref<10240x128xf32, #tpu.memory_space<vmem_shared>>) offsets(%dma_start3A_191 : memref<128xi32, #tpu.memory_space<vmem>>) semaphore(%dma_start3A_196 : memref<!tpu.dma_semaphore, #tpu.memory_space<semaphore_mem>>) {add = true}
    }
    %scan3A_31 = arith.constant 80 : i32
    %dma_wait3A = arith.constant 0 : i32
    %dma_wait3A_32 = arith.constant 1 : i32
    %dma_wait3A_33 = arith.constant 0 : i32
    %dma_wait3A_34 = arith.constant 0 : i32
    %dma_wait3A_35 = arith.constant 0 : i32
    %dma_wait3A_36 = arith.constant 0 : i32
    %dma_wait3A_37 = tpu.memref_slice %arg8[%dma_wait3A, %dma_wait3A_35, %dma_wait3A_36] : memref<2x128x128xf32, #tpu.memory_space<vmem>> -> memref<1x128x128xf32, #tpu.memory_space<vmem>>
    %dma_wait3A_38 = tpu.memref_squeeze %dma_wait3A_37 : memref<1x128x128xf32, #tpu.memory_space<vmem>> -> memref<128x128xf32, #tpu.memory_space<vmem>>
    %dma_wait3A_39 = arith.constant 0 : i32
    %dma_wait3A_40 = tpu.memref_slice %arg7[%dma_wait3A_32, %dma_wait3A_33, %dma_wait3A_39] : memref<2x2x128xi32, #tpu.memory_space<vmem>> -> memref<1x1x128xi32, #tpu.memory_space<vmem>>
    %dma_wait3A_41 = tpu.memref_squeeze %dma_wait3A_40 : memref<1x1x128xi32, #tpu.memory_space<vmem>> -> memref<128xi32, #tpu.memory_space<vmem>>
    %dma_wait3A_42 = arith.constant 0 : i32
    %dma_wait3A_43 = arith.constant 0 : i32
    %dma_wait3A_44 = tpu.memref_slice %arg9[%dma_wait3A_42, %dma_wait3A_43] : memref<10240x128xf32, #tpu.memory_space<vmem_shared>> -> memref<10240x128xf32, #tpu.memory_space<vmem_shared>>
    %dma_wait3A_45 = tpu.memref_slice %arg11[%dma_wait3A_34] : memref<2x!tpu.dma_semaphore, #tpu.memory_space<semaphore_mem>> -> memref<1x!tpu.dma_semaphore, #tpu.memory_space<semaphore_mem>>
    %dma_wait3A_46 = tpu.memref_squeeze %dma_wait3A_45 : memref<1x!tpu.dma_semaphore, #tpu.memory_space<semaphore_mem>> -> memref<!tpu.dma_semaphore, #tpu.memory_space<semaphore_mem>>
    tpu.wait_indirect_dma semaphore(%dma_wait3A_46 : memref<!tpu.dma_semaphore, #tpu.memory_space<semaphore_mem>>) src(%dma_wait3A_38 : memref<128x128xf32, #tpu.memory_space<vmem>>) dst(%dma_wait3A_44 : memref<10240x128xf32, #tpu.memory_space<vmem_shared>>)
    %dma_wait3A_47 = arith.constant 1 : i32
    %dma_wait3A_48 = arith.constant 1 : i32
    %dma_wait3A_49 = arith.constant 1 : i32
    %dma_wait3A_50 = arith.constant 1 : i32
    %dma_wait3A_51 = arith.constant 0 : i32
    %dma_wait3A_52 = arith.constant 0 : i32
    %dma_wait3A_53 = tpu.memref_slice %arg8[%dma_wait3A_47, %dma_wait3A_51, %dma_wait3A_52] : memref<2x128x128xf32, #tpu.memory_space<vmem>> -> memref<1x128x128xf32, #tpu.memory_space<vmem>>
    %dma_wait3A_54 = tpu.memref_squeeze %dma_wait3A_53 : memref<1x128x128xf32, #tpu.memory_space<vmem>> -> memref<128x128xf32, #tpu.memory_space<vmem>>
    %dma_wait3A_55 = arith.constant 0 : i32
    %dma_wait3A_56 = tpu.memref_slice %arg7[%dma_wait3A_48, %dma_wait3A_49, %dma_wait3A_55] : memref<2x2x128xi32, #tpu.memory_space<vmem>> -> memref<1x1x128xi32, #tpu.memory_space<vmem>>
    %dma_wait3A_57 = tpu.memref_squeeze %dma_wait3A_56 : memref<1x1x128xi32, #tpu.memory_space<vmem>> -> memref<128xi32, #tpu.memory_space<vmem>>
    %dma_wait3A_58 = arith.constant 0 : i32
    %dma_wait3A_59 = arith.constant 0 : i32
    %dma_wait3A_60 = tpu.memref_slice %arg9[%dma_wait3A_58, %dma_wait3A_59] : memref<10240x128xf32, #tpu.memory_space<vmem_shared>> -> memref<10240x128xf32, #tpu.memory_space<vmem_shared>>
    %dma_wait3A_61 = tpu.memref_slice %arg11[%dma_wait3A_50] : memref<2x!tpu.dma_semaphore, #tpu.memory_space<semaphore_mem>> -> memref<1x!tpu.dma_semaphore, #tpu.memory_space<semaphore_mem>>
    %dma_wait3A_62 = tpu.memref_squeeze %dma_wait3A_61 : memref<1x!tpu.dma_semaphore, #tpu.memory_space<semaphore_mem>> -> memref<!tpu.dma_semaphore, #tpu.memory_space<semaphore_mem>>
    tpu.wait_indirect_dma semaphore(%dma_wait3A_62 : memref<!tpu.dma_semaphore, #tpu.memory_space<semaphore_mem>>) src(%dma_wait3A_54 : memref<128x128xf32, #tpu.memory_space<vmem>>) dst(%dma_wait3A_60 : memref<10240x128xf32, #tpu.memory_space<vmem_shared>>)
    %barrier3A_63 = arith.constant 0 : index
    tpu.barrier barrier_id(%barrier3A_63)
    %mul3A_64 = arith.constant 640 : i32
    %mul3A_65 = arith.muli %arg1, %mul3A_64 : i32
    %mul3A_66 = arith.constant 10240 : i32
    %mul3A_67 = arith.muli %arg0, %mul3A_66 : i32
    %mul3A_68 = arith.constant 640 : i32
    %mul3A_69 = arith.muli %arg1, %mul3A_68 : i32
    %add3A_70 = arith.addi %mul3A_67, %mul3A_69 : i32
    "tpu.region"() ({
      %run_scoped3A_71 = tpu.sem_alloc : memref<!tpu.dma_semaphore, #tpu.memory_space<semaphore_mem>>
      %dma_start3A_72 = arith.constant 0 : i32
      %dma_start3A_73 = tpu.memref_slice %arg5[%add3A_70, %dma_start3A_72] : memref<20480x128xf32, #tpu.memory_space<hbm>> -> memref<640x128xf32, #tpu.memory_space<hbm>>
      %dma_start3A_74 = arith.constant 0 : i32
      %dma_start3A_75 = tpu.memref_slice %arg9[%mul3A_65, %dma_start3A_74] : memref<10240x128xf32, #tpu.memory_space<vmem_shared>> -> memref<640x128xf32, #tpu.memory_space<vmem_shared>>
      tpu.enqueue_dma source(%dma_start3A_75 : memref<640x128xf32, #tpu.memory_space<vmem_shared>>) target(%dma_start3A_73 : memref<640x128xf32, #tpu.memory_space<hbm>>) target_semaphore(%run_scoped3A_71 : memref<!tpu.dma_semaphore, #tpu.memory_space<semaphore_mem>>)
      %dma_wait3A_76 = arith.constant 0 : i32
      %dma_wait3A_77 = tpu.memref_slice %arg5[%add3A_70, %dma_wait3A_76] : memref<20480x128xf32, #tpu.memory_space<hbm>> -> memref<640x128xf32, #tpu.memory_space<hbm>>
      %dma_wait3A_78 = arith.constant 0 : i32
      %dma_wait3A_79 = tpu.memref_slice %arg9[%mul3A_65, %dma_wait3A_78] : memref<10240x128xf32, #tpu.memory_space<vmem_shared>> -> memref<640x128xf32, #tpu.memory_space<vmem_shared>>
      tpu.wait_dma2 semaphore(%run_scoped3A_71 : memref<!tpu.dma_semaphore, #tpu.memory_space<semaphore_mem>>) src(%dma_wait3A_79 : memref<640x128xf32, #tpu.memory_space<vmem_shared>>) dst(%dma_wait3A_77 : memref<640x128xf32, #tpu.memory_space<hbm>>)
      tpu.yield
    }) : () -> ()
    return
  }
}

module attributes {stable_mosaic.version = 14 : i64} {
  func.func @_k2_body(%arg0: i32, %arg1: memref<1024x128xf32, #tpu.memory_space<vmem>>, %arg2: memref<2x1024x128xf32, #tpu.memory_space<vmem>>, %arg3: memref<256x128xf32, #tpu.memory_space<vmem>>, %arg4: memref<2x1024x128xf32, #tpu.memory_space<vmem>>) attributes {dimension_semantics = [#tpu.dimension_semantics<arbitrary>], iteration_bounds = array<i64: 10>, scalar_prefetch = 0 : i64, scratch_operands = 0 : i64, tpu.core_type = #tpu.core_type<tc>, window_params = [{transform_indices = @transform_0, window_bounds = array<i64: 1024, 128>}, {transform_indices = @transform_1, window_bounds = array<i64: 2, 1024, 128>}, {pipeline_mode = #tpu.pipeline_mode<synchronous>, transform_indices = @transform_2, window_bounds = array<i64: 256, 128>}, {transform_indices = @transform_3, window_bounds = array<i64: 2, 1024, 128>}]} {
    %get3A = arith.constant 0 : index
    %get3A_0 = arith.constant 0 : index
    %get3A_1 = arith.constant 0 : index
    %get3A_2 = vector.load %arg2[%get3A, %get3A_0, %get3A_1] : memref<2x1024x128xf32, #tpu.memory_space<vmem>>, vector<2x1024x128xf32>
    %slice3A = vector.extract_strided_slice %get3A_2 {offsets = [0, 0, 0], sizes = [1, 1024, 1], strides = [1, 1, 1]} : vector<2x1024x128xf32> to vector<1x1024x1xf32>
    %squeeze3A = vector.shape_cast %slice3A : vector<1x1024x1xf32> to vector<1024x1xf32>
    %slice3A_3 = vector.extract_strided_slice %get3A_2 {offsets = [1, 0, 0], sizes = [1, 1024, 1], strides = [1, 1, 1]} : vector<2x1024x128xf32> to vector<1x1024x1xf32>
    %squeeze3A_4 = vector.shape_cast %slice3A_3 : vector<1x1024x1xf32> to vector<1024x1xf32>
    %add3A = arith.addf %squeeze3A, %squeeze3A_4 : vector<1024x1xf32>
    %sub3A = arith.constant 1.000000e+00 : f32
    %sub3A_5 = vector.broadcast %sub3A : f32 to vector<1024x1xf32>
    %sub3A_6 = arith.subf %add3A, %sub3A_5 : vector<1024x1xf32>
    %rsqrt3A = math.rsqrt %sub3A_6 : vector<1024x1xf32>
    %get3A_7 = arith.constant 0 : index
    %get3A_8 = arith.constant 0 : index
    %get3A_9 = vector.load %arg1[%get3A_7, %get3A_8] : memref<1024x128xf32, #tpu.memory_space<vmem>>, vector<1024x128xf32>
    %get3A_10 = arith.constant 0 : index
    %get3A_11 = arith.constant 0 : index
    %get3A_12 = vector.load %arg3[%get3A_10, %get3A_11] : memref<256x128xf32, #tpu.memory_space<vmem>>, vector<256x128xf32>
    %dot_general3A = arith.constant dense<0.000000e+00> : vector<1024x256xf32>
    %dot_general3A_13 = tpu.matmul %get3A_9, %get3A_12, %dot_general3A {dimension_numbers = #tpu.dot_dimension_numbers<[1], [1], [0], [0], [0, 0, 1, 0], [], []>, transpose_lhs_hint = false} : vector<1024x128xf32>, vector<256x128xf32>, vector<1024x256xf32> -> vector<1024x256xf32>
    %mul3A = vector.broadcast %rsqrt3A : vector<1024x1xf32> to vector<1024x256xf32>
    %mul3A_14 = arith.mulf %dot_general3A_13, %mul3A : vector<1024x256xf32>
    %slice3A_15 = vector.extract_strided_slice %mul3A_14 {offsets = [0, 0], sizes = [1024, 128], strides = [1, 1]} : vector<1024x256xf32> to vector<1024x128xf32>
    %swap3A = arith.constant 0 : index
    %swap3A_16 = arith.constant 0 : index
    %swap3A_17 = arith.constant 0 : index
    %swap3A_18 = vector.load %arg4[%swap3A, %swap3A_16, %swap3A_17] : memref<2x1024x128xf32, #tpu.memory_space<vmem>>, vector<1x1024x128xf32>
    %swap3A_19 = vector.shape_cast %swap3A_18 : vector<1x1024x128xf32> to vector<1024x128xf32>
    %swap3A_20 = vector.shape_cast %slice3A_15 : vector<1024x128xf32> to vector<1x1024x128xf32>
    tpu.vector_store %arg4[%swap3A, %swap3A_16, %swap3A_17], %swap3A_20 {strides = array<i32>} : memref<2x1024x128xf32, #tpu.memory_space<vmem>>, vector<1x1024x128xf32>,
    %slice3A_21 = vector.extract_strided_slice %mul3A_14 {offsets = [0, 128], sizes = [1024, 128], strides = [1, 1]} : vector<1024x256xf32> to vector<1024x128xf32>
    %swap3A_22 = arith.constant 1 : index
    %swap3A_23 = arith.constant 0 : index
    %swap3A_24 = arith.constant 0 : index
    %swap3A_25 = vector.load %arg4[%swap3A_22, %swap3A_23, %swap3A_24] : memref<2x1024x128xf32, #tpu.memory_space<vmem>>, vector<1x1024x128xf32>
    %swap3A_26 = vector.shape_cast %swap3A_25 : vector<1x1024x128xf32> to vector<1024x128xf32>
    %swap3A_27 = vector.shape_cast %slice3A_21 : vector<1024x128xf32> to vector<1x1024x128xf32>
    tpu.vector_store %arg4[%swap3A_22, %swap3A_23, %swap3A_24], %swap3A_27 {strides = array<i32>} : memref<2x1024x128xf32, #tpu.memory_space<vmem>>, vector<1x1024x128xf32>,
    return
  }
  func.func @transform_0(%arg0: i32) -> (i32, i32) {
    %c0_i32 = arith.constant 0 : i32
    %c0_i32_0 = arith.constant 0 : i32
    return %arg0, %c0_i32 : i32, i32
  }
  func.func @transform_1(%arg0: i32) -> (i32, i32, i32) {
    %c0_i32 = arith.constant 0 : i32
    %c0_i32_0 = arith.constant 0 : i32
    %c0_i32_1 = arith.constant 0 : i32
    return %c0_i32, %arg0, %c0_i32_0 : i32, i32, i32
  }
  func.func @transform_2(%arg0: i32) -> (i32, i32) {
    %c0_i32 = arith.constant 0 : i32
    %c0_i32_0 = arith.constant 0 : i32
    %c0_i32_1 = arith.constant 0 : i32
    return %c0_i32, %c0_i32_0 : i32, i32
  }
  func.func @transform_3(%arg0: i32) -> (i32, i32, i32) {
    %c0_i32 = arith.constant 0 : i32
    %c0_i32_0 = arith.constant 0 : i32
    %c0_i32_1 = arith.constant 0 : i32
    return %c0_i32, %arg0, %c0_i32_0 : i32, i32, i32
  }
}

module attributes {stable_mosaic.version = 14 : i64} {
  func.func @_k4_body(%arg0: i32, %arg1: memref<2x1024x128xf32, #tpu.memory_space<vmem>>, %arg2: memref<2x1024x128xf32, #tpu.memory_space<vmem>>, %arg3: memref<256x256xf32, #tpu.memory_space<vmem>>, %arg4: memref<1x256xf32, #tpu.memory_space<vmem>>, %arg5: memref<2x1024x128xf32, #tpu.memory_space<vmem>>) attributes {dimension_semantics = [#tpu.dimension_semantics<arbitrary>], iteration_bounds = array<i64: 10>, scalar_prefetch = 0 : i64, scratch_operands = 0 : i64, tpu.core_type = #tpu.core_type<tc>, window_params = [{transform_indices = @transform_0, window_bounds = array<i64: 2, 1024, 128>}, {transform_indices = @transform_1, window_bounds = array<i64: 2, 1024, 128>}, {pipeline_mode = #tpu.pipeline_mode<synchronous>, transform_indices = @transform_2, window_bounds = array<i64: 256, 256>}, {pipeline_mode = #tpu.pipeline_mode<synchronous>, transform_indices = @transform_3, window_bounds = array<i64: 1, 256>}, {transform_indices = @transform_4, window_bounds = array<i64: 2, 1024, 128>}]} {
    %get3A = arith.constant 0 : index
    %get3A_0 = arith.constant 0 : index
    %get3A_1 = arith.constant 0 : index
    %get3A_2 = vector.load %arg2[%get3A, %get3A_0, %get3A_1] : memref<2x1024x128xf32, #tpu.memory_space<vmem>>, vector<2x1024x128xf32>
    %slice3A = vector.extract_strided_slice %get3A_2 {offsets = [0, 0, 0], sizes = [1, 1024, 1], strides = [1, 1, 1]} : vector<2x1024x128xf32> to vector<1x1024x1xf32>
    %squeeze3A = vector.shape_cast %slice3A : vector<1x1024x1xf32> to vector<1024x1xf32>
    %slice3A_3 = vector.extract_strided_slice %get3A_2 {offsets = [1, 0, 0], sizes = [1, 1024, 1], strides = [1, 1, 1]} : vector<2x1024x128xf32> to vector<1x1024x1xf32>
    %squeeze3A_4 = vector.shape_cast %slice3A_3 : vector<1x1024x1xf32> to vector<1024x1xf32>
    %add3A = arith.addf %squeeze3A, %squeeze3A_4 : vector<1024x1xf32>
    %sub3A = arith.constant 1.000000e+00 : f32
    %sub3A_5 = vector.broadcast %sub3A : f32 to vector<1024x1xf32>
    %sub3A_6 = arith.subf %add3A, %sub3A_5 : vector<1024x1xf32>
    %rsqrt3A = math.rsqrt %sub3A_6 : vector<1024x1xf32>
    %get3A_7 = arith.constant 0 : index
    %get3A_8 = arith.constant 0 : index
    %get3A_9 = arith.constant 0 : index
    %get3A_10 = vector.load %arg1[%get3A_7, %get3A_8, %get3A_9] : memref<2x1024x128xf32, #tpu.memory_space<vmem>>, vector<1x1024x128xf32>
    %get3A_11 = vector.shape_cast %get3A_10 : vector<1x1024x128xf32> to vector<1024x128xf32>
    %get3A_12 = arith.constant 1 : index
    %get3A_13 = arith.constant 0 : index
    %get3A_14 = arith.constant 0 : index
    %get3A_15 = vector.load %arg1[%get3A_12, %get3A_13, %get3A_14] : memref<2x1024x128xf32, #tpu.memory_space<vmem>>, vector<1x1024x128xf32>
    %get3A_16 = vector.shape_cast %get3A_15 : vector<1x1024x128xf32> to vector<1024x128xf32>
    %concatenate3A = tpu.concatenate %get3A_11, %get3A_16 in 1 : vector<1024x128xf32>, vector<1024x128xf32> -> vector<1024x256xf32>
    %mul3A = vector.broadcast %rsqrt3A : vector<1024x1xf32> to vector<1024x256xf32>
    %mul3A_17 = arith.mulf %concatenate3A, %mul3A : vector<1024x256xf32>
    %get3A_18 = arith.constant 0 : index
    %get3A_19 = arith.constant 0 : index
    %get3A_20 = vector.load %arg4[%get3A_18, %get3A_19] : memref<1x256xf32, #tpu.memory_space<vmem>>, vector<1x256xf32>
    %add3A_21 = vector.broadcast %get3A_20 : vector<1x256xf32> to vector<1024x256xf32>
    %add3A_22 = arith.addf %mul3A_17, %add3A_21 : vector<1024x256xf32>
    %max3A = arith.constant 0.000000e+00 : f32
    %max3A_23 = vector.broadcast %max3A : f32 to vector<1024x256xf32>
    %max3A_24 = arith.maximumf %add3A_22, %max3A_23 : vector<1024x256xf32>
    %get3A_25 = arith.constant 0 : index
    %get3A_26 = arith.constant 0 : index
    %get3A_27 = vector.load %arg3[%get3A_25, %get3A_26] : memref<256x256xf32, #tpu.memory_space<vmem>>, vector<256x256xf32>
    %dot_general3A = arith.constant dense<0.000000e+00> : vector<1024x256xf32>
    %dot_general3A_28 = tpu.matmul %max3A_24, %get3A_27, %dot_general3A {dimension_numbers = #tpu.dot_dimension_numbers<[1], [1], [0], [0], [0, 0, 1, 0], [], []>, transpose_lhs_hint = false} : vector<1024x256xf32>, vector<256x256xf32>, vector<1024x256xf32> -> vector<1024x256xf32>
    %mul3A_29 = vector.broadcast %rsqrt3A : vector<1024x1xf32> to vector<1024x256xf32>
    %mul3A_30 = arith.mulf %dot_general3A_28, %mul3A_29 : vector<1024x256xf32>
    %slice3A_31 = vector.extract_strided_slice %mul3A_30 {offsets = [0, 0], sizes = [1024, 128], strides = [1, 1]} : vector<1024x256xf32> to vector<1024x128xf32>
    %swap3A = arith.constant 0 : index
    %swap3A_32 = arith.constant 0 : index
    %swap3A_33 = arith.constant 0 : index
    %swap3A_34 = vector.load %arg5[%swap3A, %swap3A_32, %swap3A_33] : memref<2x1024x128xf32, #tpu.memory_space<vmem>>, vector<1x1024x128xf32>
    %swap3A_35 = vector.shape_cast %swap3A_34 : vector<1x1024x128xf32> to vector<1024x128xf32>
    %swap3A_36 = vector.shape_cast %slice3A_31 : vector<1024x128xf32> to vector<1x1024x128xf32>
    tpu.vector_store %arg5[%swap3A, %swap3A_32, %swap3A_33], %swap3A_36 {strides = array<i32>} : memref<2x1024x128xf32, #tpu.memory_space<vmem>>, vector<1x1024x128xf32>,
    %slice3A_37 = vector.extract_strided_slice %mul3A_30 {offsets = [0, 128], sizes = [1024, 128], strides = [1, 1]} : vector<1024x256xf32> to vector<1024x128xf32>
    %swap3A_38 = arith.constant 1 : index
    %swap3A_39 = arith.constant 0 : index
    %swap3A_40 = arith.constant 0 : index
    %swap3A_41 = vector.load %arg5[%swap3A_38, %swap3A_39, %swap3A_40] : memref<2x1024x128xf32, #tpu.memory_space<vmem>>, vector<1x1024x128xf32>
    %swap3A_42 = vector.shape_cast %swap3A_41 : vector<1x1024x128xf32> to vector<1024x128xf32>
    %swap3A_43 = vector.shape_cast %slice3A_37 : vector<1024x128xf32> to vector<1x1024x128xf32>
    tpu.vector_store %arg5[%swap3A_38, %swap3A_39, %swap3A_40], %swap3A_43 {strides = array<i32>} : memref<2x1024x128xf32, #tpu.memory_space<vmem>>, vector<1x1024x128xf32>,
    return
  }
  func.func @transform_0(%arg0: i32) -> (i32, i32, i32) {
    %c0_i32 = arith.constant 0 : i32
    %c0_i32_0 = arith.constant 0 : i32
    %c0_i32_1 = arith.constant 0 : i32
    return %c0_i32, %arg0, %c0_i32_0 : i32, i32, i32
  }
  func.func @transform_1(%arg0: i32) -> (i32, i32, i32) {
    %c0_i32 = arith.constant 0 : i32
    %c0_i32_0 = arith.constant 0 : i32
    %c0_i32_1 = arith.constant 0 : i32
    return %c0_i32, %arg0, %c0_i32_0 : i32, i32, i32
  }
  func.func @transform_2(%arg0: i32) -> (i32, i32) {
    %c0_i32 = arith.constant 0 : i32
    %c0_i32_0 = arith.constant 0 : i32
    %c0_i32_1 = arith.constant 0 : i32
    return %c0_i32, %c0_i32_0 : i32, i32
  }
  func.func @transform_3(%arg0: i32) -> (i32, i32) {
    %c0_i32 = arith.constant 0 : i32
    %c0_i32_0 = arith.constant 0 : i32
    %c0_i32_1 = arith.constant 0 : i32
    return %c0_i32, %c0_i32_0 : i32, i32
  }
  func.func @transform_4(%arg0: i32) -> (i32, i32, i32) {
    %c0_i32 = arith.constant 0 : i32
    %c0_i32_0 = arith.constant 0 : i32
    %c0_i32_1 = arith.constant 0 : i32
    return %c0_i32, %arg0, %c0_i32_0 : i32, i32, i32
  }
}

module attributes {stable_mosaic.version = 14 : i64} {
  func.func @_k6_body(%arg0: i32, %arg1: memref<2x1024x128xf32, #tpu.memory_space<vmem>>, %arg2: memref<2x1024x128xf32, #tpu.memory_space<vmem>>, %arg3: memref<1x256xf32, #tpu.memory_space<vmem>>, %arg4: memref<128x256xf32, #tpu.memory_space<vmem>>, %arg5: memref<1x128xf32, #tpu.memory_space<vmem>>, %arg6: memref<16x128xf32, #tpu.memory_space<vmem>>, %arg7: memref<1x16xf32, #tpu.memory_space<vmem>>, %arg8: memref<1024x16xf32, #tpu.memory_space<vmem>>) attributes {dimension_semantics = [#tpu.dimension_semantics<arbitrary>], iteration_bounds = array<i64: 10>, scalar_prefetch = 0 : i64, scratch_operands = 0 : i64, tpu.core_type = #tpu.core_type<tc>, window_params = [{transform_indices = @transform_0, window_bounds = array<i64: 2, 1024, 128>}, {transform_indices = @transform_1, window_bounds = array<i64: 2, 1024, 128>}, {pipeline_mode = #tpu.pipeline_mode<synchronous>, transform_indices = @transform_2, window_bounds = array<i64: 1, 256>}, {pipeline_mode = #tpu.pipeline_mode<synchronous>, transform_indices = @transform_3, window_bounds = array<i64: 128, 256>}, {pipeline_mode = #tpu.pipeline_mode<synchronous>, transform_indices = @transform_4, window_bounds = array<i64: 1, 128>}, {pipeline_mode = #tpu.pipeline_mode<synchronous>, transform_indices = @transform_5, window_bounds = array<i64: 16, 128>}, {pipeline_mode = #tpu.pipeline_mode<synchronous>, transform_indices = @transform_6, window_bounds = array<i64: 1, 16>}, {transform_indices = @transform_7, window_bounds = array<i64: 1024, 16>}]} {
    %get3A = arith.constant 0 : index
    %get3A_0 = arith.constant 0 : index
    %get3A_1 = arith.constant 0 : index
    %get3A_2 = vector.load %arg2[%get3A, %get3A_0, %get3A_1] : memref<2x1024x128xf32, #tpu.memory_space<vmem>>, vector<2x1024x128xf32>
    %slice3A = vector.extract_strided_slice %get3A_2 {offsets = [0, 0, 0], sizes = [1, 1024, 1], strides = [1, 1, 1]} : vector<2x1024x128xf32> to vector<1x1024x1xf32>
    %squeeze3A = vector.shape_cast %slice3A : vector<1x1024x1xf32> to vector<1024x1xf32>
    %slice3A_3 = vector.extract_strided_slice %get3A_2 {offsets = [1, 0, 0], sizes = [1, 1024, 1], strides = [1, 1, 1]} : vector<2x1024x128xf32> to vector<1x1024x1xf32>
    %squeeze3A_4 = vector.shape_cast %slice3A_3 : vector<1x1024x1xf32> to vector<1024x1xf32>
    %add3A = arith.addf %squeeze3A, %squeeze3A_4 : vector<1024x1xf32>
    %sub3A = arith.constant 1.000000e+00 : f32
    %sub3A_5 = vector.broadcast %sub3A : f32 to vector<1024x1xf32>
    %sub3A_6 = arith.subf %add3A, %sub3A_5 : vector<1024x1xf32>
    %rsqrt3A = math.rsqrt %sub3A_6 : vector<1024x1xf32>
    %get3A_7 = arith.constant 0 : index
    %get3A_8 = arith.constant 0 : index
    %get3A_9 = arith.constant 0 : index
    %get3A_10 = vector.load %arg1[%get3A_7, %get3A_8, %get3A_9] : memref<2x1024x128xf32, #tpu.memory_space<vmem>>, vector<1x1024x128xf32>
    %get3A_11 = vector.shape_cast %get3A_10 : vector<1x1024x128xf32> to vector<1024x128xf32>
    %get3A_12 = arith.constant 1 : index
    %get3A_13 = arith.constant 0 : index
    %get3A_14 = arith.constant 0 : index
    %get3A_15 = vector.load %arg1[%get3A_12, %get3A_13, %get3A_14] : memref<2x1024x128xf32, #tpu.memory_space<vmem>>, vector<1x1024x128xf32>
    %get3A_16 = vector.shape_cast %get3A_15 : vector<1x1024x128xf32> to vector<1024x128xf32>
    %concatenate3A = tpu.concatenate %get3A_11, %get3A_16 in 1 : vector<1024x128xf32>, vector<1024x128xf32> -> vector<1024x256xf32>
    %mul3A = vector.broadcast %rsqrt3A : vector<1024x1xf32> to vector<1024x256xf32>
    %mul3A_17 = arith.mulf %concatenate3A, %mul3A : vector<1024x256xf32>
    %get3A_18 = arith.constant 0 : index
    %get3A_19 = arith.constant 0 : index
    %get3A_20 = vector.load %arg3[%get3A_18, %get3A_19] : memref<1x256xf32, #tpu.memory_space<vmem>>, vector<1x256xf32>
    %add3A_21 = vector.broadcast %get3A_20 : vector<1x256xf32> to vector<1024x256xf32>
    %add3A_22 = arith.addf %mul3A_17, %add3A_21 : vector<1024x256xf32>
    %max3A = arith.constant 0.000000e+00 : f32
    %max3A_23 = vector.broadcast %max3A : f32 to vector<1024x256xf32>
    %max3A_24 = arith.maximumf %add3A_22, %max3A_23 : vector<1024x256xf32>
    %get3A_25 = arith.constant 0 : index
    %get3A_26 = arith.constant 0 : index
    %get3A_27 = vector.load %arg4[%get3A_25, %get3A_26] : memref<128x256xf32, #tpu.memory_space<vmem>>, vector<128x256xf32>
    %dot_general3A = arith.constant dense<0.000000e+00> : vector<1024x128xf32>
    %dot_general3A_28 = tpu.matmul %max3A_24, %get3A_27, %dot_general3A {dimension_numbers = #tpu.dot_dimension_numbers<[1], [1], [0], [0], [0, 0, 1, 0], [], []>, transpose_lhs_hint = false} : vector<1024x256xf32>, vector<128x256xf32>, vector<1024x128xf32> -> vector<1024x128xf32>
    %get3A_29 = arith.constant 0 : index
    %get3A_30 = arith.constant 0 : index
    %get3A_31 = vector.load %arg5[%get3A_29, %get3A_30] : memref<1x128xf32, #tpu.memory_space<vmem>>, vector<1x128xf32>
    %add3A_32 = vector.broadcast %get3A_31 : vector<1x128xf32> to vector<1024x128xf32>
    %add3A_33 = arith.addf %dot_general3A_28, %add3A_32 : vector<1024x128xf32>
    %max3A_34 = arith.constant 0.000000e+00 : f32
    %max3A_35 = vector.broadcast %max3A_34 : f32 to vector<1024x128xf32>
    %max3A_36 = arith.maximumf %add3A_33, %max3A_35 : vector<1024x128xf32>
    %get3A_37 = arith.constant 0 : index
    %get3A_38 = arith.constant 0 : index
    %get3A_39 = vector.load %arg6[%get3A_37, %get3A_38] : memref<16x128xf32, #tpu.memory_space<vmem>>, vector<16x128xf32>
    %dot_general3A_40 = arith.constant dense<0.000000e+00> : vector<1024x16xf32>
    %dot_general3A_41 = tpu.matmul %max3A_36, %get3A_39, %dot_general3A_40 {dimension_numbers = #tpu.dot_dimension_numbers<[1], [1], [0], [0], [0, 0, 1, 0], [], []>, transpose_lhs_hint = false} : vector<1024x128xf32>, vector<16x128xf32>, vector<1024x16xf32> -> vector<1024x16xf32>
    %get3A_42 = arith.constant 0 : index
    %get3A_43 = arith.constant 0 : index
    %get3A_44 = vector.load %arg7[%get3A_42, %get3A_43] : memref<1x16xf32, #tpu.memory_space<vmem>>, vector<1x16xf32>
    %add3A_45 = vector.broadcast %get3A_44 : vector<1x16xf32> to vector<1024x16xf32>
    %add3A_46 = arith.addf %dot_general3A_41, %add3A_45 : vector<1024x16xf32>
    %swap3A = arith.constant 0 : index
    %swap3A_47 = arith.constant 0 : index
    %swap3A_48 = vector.load %arg8[%swap3A, %swap3A_47] : memref<1024x16xf32, #tpu.memory_space<vmem>>, vector<1024x16xf32>
    tpu.vector_store %arg8[%swap3A, %swap3A_47], %add3A_46 {strides = array<i32>} : memref<1024x16xf32, #tpu.memory_space<vmem>>, vector<1024x16xf32>,
    return
  }
  func.func @transform_0(%arg0: i32) -> (i32, i32, i32) {
    %c0_i32 = arith.constant 0 : i32
    %c0_i32_0 = arith.constant 0 : i32
    %c0_i32_1 = arith.constant 0 : i32
    return %c0_i32, %arg0, %c0_i32_0 : i32, i32, i32
  }
  func.func @transform_1(%arg0: i32) -> (i32, i32, i32) {
    %c0_i32 = arith.constant 0 : i32
    %c0_i32_0 = arith.constant 0 : i32
    %c0_i32_1 = arith.constant 0 : i32
    return %c0_i32, %arg0, %c0_i32_0 : i32, i32, i32
  }
  func.func @transform_2(%arg0: i32) -> (i32, i32) {
    %c0_i32 = arith.constant 0 : i32
    %c0_i32_0 = arith.constant 0 : i32
    %c0_i32_1 = arith.constant 0 : i32
    return %c0_i32, %c0_i32_0 : i32, i32
  }
  func.func @transform_3(%arg0: i32) -> (i32, i32) {
    %c0_i32 = arith.constant 0 : i32
    %c0_i32_0 = arith.constant 0 : i32
    %c0_i32_1 = arith.constant 0 : i32
    return %c0_i32, %c0_i32_0 : i32, i32
  }
  func.func @transform_4(%arg0: i32) -> (i32, i32) {
    %c0_i32 = arith.constant 0 : i32
    %c0_i32_0 = arith.constant 0 : i32
    %c0_i32_1 = arith.constant 0 : i32
    return %c0_i32, %c0_i32_0 : i32, i32
  }
  func.func @transform_5(%arg0: i32) -> (i32, i32) {
    %c0_i32 = arith.constant 0 : i32
    %c0_i32_0 = arith.constant 0 : i32
    %c0_i32_1 = arith.constant 0 : i32
    return %c0_i32, %c0_i32_0 : i32, i32
  }
  func.func @transform_6(%arg0: i32) -> (i32, i32) {
    %c0_i32 = arith.constant 0 : i32
    %c0_i32_0 = arith.constant 0 : i32
    %c0_i32_1 = arith.constant 0 : i32
    return %c0_i32, %c0_i32_0 : i32, i32
  }
  func.func @transform_7(%arg0: i32) -> (i32, i32) {
    %c0_i32 = arith.constant 0 : i32
    %c0_i32_0 = arith.constant 0 : i32
    return %arg0, %c0_i32 : i32, i32
  }
}

</mosaic_0001>

<sc_bundles>
// kernel: kernel.11.cloned.1.call-start
scs
__scs_entry_jumppad:
0x0: {  	(pc) =	sbr.rel $0x88, $3  }
0x1: {  	(tag) =	ssettag $0x0;
	lr =	simm.s32 $0x1  }
0x2: {  	[smem:$0x3F97] =	sst lr;
	_ =	strace $0xD0000000  }
0x3: {  	_ = 	snop  }
0x4: {  	_ = 	snop  }
0x5: {  	_ = 	snop  }
0x6: {  	_ = 	snop  }
0x7: {  	_ = 	snop  }
__scs_overlays_trampoline_lowered:
0x8: {  	[smem:$0x3FA6] =	sst s0  }
0x9: {  	[smem:$0x3FA7] =	sst s1  }
0xa: {  	[smem:$0x3FA8] =	sst s2  }
0xb: {  	[smem:$0x3FA9] =	sst s3  }
0xc: {  	[smem:$0x3FAA] =	sst s4  }
0xd: {  	[smem:$0x3FAB] =	sst s5  }
0xe: {  	[smem:$0x3FAC] =	sst s6  }
0xf: {  	[smem:$0x3FAD] =	sst s7  }
0x10: {  	[smem:$0x3FAE] =	sst s8  }
0x11: {  	[smem:$0x3FAF] =	sst s9;
	s0 =	simm.s32 @!p0 $0x0  }
0x12: {  	s1 =	sld [smem:$0x3F95];
	s0 =	simm.s32 @p0 $0x1  }
0x13: {  	[smem:$0x3FB0] =	sst s0;
	s0 =	simm.s32 @!p1 $0x0  }
0x14: {  	s2 =	sld [smem:$0x3F94];
	s0 =	simm.s32 @p1 $0x1  }
0x15: {  	[smem:$0x3FB1] =	sst s0;
	s0 =	simm.s32 @!p2 $0x0  }
0x16: {  	s3 =	sld [smem:$0x3FDB];
	s0 =	simm.s32 @p2 $0x1  }
0x17: {  	s4 =	simm.s32 $0x1BF5;
	[smem:$0x3FB3] =	sst s0  }
0x18: {  	s0 =	sld [smem:$0x3F96];
	_ =	swait.ge [sflag:s4], $0x0  }
0x19: {  	s7 =	sld [smem:$0x3F97]  }
0x1a: {  	s8 =	sadd.s32 $0xFFFFE003, lr  }
0x1b: {  	s9 =	sadd.s32 $0xFFFFFEF7, lr;
	s5 =	simm.s32 $0xFFFFFFFF;
	p2 =	slt.u32 s8, $0xFFFFF086  }
0x1c: {  	p1 =	slt.u32 s9, $0xF7A;
	s5 =	simm.s32 @!p2 $0x0  }
0x1d: {  	s5 =	simm.s32 @p1 $0x1;
	p0 =	seq.s32 s7, s2  }
0x1e: {  	s7 =	smul.u32 @!p0 $0xF7A, s2;
	p2 =	seq.s32 @!p0 s5, $0x0  }
0x1f: {  	s9 =	smul.u32 $0xF7A, s1;
	s8 =	simm.s32 @!p0 $0x1BF5;
	p2 =	por !p2, p0  }
0x20: {  	[sflag:s8] =	ssyncset.s32 @!p0 $0xFFFFF086;
	s6 =	sadd.s32 @!p0 s3, s7;
	s7 =	simm.s32 @!p0 $0x108  }
0x21: {  	s3 =	sadd.s32 s3, s9;
	s6 =	sadd.s32 @!p0 $0x88, s6;
	s7 =	simm.s32 @p2 $0x1082  }
0x22: {  	[simem:s7], [sflag:s8] =	dma.local @!p0 [hbm:s6], $0xF7A  }
0x23: {  	s9 =	sor.u32 $0xD0000000, s2;
	s6 =	simm.s32 $0x108;
	_ =	swait.ge @!p0 [sflag:s8], $0x0  }
0x24: {  	s3 =	sadd.s32 $0x88, s3;
	s6 =	simm.s32 @!p1 $0x1082;
	[sflag:s4] =	ssyncset.s32 $0xFFFFF086  }
0x25: {  	[simem:s6], [sflag:s4] =	dma.local [hbm:s3], $0xF7A  }
0x26: {  	[smem:$0x3F97] =	sst s1;
	(tag) =	ssettag s2;
	_ =	strace s9  }
0x27: {  	s1 =	sld [smem:$0x3FA7]  }
0x28: {  	s2 =	sld [smem:$0x3FA8]  }
0x29: {  	s4 =	sld [smem:$0x3FAA]  }
0x2a: {  	p0 =	seq.s32 s5, $0x0;
	s5 =	sld [smem:$0x3FAB]  }
0x2b: {  	s6 =	sld [smem:$0x3FAC]  }
0x2c: {  	s7 =	sld [smem:$0x3FAD]  }
0x2d: {  	s3 =	simm.s32 $0x108;
	s8 =	sld [smem:$0x3FAE]  }
0x2e: {  	s3 =	simm.s32 @!p0 $0x1082;
	s9 =	sld [smem:$0x3FAF]  }
0x2f: {  	lr =	sadd.s32 s0, s3;
	s0 =	sld [smem:$0x3FA6]  }
0x30: {  	s3 =	sld [smem:$0x3FA9]  }
0x31: {  	[smem:$0x3FB2] =	sst s10  }
0x32: {  	s10 =	sld [smem:$0x3FB0];
	_ =	sdelay $0x3  }
0x33: {  	p0 =	seq.s32 s10, $0x1;
	s10 =	sld [smem:$0x3FB2];
	_ =	sdelay $0x3  }
0x34: {  	[smem:$0x3FB2] =	sst s10  }
0x35: {  	s10 =	sld [smem:$0x3FB1];
	_ =	sdelay $0x3  }
0x36: {  	p1 =	seq.s32 s10, $0x1;
	s10 =	sld [smem:$0x3FB2];
	_ =	sdelay $0x3  }
0x37: {  	[smem:$0x3FB2] =	sst s10  }
0x38: {  	s10 =	sld [smem:$0x3FB3]  }
0x39: {  	_ = 	snop;
	(pc) =	sbr.ind lr, $3  }
0x3a: {  	_ = 	snop  }
0x3b: {  	_ = 	snop  }
0x3c: {  	p2 =	seq.s32 s10, $0x1;
	s10 =	sld [smem:$0x3FB2]  }
0x3d: {  	_ =	shalt  }
0x3e: {  	_ =	shalt  }
0x3f: {  	_ =	shalt  }
0x40: {  	_ =	shalt  }
0x41: {  	_ =	shalt  }
0x42: {  	_ =	shalt  }
0x43: {  	_ =	shalt  }
0x44: {  	_ =	shalt  }
0x45: {  	_ =	shalt  }
0x46: {  	_ =	shalt  }
0x47: {  	_ =	shalt  }
0x48: {  	_ =	shalt  }
0x49: {  	_ =	shalt  }
0x4a: {  	_ =	shalt  }
0x4b: {  	_ =	shalt  }
0x4c: {  	_ =	shalt  }
0x4d: {  	_ =	shalt  }
0x4e: {  	_ =	shalt  }
0x4f: {  	_ =	shalt  }
0x50: {  	_ =	shalt  }
0x51: {  	_ =	shalt  }
0x52: {  	_ =	shalt  }
0x53: {  	_ =	shalt  }
0x54: {  	_ =	shalt  }
0x55: {  	_ =	shalt  }
0x56: {  	_ =	shalt  }
0x57: {  	_ =	shalt  }
0x58: {  	_ =	shalt  }
0x59: {  	_ =	shalt  }
0x5a: {  	_ =	shalt  }
0x5b: {  	_ =	shalt  }
0x5c: {  	_ =	shalt  }
0x5d: {  	_ =	shalt  }
0x5e: {  	_ =	shalt  }
0x5f: {  	_ =	shalt  }
0x60: {  	_ =	shalt  }
0x61: {  	_ =	shalt  }
0x62: {  	_ =	shalt  }
0x63: {  	_ =	shalt  }
0x64: {  	_ =	shalt  }
0x65: {  	_ =	shalt  }
0x66: {  	_ =	shalt  }
0x67: {  	_ =	shalt  }
0x68: {  	_ =	shalt  }
0x69: {  	_ =	shalt  }
0x6a: {  	_ =	shalt  }
0x6b: {  	_ =	shalt  }
0x6c: {  	_ =	shalt  }
0x6d: {  	_ =	shalt  }
0x6e: {  	_ =	shalt  }
0x6f: {  	_ =	shalt  }
0x70: {  	_ =	shalt  }
0x71: {  	_ =	shalt  }
0x72: {  	_ =	shalt  }
0x73: {  	_ =	shalt  }
0x74: {  	_ =	shalt  }
0x75: {  	_ =	shalt  }
0x76: {  	_ =	shalt  }
0x77: {  	_ =	shalt  }
0x78: {  	_ =	shalt  }
0x79: {  	_ =	shalt  }
0x7a: {  	_ =	shalt  }
0x7b: {  	_ =	shalt  }
0x7c: {  	_ =	shalt  }
0x7d: {  	_ =	shalt  }
0x7e: {  	_ =	shalt  }
0x7f: {  	_ =	shalt  }
0x80: {  	_ =	shalt  }
0x81: {  	_ =	shalt  }
0x82: {  	_ =	shalt  }
0x83: {  	_ =	shalt  }
0x84: {  	_ =	shalt  }
0x85: {  	_ =	shalt  }
0x86: {  	_ =	shalt  }
0x87: {  	_ =	shalt  }
.Lfunc_end0:
.L_simem_size_0:
called_computation.1_lowered:
.L_overlay_start_0:
0x88: {  	s2 =	sld [smem:$0x3FD9]  }
0x89: {  	s3 =	sld [smem:$0x3FFE];
	_ =	sdelay $0x1  }
0x8a: {  	s1 =	srdreg.scid  }
0x8b: {  	s0 =	sand.u32 $0x1, s1  }
0x8c: {  	s16 =	sshll.u32 s0, $0xA;
	s2 =	sadd.s32 s3, s2  }
0x8d: {  	s2 =	sadd.s32 s2, s16  }
0x8e: {  	[smem:$0x3FBE] =	sst s2  }
0x8f: {  	_ = 	snop  }
0x90: {  	(tm) =	ssettm $0x1  }
0x91: {  	s17 =	sld [smem:$0x3FFB];
	_ =	sdelay $0x3  }
0x92: {  	_ =	strace s17  }
0x93: {  	s2 =	sld [smem:$0x3FFC];
	_ =	sdelay $0x3  }
0x94: {  	_ =	strace s2  }
0x95: {  	s2 =	sld [smem:$0x3FFD];
	_ =	sdelay $0x3  }
0x96: {  	_ =	strace s2  }
0x97: {  	_ =	strace $0x8FFFFFFF  }
0x98: {  	s18 =	sld [smem:$0x3FDB];
	_ =	sdelay $0x1  }
0x99: {  	s19 =	simm.s32 $_scs_section_size  }
0x9a: {  	s4 =	simm.s32 $_size__tile_overlayer_lowered;
	s5 =	simm.s32 $_tile_overlayer_lowered  }
0x9b: {  	s22 =	simm.s32 $0x1BFF;
	s21 =	sshll.u32 s5, $0x1;
	s2 =	sadd.s32 s19, s18  }
0x9c: {  	s6 =	simm.s32 $0x0;
	s20 =	sshll.u32 s4, $0x1;
	s4 =	sadd.s32 s21, s2  }
0x9d: {  	[timem:s6], [sflag:s22] =	dma.local [hbm:s4], s20  }
0x9e: {  	_ =	swait.ge [sflag:s22], s20  }
0x9f: {  	s3 =	ssub.s32 $0x0, s20;
	[sflag:s22] =	ssyncset.done $0x0  }
0xa0: {  	[sflag:s22] =	ssyncadd.s32 s3;
	_ =	sdelay $0x1  }
0xa1: {  	s23 =	simm.s32 $0x1B8B  }
0xa2: {  	_ =	swait.ge [sflag:s23], $0x1  }
0xa3: {  	[sflag:s23] =	ssyncset.done $0x0  }
0xa4: {  	s25 =	simm.s32 $0x1B8E;
	s24 =	sld [smem:$0x3FFE];
	[sflag:s23] =	ssyncadd.s32 $0xFFFFFFFF  }
0xa5: {  	s26 =	simm.s32 $execute0_lowered;
	[smem:$0x3FD2] =	sst s25  }
0xa6: {  	s4 =	sshll.u32 s26, $0x1;
	_ =	strace $0x80000049;
	[dreg:$0x1] =	wrdreg $0xFFFFFFFF  }
0xa7: {  	s28 =	simm.s32 $_size_execute0_lowered;
	s2 =	sadd.s32 s2, s4;
	[dreg:$0x0] =	wrdreg $0x0  }
0xa8: {  	s4 =	sshll.u32 s28, $0x1;
	[dreg:$0x2] =	wrdreg s2  }
0xa9: {  	[dreg:$0x3] =	wrdreg s4  }
0xaa: {  	[dreg:$0x4] =	wrdreg $0xC0  }
0xab: {  	_ =	task [dreg:s6], $0x5FFFF  }
0xac: {  	[dreg:$0x1] =	wrdreg $0xFFFFFFFF  }
0xad: {  	[dreg:$0x0] =	wrdreg $0x60  }
0xae: {  	[dreg:$0x2] =	wrdreg s24  }
0xaf: {  	[dreg:$0x3] =	wrdreg $0x84000  }
0xb0: {  	[dreg:$0x4] =	wrdreg $0x9  }
0xb1: {  	_ =	task.clear_ibuf [dreg:s6], $0x5FFFF;
	_ =	strace $0x90000049  }
0xb2: {  	s29 =	simm.s32 $0x9;
	_ =	strace $0x8000004B  }
0xb3: {  	_ =	swait.ge [sflag:s29], $0x1  }
0xb4: {  	[sflag:s29] =	ssyncadd.s32 $0xFFFFFFFF  }
0xb5: {  	_ =	strace $0x9000004B  }
0xb6: {  	_ =	sfence  }
0xb7: {  	s30 =	sld [smem:$0x0];
	_ =	sdelay $0x2  }
0xb8: {  	s31 =	sshll.u32 s1, $0xD;
	s1 =	sshrl.u32 s1, $0x2  }
0xb9: {  	s3 =	sand.u32 $0x4000, s31;
	s1 =	sadd.s32 s1, s30  }
0xba: {  	s0 =	sor.u32 s3, s0;
	s1 =	sshll.u32 s1, $0x11  }
0xbb: {  	s0 =	sor.u32 s1, s0  }
0xbc: {  	s0 =	sadd.s32 $0x8F2B, s0  }
0xbd: {  	[sflag:s0] =	ssyncadd.remote.s32 $0x1  }
0xbe: {  	_ =	sfence.sel $0xFFFF  }
0xbf: {  	[dreg:$0x0] =	wrdreg $0xFFFFFFFF;
	(pc) =	sbr.abs _section_cstart, $3  }
0xc0: {  	[dreg:$0x1] =	wrdreg $0xFFFFFFFF  }
0xc1: {  	_ =	task.clear_ibuf [dreg:s6], $0x2FFFF;
	_ =	strace $0x9FFFFFFF  }
0xc2: {  	(tm) =	ssettm $0x7FFFFFFF  }
0xc3: {  	_ =	shalt  }
tec
execute0_lowered:
.L_overlay_start_1:
0x0: {  	(tag) =	ssettag $0x1  }
0x1: {  	s0 =	rddreg [dreg:$0x0]  }
0x2: {  	s2 =	rddreg [dreg:$0x1];
	s13 =	stileid.u32  }
0x3: {  	s1 =	srdreg.scid;
	s3 =	simm.s32 $0x0;
	s16 =	simm.s32 $0x5  }
0x4: {  	s17 =	simm.s32 $0x200;
	s18 =	simm.s32 $0x80;
	s19 =	simm.s32 $0x4400  }
0x5: {  	s20 =	simm.s32 $0x1;
	s21 =	simm.s32 $0x300;
	s12 =	smul.u32 $0xA00, s13  }
0x6: {  	s22 =	simm.s32 $0x3;
	s23 =	simm.s32 $0x2;
	s6 =	smul.u32 $0x280, s13  }
0x7: {  	s25 =	simm.s32 $0x4;
	s30 =	simm.s32 $0x0;
	s7 =	smul.u32 $0x50000, s13  }
0x8: {  	s1 =	sand.u32 $0x1, s1;
	[smem:$0x7FF] =	sst s3;
	s9 =	smul.u32 $0xA0, s13  }
0x9: {  	s4 =	sadd.s32 $0x70400, s0;
	s10 =	sadd.s32 $0x5C400, s0;
	s5 =	smul.u32 $0x2800, s1  }
0xa: {  	s28 =	sshll.u32 s13, $0x6;
	_ =	strace $0x8000004A;
	s26 =	smul.u32 $0xA00, s1  }
0xb: {  	s8 =	ssub.s32 $0x2, s1;
	s1 =	smul.u32 $0xA000, s1;
	s14 =	sadd.s32 s12, s0  }
0xc: {  	s11 =	sshrl.u32 s8, $0x1;
	s7 =	sshrl.u32 s7, $0x2;
	s5 =	sadd.s32 s6, s5  }
0xd: {  	s11 =	ssub.s32 s8, s11;
	s15 =	sadd.s32 s7, s2;
	s6 =	sadd.s32 s9, s26  }
0xe: {  	s8 =	sadd.s32 $0x2400, s14;
	s31 =	sadd.s32 s1, s10;
	s26 =	simm.s32 $0x400  }
0xf: {  	s5 =	sshll.u32 s5, $0x4;
	s29 =	sshll.u32 s6, $0x4;
	s6 =	sor.u32 $0x1C05, s28  }
0x10: {  	s15 =	sshrl.u32 s15, $0x3;
	s0 =	sadd.s32 s5, s0;
	s5 =	sadd.s32 s4, s5  }
0x11: {  	s7 =	sadd.s32 s10, s29;
	s10 =	smax.u32 s11, $0x1;
	[dreg:$0x3] =	wrdreg s5  }
0x12: {  	s9 =	sadd.s32 $0xC0400, s0;
	s11 =	sadd.s32 $0x20, s7;
	s0 =	sadd.s32 s12, s31  }
0x13: {  	s12 =	sadd.s32 $0x2420, s14;
	s14 =	sadd.s32 $0x2440, s14;
	s13 =	sadd.s32 $0x40, s0  }
.LBB2_1:
0x14: {  	s0 =	rddreg [dreg:$0x3]  }
0x15: {  	[spmem:s15], [sflag:s6] =	dma.local [hbm:s0], $0x2800  }
0x16: {  	_ =	swait.ge [sflag:s16], $0x2800  }
0x17: {  	[sflag:s16] =	ssyncset.done $0x0  }
0x18: {  	[sflag:s16] =	ssyncadd.s32 $0xFFFFD800  }
0x19: {  	[bflag:$0x0] =	sbarrier.arrive $0xFFFF  }
0x1a: {  	[tilespmem:s3], [sflag:$0x5] =	stream.linear.gather [hbm4b:s7+s3], $0x100, $0x38;
	[tilespmem:$0x1C400] =	vst v63  }
0x1b: {  	_ =	swait.ge [sflag:s16], $0x100  }
0x1c: {  	[sflag:s16] =	ssyncset.done $0x0  }
0x1d: {  	[sflag:s16] =	ssyncadd.s32 $0xFFFFFF00  }
0x1e: {  	[tilespmem:s17], [sflag:$0x5] =	stream.linear.gather [hbm4b:s8+s3], $0x100, $0x38;
	[tilespmem:$0x1C400] =	vst v63  }
0x1f: {  	_ =	swait.ge [sflag:s16], $0x100  }
0x20: {  	[sflag:s16] =	ssyncset.done $0x0  }
0x21: {  	[sflag:s16] =	ssyncadd.s32 $0xFFFFFF00  }
0x22: {  	[tilespmem:s26], [sflag:$0x1] =	stream.indirect.gather [hbm4b:s4+s18], $0x80, s3, s18, $0xb8;
	[tilespmem:$0x1C400] =	vst v63  }
0x23: {  	_ = 	snop  }
0x24: {  	[tilespmem:s19], [sflag:$0x2] =	stream.indirect.gather [hbm4b:s4+s18], $0x80, s18, s18, $0xb8;
	[tilespmem:$0x1C400] =	vst v63  }
0x25: {  	_ =	swait.ge [sflag:s20], $0x4000  }
0x26: {  	[sflag:s20] =	ssyncset.done $0x0  }
0x27: {  	[sflag:s20] =	ssyncadd.s32 $0xFFFFC000  }
0x28: {  	[spmem:s2] =	stream.indirect.scatter.add.f32 [tilespmem:s26], [sflag:$0x3], $0x80, s17, s18, $0xb8;
	[tilespmem:$0x1C400] =	vst v63  }
0x29: {  	s0 =	simm.s32 $0x100  }
0x2a: {  	[tilespmem:s0], [sflag:$0x5] =	stream.linear.gather [hbm4b:s11+s3], $0x100, $0x38;
	[tilespmem:$0x1C400] =	vst v63  }
0x2b: {  	_ =	swait.ge [sflag:s16], $0x100  }
0x2c: {  	[sflag:s16] =	ssyncset.done $0x0  }
0x2d: {  	[sflag:s16] =	ssyncadd.s32 $0xFFFFFF00  }
0x2e: {  	[tilespmem:s21], [sflag:$0x5] =	stream.linear.gather [hbm4b:s12+s3], $0x100, $0x38;
	[tilespmem:$0x1C400] =	vst v63  }
0x2f: {  	_ =	swait.ge [sflag:s16], $0x100  }
0x30: {  	[sflag:s16] =	ssyncset.done $0x0  }
0x31: {  	[sflag:s16] =	ssyncadd.s32 $0xFFFFFF00  }
0x32: {  	_ =	swait.ge [sflag:s22], $0x4000  }
0x33: {  	[sflag:s22] =	ssyncset.done $0x0  }
0x34: {  	[sflag:s22] =	ssyncadd.s32 $0xFFFFC000  }
0x35: {  	[tilespmem:s26], [sflag:$0x1] =	stream.indirect.gather [hbm4b:s4+s18], $0x80, s0, s18, $0xb8;
	[tilespmem:$0x1C400] =	vst v63  }
0x36: {  	_ =	swait.ge [sflag:s23], $0x4000  }
0x37: {  	[sflag:s23] =	ssyncset.done $0x0  }
0x38: {  	s1 =	simm.s32 $0x280;
	[sflag:s23] =	ssyncadd.s32 $0xFFFFC000  }
0x39: {  	[spmem:s2] =	stream.indirect.scatter.add.f32 [tilespmem:s19], [sflag:$0x4], $0x80, s1, s18, $0xb8;
	[tilespmem:$0x1C400] =	vst v63  }
0x3a: {  	s29 =	simm.s32 $0x100;
	_ =	swait.ge [sflag:s25], $0x4000  }
0x3b: {  	s24 =	sand.u32 $0x100, s29;
	[sflag:s25] =	ssyncset.done $0x0  }
0x3c: {  	s1 =	sor.u32 $0x80, s24;
	[sflag:s25] =	ssyncadd.s32 $0xFFFFC000  }
0x3d: {  	[tilespmem:s19], [sflag:$0x2] =	stream.indirect.gather [hbm4b:s4+s18], $0x80, s1, s18, $0xb8;
	[tilespmem:$0x1C400] =	vst v63  }
0x3e: {  	_ =	swait.ge [sflag:s20], $0x4000  }
0x3f: {  	[sflag:s20] =	ssyncset.done $0x0  }
0x40: {  	s5 =	sor.u32 $0x200, s24;
	s0 =	sxor.u32 $0xFFFFFFFF, s0;
	[sflag:s20] =	ssyncadd.s32 $0xFFFFC000  }
0x41: {  	[spmem:s2] =	stream.indirect.scatter.add.f32 [tilespmem:s26], [sflag:$0x3], $0x80, s5, s18, $0xb8;
	[tilespmem:$0x1C400] =	vst v63  }
0x42: {  	s0 =	sand.u32 $0x100, s0  }
0x43: {  	[tilespmem:s0], [sflag:$0x5] =	stream.linear.gather [hbm4b:s13+s3], $0x100, $0x38;
	[tilespmem:$0x1C400] =	vst v63  }
0x44: {  	_ =	swait.ge [sflag:s16], $0x100  }
0x45: {  	[sflag:s16] =	ssyncset.done $0x0  }
0x46: {  	s29 =	sor.u32 $0x200, s0;
	[sflag:s16] =	ssyncadd.s32 $0xFFFFFF00  }
0x47: {  	[tilespmem:s29], [sflag:$0x5] =	stream.linear.gather [hbm4b:s14+s3], $0x100, $0x38;
	[tilespmem:$0x1C400] =	vst v63  }
0x48: {  	_ =	swait.ge [sflag:s16], $0x100  }
0x49: {  	[sflag:s16] =	ssyncset.done $0x0  }
0x4a: {  	[sflag:s16] =	ssyncadd.s32 $0xFFFFFF00  }
0x4b: {  	_ =	swait.ge [sflag:s22], $0x4000  }
0x4c: {  	[sflag:s22] =	ssyncset.done $0x0  }
0x4d: {  	[sflag:s22] =	ssyncadd.s32 $0xFFFFC000  }
0x4e: {  	[tilespmem:s26], [sflag:$0x1] =	stream.indirect.gather [hbm4b:s4+s18], $0x80, s0, s18, $0xb8;
	[tilespmem:$0x1C400] =	vst v63  }
0x4f: {  	s31 =	simm.s32 $0x200;
	_ =	swait.ge [sflag:s23], $0x4000  }
0x50: {  	s28 =	sor.u32 $0x280, s24;
	s24 =	simm.s32 $0x800;
	[sflag:s23] =	ssyncset.done $0x0  }
0x51: {  	s1 =	sadd.s32 $0x20, s14;
	s0 =	sadd.s32 $0x20, s13;
	[sflag:s23] =	ssyncadd.s32 $0xFFFFC000  }
.LBB2_2:
0x52: {  	[spmem:s2] =	stream.indirect.scatter.add.f32 [tilespmem:s19], [sflag:$0x4], $0x80, s28, s18, $0xb8;
	[tilespmem:$0x1C400] =	vst v63  }
0x53: {  	s28 =	smov.u32 s31  }
0x54: {  	s29 =	sshrl.u32 s24, $0x2;
	p0 =	sne.s32 s31, $0x4E00;
	_ =	swait.ge [sflag:s25], $0x4000  }
0x55: {  	s31 =	sadd.s32 $0x100, s31;
	s29 =	sand.u32 $0x100, s29;
	[sflag:s25] =	ssyncset.done $0x0  }
0x56: {  	s5 =	sor.u32 $0x80, s29;
	[sflag:s25] =	ssyncadd.s32 $0xFFFFC000  }
0x57: {  	[tilespmem:s19], [sflag:$0x2] =	stream.indirect.gather [hbm4b:s4+s18], $0x80, s5, s18, $0xb8;
	[tilespmem:$0x1C400] =	vst v63  }
0x58: {  	_ =	swait.ge [sflag:s20], $0x4000  }
0x59: {  	[sflag:s20] =	ssyncset.done $0x0  }
0x5a: {  	s28 =	sxor.u32 $0xFFFFFFFF, s28;
	s5 =	sor.u32 $0x200, s29;
	[sflag:s20] =	ssyncadd.s32 $0xFFFFC000  }
0x5b: {  	[spmem:s2] =	stream.indirect.scatter.add.f32 [tilespmem:s26], [sflag:$0x3], $0x80, s5, s18, $0xb8;
	[tilespmem:$0x1C400] =	vst v63  }
0x5c: {  	s5 =	sand.u32 $0x100, s28  }
0x5d: {  	[tilespmem:s5], [sflag:$0x5] =	stream.linear.gather [hbm4b:s0+s3], $0x100, $0x38;
	[tilespmem:$0x1C400] =	vst v63  }
0x5e: {  	_ =	swait.ge [sflag:s16], $0x100  }
0x5f: {  	[sflag:s16] =	ssyncset.done $0x0  }
0x60: {  	s28 =	sor.u32 $0x200, s5;
	[sflag:s16] =	ssyncadd.s32 $0xFFFFFF00  }
0x61: {  	[tilespmem:s28], [sflag:$0x5] =	stream.linear.gather [hbm4b:s1+s3], $0x100, $0x38;
	[tilespmem:$0x1C400] =	vst v63  }
0x62: {  	_ =	swait.ge [sflag:s16], $0x100  }
0x63: {  	[sflag:s16] =	ssyncset.done $0x0  }
0x64: {  	[sflag:s16] =	ssyncadd.s32 $0xFFFFFF00  }
0x65: {  	_ =	swait.ge [sflag:s22], $0x4000  }
0x66: {  	[sflag:s22] =	ssyncset.done $0x0  }
.Ltmp0:
0x67: {  	[sflag:s22] =	ssyncadd.s32 $0xFFFFC000;
	(pc) =	sbr.rel @p0 .LBB2_2-.Ltmp0, $4  }
0x68: {  	[tilespmem:s26], [sflag:$0x1] =	stream.indirect.gather [hbm4b:s4+s18], $0x80, s5, s18, $0xb8;
	[tilespmem:$0x1C400] =	vst v63  }
0x69: {  	_ =	swait.ge [sflag:s23], $0x4000  }
0x6a: {  	s0 =	sadd.s32 $0x20, s0;
	s1 =	sadd.s32 $0x20, s1;
	[sflag:s23] =	ssyncset.done $0x0  }
0x6b: {  	s24 =	sadd.s32 $0x400, s24;
	s28 =	sor.u32 $0x280, s29;
	[sflag:s23] =	ssyncadd.s32 $0xFFFFC000  }
0x6c: {  	[spmem:s2] =	stream.indirect.scatter.add.f32 [tilespmem:s19], [sflag:$0x4], $0x80, s28, s18, $0xb8;
	[tilespmem:$0x1C400] =	vst v63  }
0x6d: {  	_ =	swait.ge [sflag:s25], $0x4000  }
0x6e: {  	[sflag:s25] =	ssyncset.done $0x0  }
0x6f: {  	s0 =	simm.s32 $0x180;
	[sflag:s25] =	ssyncadd.s32 $0xFFFFC000  }
0x70: {  	[tilespmem:s19], [sflag:$0x2] =	stream.indirect.gather [hbm4b:s4+s18], $0x80, s0, s18, $0xb8;
	[tilespmem:$0x1C400] =	vst v63  }
0x71: {  	_ =	swait.ge [sflag:s20], $0x4000  }
0x72: {  	[sflag:s20] =	ssyncset.done $0x0  }
0x73: {  	[sflag:s20] =	ssyncadd.s32 $0xFFFFC000  }
0x74: {  	[spmem:s2] =	stream.indirect.scatter.add.f32 [tilespmem:s26], [sflag:$0x3], $0x80, s21, s18, $0xb8;
	[tilespmem:$0x1C400] =	vst v63  }
0x75: {  	_ =	swait.ge [sflag:s23], $0x4000  }
0x76: {  	[sflag:s23] =	ssyncset.done $0x0  }
0x77: {  	s31 =	simm.s32 $0x380;
	[sflag:s23] =	ssyncadd.s32 $0xFFFFC000  }
0x78: {  	[spmem:s2] =	stream.indirect.scatter.add.f32 [tilespmem:s19], [sflag:$0x4], $0x80, s31, s18, $0xb8;
	[tilespmem:$0x1C400] =	vst v63  }
0x79: {  	_ =	swait.ge [sflag:s22], $0x4000  }
0x7a: {  	[sflag:s22] =	ssyncset.done $0x0  }
0x7b: {  	[sflag:s22] =	ssyncadd.s32 $0xFFFFC000  }
0x7c: {  	_ =	swait.ge [sflag:s25], $0x4000  }
0x7d: {  	s30 =	sadd.s32 $0x1, s30;
	[sflag:s25] =	ssyncset.done $0x0  }
0x7e: {  	p0 =	sne.s32 s30, s10;
	[sflag:s25] =	ssyncadd.s32 $0xFFFFC000  }
.Ltmp1:
0x7f: {  	[bflag:$0x0] =	sbarrier.arrive $0xFFFF;
	(pc) =	sbr.rel @p0 .LBB2_1-.Ltmp1, $4  }
0x80: {  	[hbm:s9], [sflag:s6] =	dma.local [spmem:s15], $0x2800  }
0x81: {  	_ =	swait.ge [sflag:s16], $0x2800  }
0x82: {  	[sflag:s16] =	ssyncset.done $0x0  }
0x83: {  	[sflag:s16] =	ssyncadd.s32 $0xFFFFD800  }
0x84: {  	_ =	sfence.sel $0x180000  }
0x85: {  	[bflag:$0x0] =	sbarrier.arrive $0xFFFF  }
0x86: {  	_ =	strace $0x9000004A  }
0x87: {  	s0 =	stileid.u32;
	[bflag:$0x2] =	sbarrier.arrive $0xFFFF  }
0x88: {  	p0 =	sne.s32 s0, $0x0;
	s0 =	rddreg [dreg:$0x2]  }
0x89: {  	s0 =	sadd.s32 @!p0 $0x100000, s0  }
0x8a: {  	[sflag:s0] =	ssyncadd.tile.s32 @!p0 $0x1;
	_ =	shalt  }
.Lfunc_end2:
_tile_overlayer_lowered:
.L_overlay_start_2:
0x8b: {  	(tag) =	ssettag $0x2  }
0x8c: {  	s0 =	rddreg [dreg:$0x0];
	s2 =	stileid.u32  }
0x8d: {  	s1 =	rddreg [dreg:$0x1];
	p0 =	sne.s32 s2, $0x0  }
0x8e: {  	s3 =	rddreg [dreg:$0x2];
	[bflag:$0x3] =	sbarrier.arrive $0xFFFF;
	s2 =	simm.s32 @!p0 $0x1C05  }
0x8f: {  	[timem:s3], [sflag:s2] =	dma.local @!p0 [hbm:s0], s1  }
0x90: {  	s0 =	simm.s32 @!p0 $0x5  }
0x91: {  	_ =	swait.ge @!p0 [sflag:s0], s1  }
0x92: {  	s1 =	ssub.s32 @!p0 $0x0, s1;
	[sflag:s0] =	ssyncset.done @!p0 $0x0  }
0x93: {  	[sflag:s0] =	ssyncadd.s32 @!p0 s1  }
0x94: {  	[bflag:$0x3] =	sbarrier.arrive $0xFFFF  }
0x95: {  	_ =	shalt  }

// kernel: kernel.14.cloned.1.call-start
scs
__scs_entry_jumppad:
0x0: {  	(pc) =	sbr.rel $0x88, $3  }
0x1: {  	(tag) =	ssettag $0x0;
	lr =	simm.s32 $0x1  }
0x2: {  	[smem:$0x3F97] =	sst lr;
	_ =	strace $0xD0000000  }
0x3: {  	_ = 	snop  }
0x4: {  	_ = 	snop  }
0x5: {  	_ = 	snop  }
0x6: {  	_ = 	snop  }
0x7: {  	_ = 	snop  }
__scs_overlays_trampoline_lowered:
0x8: {  	[smem:$0x3FA6] =	sst s0  }
0x9: {  	[smem:$0x3FA7] =	sst s1  }
0xa: {  	[smem:$0x3FA8] =	sst s2  }
0xb: {  	[smem:$0x3FA9] =	sst s3  }
0xc: {  	[smem:$0x3FAA] =	sst s4  }
0xd: {  	[smem:$0x3FAB] =	sst s5  }
0xe: {  	[smem:$0x3FAC] =	sst s6  }
0xf: {  	[smem:$0x3FAD] =	sst s7  }
0x10: {  	[smem:$0x3FAE] =	sst s8  }
0x11: {  	[smem:$0x3FAF] =	sst s9;
	s0 =	simm.s32 @!p0 $0x0  }
0x12: {  	s1 =	sld [smem:$0x3F95];
	s0 =	simm.s32 @p0 $0x1  }
0x13: {  	[smem:$0x3FB0] =	sst s0;
	s0 =	simm.s32 @!p1 $0x0  }
0x14: {  	s2 =	sld [smem:$0x3F94];
	s0 =	simm.s32 @p1 $0x1  }
0x15: {  	[smem:$0x3FB1] =	sst s0;
	s0 =	simm.s32 @!p2 $0x0  }
0x16: {  	s3 =	sld [smem:$0x3FDB];
	s0 =	simm.s32 @p2 $0x1  }
0x17: {  	s4 =	simm.s32 $0x1BF5;
	[smem:$0x3FB3] =	sst s0  }
0x18: {  	s0 =	sld [smem:$0x3F96];
	_ =	swait.ge [sflag:s4], $0x0  }
0x19: {  	s7 =	sld [smem:$0x3F97]  }
0x1a: {  	s8 =	sadd.s32 $0xFFFFE003, lr  }
0x1b: {  	s9 =	sadd.s32 $0xFFFFFEF7, lr;
	s5 =	simm.s32 $0xFFFFFFFF;
	p2 =	slt.u32 s8, $0xFFFFF086  }
0x1c: {  	p1 =	slt.u32 s9, $0xF7A;
	s5 =	simm.s32 @!p2 $0x0  }
0x1d: {  	s5 =	simm.s32 @p1 $0x1;
	p0 =	seq.s32 s7, s2  }
0x1e: {  	s7 =	smul.u32 @!p0 $0xF7A, s2;
	p2 =	seq.s32 @!p0 s5, $0x0  }
0x1f: {  	s9 =	smul.u32 $0xF7A, s1;
	s8 =	simm.s32 @!p0 $0x1BF5;
	p2 =	por !p2, p0  }
0x20: {  	[sflag:s8] =	ssyncset.s32 @!p0 $0xFFFFF086;
	s6 =	sadd.s32 @!p0 s3, s7;
	s7 =	simm.s32 @!p0 $0x108  }
0x21: {  	s3 =	sadd.s32 s3, s9;
	s6 =	sadd.s32 @!p0 $0x88, s6;
	s7 =	simm.s32 @p2 $0x1082  }
0x22: {  	[simem:s7], [sflag:s8] =	dma.local @!p0 [hbm:s6], $0xF7A  }
0x23: {  	s9 =	sor.u32 $0xD0000000, s2;
	s6 =	simm.s32 $0x108;
	_ =	swait.ge @!p0 [sflag:s8], $0x0  }
0x24: {  	s3 =	sadd.s32 $0x88, s3;
	s6 =	simm.s32 @!p1 $0x1082;
	[sflag:s4] =	ssyncset.s32 $0xFFFFF086  }
0x25: {  	[simem:s6], [sflag:s4] =	dma.local [hbm:s3], $0xF7A  }
0x26: {  	[smem:$0x3F97] =	sst s1;
	(tag) =	ssettag s2;
	_ =	strace s9  }
0x27: {  	s1 =	sld [smem:$0x3FA7]  }
0x28: {  	s2 =	sld [smem:$0x3FA8]  }
0x29: {  	s4 =	sld [smem:$0x3FAA]  }
0x2a: {  	p0 =	seq.s32 s5, $0x0;
	s5 =	sld [smem:$0x3FAB]  }
0x2b: {  	s6 =	sld [smem:$0x3FAC]  }
0x2c: {  	s7 =	sld [smem:$0x3FAD]  }
0x2d: {  	s3 =	simm.s32 $0x108;
	s8 =	sld [smem:$0x3FAE]  }
0x2e: {  	s3 =	simm.s32 @!p0 $0x1082;
	s9 =	sld [smem:$0x3FAF]  }
0x2f: {  	lr =	sadd.s32 s0, s3;
	s0 =	sld [smem:$0x3FA6]  }
0x30: {  	s3 =	sld [smem:$0x3FA9]  }
0x31: {  	[smem:$0x3FB2] =	sst s10  }
0x32: {  	s10 =	sld [smem:$0x3FB0];
	_ =	sdelay $0x3  }
0x33: {  	p0 =	seq.s32 s10, $0x1;
	s10 =	sld [smem:$0x3FB2];
	_ =	sdelay $0x3  }
0x34: {  	[smem:$0x3FB2] =	sst s10  }
0x35: {  	s10 =	sld [smem:$0x3FB1];
	_ =	sdelay $0x3  }
0x36: {  	p1 =	seq.s32 s10, $0x1;
	s10 =	sld [smem:$0x3FB2];
	_ =	sdelay $0x3  }
0x37: {  	[smem:$0x3FB2] =	sst s10  }
0x38: {  	s10 =	sld [smem:$0x3FB3]  }
0x39: {  	_ = 	snop;
	(pc) =	sbr.ind lr, $3  }
0x3a: {  	_ = 	snop  }
0x3b: {  	_ = 	snop  }
0x3c: {  	p2 =	seq.s32 s10, $0x1;
	s10 =	sld [smem:$0x3FB2]  }
0x3d: {  	_ =	shalt  }
0x3e: {  	_ =	shalt  }
0x3f: {  	_ =	shalt  }
0x40: {  	_ =	shalt  }
0x41: {  	_ =	shalt  }
0x42: {  	_ =	shalt  }
0x43: {  	_ =	shalt  }
0x44: {  	_ =	shalt  }
0x45: {  	_ =	shalt  }
0x46: {  	_ =	shalt  }
0x47: {  	_ =	shalt  }
0x48: {  	_ =	shalt  }
0x49: {  	_ =	shalt  }
0x4a: {  	_ =	shalt  }
0x4b: {  	_ =	shalt  }
0x4c: {  	_ =	shalt  }
0x4d: {  	_ =	shalt  }
0x4e: {  	_ =	shalt  }
0x4f: {  	_ =	shalt  }
0x50: {  	_ =	shalt  }
0x51: {  	_ =	shalt  }
0x52: {  	_ =	shalt  }
0x53: {  	_ =	shalt  }
0x54: {  	_ =	shalt  }
0x55: {  	_ =	shalt  }
0x56: {  	_ =	shalt  }
0x57: {  	_ =	shalt  }
0x58: {  	_ =	shalt  }
0x59: {  	_ =	shalt  }
0x5a: {  	_ =	shalt  }
0x5b: {  	_ =	shalt  }
0x5c: {  	_ =	shalt  }
0x5d: {  	_ =	shalt  }
0x5e: {  	_ =	shalt  }
0x5f: {  	_ =	shalt  }
0x60: {  	_ =	shalt  }
0x61: {  	_ =	shalt  }
0x62: {  	_ =	shalt  }
0x63: {  	_ =	shalt  }
0x64: {  	_ =	shalt  }
0x65: {  	_ =	shalt  }
0x66: {  	_ =	shalt  }
0x67: {  	_ =	shalt  }
0x68: {  	_ =	shalt  }
0x69: {  	_ =	shalt  }
0x6a: {  	_ =	shalt  }
0x6b: {  	_ =	shalt  }
0x6c: {  	_ =	shalt  }
0x6d: {  	_ =	shalt  }
0x6e: {  	_ =	shalt  }
0x6f: {  	_ =	shalt  }
0x70: {  	_ =	shalt  }
0x71: {  	_ =	shalt  }
0x72: {  	_ =	shalt  }
0x73: {  	_ =	shalt  }
0x74: {  	_ =	shalt  }
0x75: {  	_ =	shalt  }
0x76: {  	_ =	shalt  }
0x77: {  	_ =	shalt  }
0x78: {  	_ =	shalt  }
0x79: {  	_ =	shalt  }
0x7a: {  	_ =	shalt  }
0x7b: {  	_ =	shalt  }
0x7c: {  	_ =	shalt  }
0x7d: {  	_ =	shalt  }
0x7e: {  	_ =	shalt  }
0x7f: {  	_ =	shalt  }
0x80: {  	_ =	shalt  }
0x81: {  	_ =	shalt  }
0x82: {  	_ =	shalt  }
0x83: {  	_ =	shalt  }
0x84: {  	_ =	shalt  }
0x85: {  	_ =	shalt  }
0x86: {  	_ =	shalt  }
0x87: {  	_ =	shalt  }
.Lfunc_end0:
.L_simem_size_0:
called_computation.2_lowered:
.L_overlay_start_0:
0x88: {  	s2 =	sld [smem:$0x3FD9]  }
0x89: {  	s3 =	sld [smem:$0x3FFE];
	_ =	sdelay $0x1  }
0x8a: {  	s1 =	srdreg.scid  }
0x8b: {  	s0 =	sand.u32 $0x1, s1  }
0x8c: {  	s16 =	sshll.u32 s0, $0xA;
	s2 =	sadd.s32 s3, s2  }
0x8d: {  	s2 =	sadd.s32 s2, s16  }
0x8e: {  	[smem:$0x3FBE] =	sst s2  }
0x8f: {  	_ = 	snop  }
0x90: {  	(tm) =	ssettm $0x1  }
0x91: {  	s17 =	sld [smem:$0x3FFB];
	_ =	sdelay $0x3  }
0x92: {  	_ =	strace s17  }
0x93: {  	s2 =	sld [smem:$0x3FFC];
	_ =	sdelay $0x3  }
0x94: {  	_ =	strace s2  }
0x95: {  	s2 =	sld [smem:$0x3FFD];
	_ =	sdelay $0x3  }
0x96: {  	_ =	strace s2  }
0x97: {  	_ =	strace $0x8FFFFFFF  }
0x98: {  	s18 =	sld [smem:$0x3FDB];
	_ =	sdelay $0x1  }
0x99: {  	s19 =	simm.s32 $_scs_section_size  }
0x9a: {  	s4 =	simm.s32 $_size__tile_overlayer_lowered;
	s5 =	simm.s32 $_tile_overlayer_lowered  }
0x9b: {  	s22 =	simm.s32 $0x1BFF;
	s21 =	sshll.u32 s5, $0x1;
	s2 =	sadd.s32 s19, s18  }
0x9c: {  	s6 =	simm.s32 $0x0;
	s20 =	sshll.u32 s4, $0x1;
	s4 =	sadd.s32 s21, s2  }
0x9d: {  	[timem:s6], [sflag:s22] =	dma.local [hbm:s4], s20  }
0x9e: {  	_ =	swait.ge [sflag:s22], s20  }
0x9f: {  	s3 =	ssub.s32 $0x0, s20;
	[sflag:s22] =	ssyncset.done $0x0  }
0xa0: {  	[sflag:s22] =	ssyncadd.s32 s3;
	_ =	sdelay $0x1  }
0xa1: {  	s23 =	simm.s32 $0x1B8B  }
0xa2: {  	_ =	swait.ge [sflag:s23], $0x1  }
0xa3: {  	[sflag:s23] =	ssyncset.done $0x0  }
0xa4: {  	s25 =	simm.s32 $0x1B8E;
	s24 =	sld [smem:$0x3FFE];
	[sflag:s23] =	ssyncadd.s32 $0xFFFFFFFF  }
0xa5: {  	s26 =	simm.s32 $execute0_lowered;
	[smem:$0x3FD2] =	sst s25  }
0xa6: {  	s4 =	sshll.u32 s26, $0x1;
	_ =	strace $0x8000004C;
	[dreg:$0x1] =	wrdreg $0xFFFFFFFF  }
0xa7: {  	s28 =	simm.s32 $_size_execute0_lowered;
	s2 =	sadd.s32 s2, s4;
	[dreg:$0x0] =	wrdreg $0x0  }
0xa8: {  	s4 =	sshll.u32 s28, $0x1;
	[dreg:$0x2] =	wrdreg s2  }
0xa9: {  	[dreg:$0x3] =	wrdreg s4  }
0xaa: {  	[dreg:$0x4] =	wrdreg $0xC0  }
0xab: {  	_ =	task [dreg:s6], $0x5FFFF  }
0xac: {  	[dreg:$0x1] =	wrdreg $0xFFFFFFFF  }
0xad: {  	[dreg:$0x0] =	wrdreg $0x60  }
0xae: {  	[dreg:$0x2] =	wrdreg s24  }
0xaf: {  	[dreg:$0x3] =	wrdreg $0x84000  }
0xb0: {  	[dreg:$0x4] =	wrdreg $0x9  }
0xb1: {  	_ =	task.clear_ibuf [dreg:s6], $0x5FFFF;
	_ =	strace $0x9000004C  }
0xb2: {  	s29 =	simm.s32 $0x9;
	_ =	strace $0x8000004E  }
0xb3: {  	_ =	swait.ge [sflag:s29], $0x1  }
0xb4: {  	[sflag:s29] =	ssyncadd.s32 $0xFFFFFFFF  }
0xb5: {  	_ =	strace $0x9000004E  }
0xb6: {  	_ =	sfence  }
0xb7: {  	s30 =	sld [smem:$0x0];
	_ =	sdelay $0x2  }
0xb8: {  	s31 =	sshll.u32 s1, $0xD;
	s1 =	sshrl.u32 s1, $0x2  }
0xb9: {  	s3 =	sand.u32 $0x4000, s31;
	s1 =	sadd.s32 s1, s30  }
0xba: {  	s0 =	sor.u32 s3, s0;
	s1 =	sshll.u32 s1, $0x11  }
0xbb: {  	s0 =	sor.u32 s1, s0  }
0xbc: {  	s0 =	sadd.s32 $0x8F2B, s0  }
0xbd: {  	[sflag:s0] =	ssyncadd.remote.s32 $0x1  }
0xbe: {  	_ =	sfence.sel $0xFFFF  }
0xbf: {  	[dreg:$0x0] =	wrdreg $0xFFFFFFFF;
	(pc) =	sbr.abs _section_cstart, $3  }
0xc0: {  	[dreg:$0x1] =	wrdreg $0xFFFFFFFF  }
0xc1: {  	_ =	task.clear_ibuf [dreg:s6], $0x2FFFF;
	_ =	strace $0x9FFFFFFF  }
0xc2: {  	(tm) =	ssettm $0x7FFFFFFF  }
0xc3: {  	_ =	shalt  }
tec
execute0_lowered:
.L_overlay_start_1:
0x0: {  	(tag) =	ssettag $0x1  }
0x1: {  	s0 =	rddreg [dreg:$0x0]  }
0x2: {  	s2 =	rddreg [dreg:$0x1];
	s13 =	stileid.u32  }
0x3: {  	s1 =	srdreg.scid;
	s3 =	simm.s32 $0x0;
	s16 =	simm.s32 $0x5  }
0x4: {  	s17 =	simm.s32 $0x200;
	s18 =	simm.s32 $0x80;
	s19 =	simm.s32 $0x4400  }
0x5: {  	s20 =	simm.s32 $0x1;
	s21 =	simm.s32 $0x300;
	s12 =	smul.u32 $0xA00, s13  }
0x6: {  	s22 =	simm.s32 $0x3;
	s23 =	simm.s32 $0x2;
	s6 =	smul.u32 $0x280, s13  }
0x7: {  	s25 =	simm.s32 $0x4;
	s30 =	simm.s32 $0x0;
	s7 =	smul.u32 $0x50000, s13  }
0x8: {  	s1 =	sand.u32 $0x1, s1;
	[smem:$0x7FF] =	sst s3;
	s9 =	smul.u32 $0xA0, s13  }
0x9: {  	s4 =	sadd.s32 $0x70400, s0;
	s10 =	sadd.s32 $0x5C400, s0;
	s5 =	smul.u32 $0x2800, s1  }
0xa: {  	s28 =	sshll.u32 s13, $0x6;
	_ =	strace $0x8000004D;
	s26 =	smul.u32 $0xA00, s1  }
0xb: {  	s8 =	ssub.s32 $0x2, s1;
	s1 =	smul.u32 $0xA000, s1;
	s14 =	sadd.s32 s12, s0  }
0xc: {  	s11 =	sshrl.u32 s8, $0x1;
	s7 =	sshrl.u32 s7, $0x2;
	s5 =	sadd.s32 s6, s5  }
0xd: {  	s11 =	ssub.s32 s8, s11;
	s15 =	sadd.s32 s7, s2;
	s6 =	sadd.s32 s9, s26  }
0xe: {  	s8 =	sadd.s32 $0x2400, s14;
	s31 =	sadd.s32 s1, s10;
	s26 =	simm.s32 $0x400  }
0xf: {  	s5 =	sshll.u32 s5, $0x4;
	s29 =	sshll.u32 s6, $0x4;
	s6 =	sor.u32 $0x1C05, s28  }
0x10: {  	s15 =	sshrl.u32 s15, $0x3;
	s0 =	sadd.s32 s5, s0;
	s5 =	sadd.s32 s4, s5  }
0x11: {  	s7 =	sadd.s32 s10, s29;
	s10 =	smax.u32 s11, $0x1;
	[dreg:$0x3] =	wrdreg s5  }
0x12: {  	s9 =	sadd.s32 $0xC0400, s0;
	s11 =	sadd.s32 $0x20, s7;
	s0 =	sadd.s32 s12, s31  }
0x13: {  	s12 =	sadd.s32 $0x2420, s14;
	s14 =	sadd.s32 $0x2440, s14;
	s13 =	sadd.s32 $0x40, s0  }
.LBB2_1:
0x14: {  	s0 =	rddreg [dreg:$0x3]  }
0x15: {  	[spmem:s15], [sflag:s6] =	dma.local [hbm:s0], $0x2800  }
0x16: {  	_ =	swait.ge [sflag:s16], $0x2800  }
0x17: {  	[sflag:s16] =	ssyncset.done $0x0  }
0x18: {  	[sflag:s16] =	ssyncadd.s32 $0xFFFFD800  }
0x19: {  	[bflag:$0x0] =	sbarrier.arrive $0xFFFF  }
0x1a: {  	[tilespmem:s3], [sflag:$0x5] =	stream.linear.gather [hbm4b:s7+s3], $0x100, $0x38;
	[tilespmem:$0x1C400] =	vst v63  }
0x1b: {  	_ =	swait.ge [sflag:s16], $0x100  }
0x1c: {  	[sflag:s16] =	ssyncset.done $0x0  }
0x1d: {  	[sflag:s16] =	ssyncadd.s32 $0xFFFFFF00  }
0x1e: {  	[tilespmem:s17], [sflag:$0x5] =	stream.linear.gather [hbm4b:s8+s3], $0x100, $0x38;
	[tilespmem:$0x1C400] =	vst v63  }
0x1f: {  	_ =	swait.ge [sflag:s16], $0x100  }
0x20: {  	[sflag:s16] =	ssyncset.done $0x0  }
0x21: {  	[sflag:s16] =	ssyncadd.s32 $0xFFFFFF00  }
0x22: {  	[tilespmem:s26], [sflag:$0x1] =	stream.indirect.gather [hbm4b:s4+s18], $0x80, s3, s18, $0xb8;
	[tilespmem:$0x1C400] =	vst v63  }
0x23: {  	_ = 	snop  }
0x24: {  	[tilespmem:s19], [sflag:$0x2] =	stream.indirect.gather [hbm4b:s4+s18], $0x80, s18, s18, $0xb8;
	[tilespmem:$0x1C400] =	vst v63  }
0x25: {  	_ =	swait.ge [sflag:s20], $0x4000  }
0x26: {  	[sflag:s20] =	ssyncset.done $0x0  }
0x27: {  	[sflag:s20] =	ssyncadd.s32 $0xFFFFC000  }
0x28: {  	[spmem:s2] =	stream.indirect.scatter.add.f32 [tilespmem:s26], [sflag:$0x3], $0x80, s17, s18, $0xb8;
	[tilespmem:$0x1C400] =	vst v63  }
0x29: {  	s0 =	simm.s32 $0x100  }
0x2a: {  	[tilespmem:s0], [sflag:$0x5] =	stream.linear.gather [hbm4b:s11+s3], $0x100, $0x38;
	[tilespmem:$0x1C400] =	vst v63  }
0x2b: {  	_ =	swait.ge [sflag:s16], $0x100  }
0x2c: {  	[sflag:s16] =	ssyncset.done $0x0  }
0x2d: {  	[sflag:s16] =	ssyncadd.s32 $0xFFFFFF00  }
0x2e: {  	[tilespmem:s21], [sflag:$0x5] =	stream.linear.gather [hbm4b:s12+s3], $0x100, $0x38;
	[tilespmem:$0x1C400] =	vst v63  }
0x2f: {  	_ =	swait.ge [sflag:s16], $0x100  }
0x30: {  	[sflag:s16] =	ssyncset.done $0x0  }
0x31: {  	[sflag:s16] =	ssyncadd.s32 $0xFFFFFF00  }
0x32: {  	_ =	swait.ge [sflag:s22], $0x4000  }
0x33: {  	[sflag:s22] =	ssyncset.done $0x0  }
0x34: {  	[sflag:s22] =	ssyncadd.s32 $0xFFFFC000  }
0x35: {  	[tilespmem:s26], [sflag:$0x1] =	stream.indirect.gather [hbm4b:s4+s18], $0x80, s0, s18, $0xb8;
	[tilespmem:$0x1C400] =	vst v63  }
0x36: {  	_ =	swait.ge [sflag:s23], $0x4000  }
0x37: {  	[sflag:s23] =	ssyncset.done $0x0  }
0x38: {  	s1 =	simm.s32 $0x280;
	[sflag:s23] =	ssyncadd.s32 $0xFFFFC000  }
0x39: {  	[spmem:s2] =	stream.indirect.scatter.add.f32 [tilespmem:s19], [sflag:$0x4], $0x80, s1, s18, $0xb8;
	[tilespmem:$0x1C400] =	vst v63  }
0x3a: {  	s29 =	simm.s32 $0x100;
	_ =	swait.ge [sflag:s25], $0x4000  }
0x3b: {  	s24 =	sand.u32 $0x100, s29;
	[sflag:s25] =	ssyncset.done $0x0  }
0x3c: {  	s1 =	sor.u32 $0x80, s24;
	[sflag:s25] =	ssyncadd.s32 $0xFFFFC000  }
0x3d: {  	[tilespmem:s19], [sflag:$0x2] =	stream.indirect.gather [hbm4b:s4+s18], $0x80, s1, s18, $0xb8;
	[tilespmem:$0x1C400] =	vst v63  }
0x3e: {  	_ =	swait.ge [sflag:s20], $0x4000  }
0x3f: {  	[sflag:s20] =	ssyncset.done $0x0  }
0x40: {  	s5 =	sor.u32 $0x200, s24;
	s0 =	sxor.u32 $0xFFFFFFFF, s0;
	[sflag:s20] =	ssyncadd.s32 $0xFFFFC000  }
0x41: {  	[spmem:s2] =	stream.indirect.scatter.add.f32 [tilespmem:s26], [sflag:$0x3], $0x80, s5, s18, $0xb8;
	[tilespmem:$0x1C400] =	vst v63  }
0x42: {  	s0 =	sand.u32 $0x100, s0  }
0x43: {  	[tilespmem:s0], [sflag:$0x5] =	stream.linear.gather [hbm4b:s13+s3], $0x100, $0x38;
	[tilespmem:$0x1C400] =	vst v63  }
0x44: {  	_ =	swait.ge [sflag:s16], $0x100  }
0x45: {  	[sflag:s16] =	ssyncset.done $0x0  }
0x46: {  	s29 =	sor.u32 $0x200, s0;
	[sflag:s16] =	ssyncadd.s32 $0xFFFFFF00  }
0x47: {  	[tilespmem:s29], [sflag:$0x5] =	stream.linear.gather [hbm4b:s14+s3], $0x100, $0x38;
	[tilespmem:$0x1C400] =	vst v63  }
0x48: {  	_ =	swait.ge [sflag:s16], $0x100  }
0x49: {  	[sflag:s16] =	ssyncset.done $0x0  }
0x4a: {  	[sflag:s16] =	ssyncadd.s32 $0xFFFFFF00  }
0x4b: {  	_ =	swait.ge [sflag:s22], $0x4000  }
0x4c: {  	[sflag:s22] =	ssyncset.done $0x0  }
0x4d: {  	[sflag:s22] =	ssyncadd.s32 $0xFFFFC000  }
0x4e: {  	[tilespmem:s26], [sflag:$0x1] =	stream.indirect.gather [hbm4b:s4+s18], $0x80, s0, s18, $0xb8;
	[tilespmem:$0x1C400] =	vst v63  }
0x4f: {  	s31 =	simm.s32 $0x200;
	_ =	swait.ge [sflag:s23], $0x4000  }
0x50: {  	s28 =	sor.u32 $0x280, s24;
	s24 =	simm.s32 $0x800;
	[sflag:s23] =	ssyncset.done $0x0  }
0x51: {  	s1 =	sadd.s32 $0x20, s14;
	s0 =	sadd.s32 $0x20, s13;
	[sflag:s23] =	ssyncadd.s32 $0xFFFFC000  }
.LBB2_2:
0x52: {  	[spmem:s2] =	stream.indirect.scatter.add.f32 [tilespmem:s19], [sflag:$0x4], $0x80, s28, s18, $0xb8;
	[tilespmem:$0x1C400] =	vst v63  }
0x53: {  	s28 =	smov.u32 s31  }
0x54: {  	s29 =	sshrl.u32 s24, $0x2;
	p0 =	sne.s32 s31, $0x4E00;
	_ =	swait.ge [sflag:s25], $0x4000  }
0x55: {  	s31 =	sadd.s32 $0x100, s31;
	s29 =	sand.u32 $0x100, s29;
	[sflag:s25] =	ssyncset.done $0x0  }
0x56: {  	s5 =	sor.u32 $0x80, s29;
	[sflag:s25] =	ssyncadd.s32 $0xFFFFC000  }
0x57: {  	[tilespmem:s19], [sflag:$0x2] =	stream.indirect.gather [hbm4b:s4+s18], $0x80, s5, s18, $0xb8;
	[tilespmem:$0x1C400] =	vst v63  }
0x58: {  	_ =	swait.ge [sflag:s20], $0x4000  }
0x59: {  	[sflag:s20] =	ssyncset.done $0x0  }
0x5a: {  	s28 =	sxor.u32 $0xFFFFFFFF, s28;
	s5 =	sor.u32 $0x200, s29;
	[sflag:s20] =	ssyncadd.s32 $0xFFFFC000  }
0x5b: {  	[spmem:s2] =	stream.indirect.scatter.add.f32 [tilespmem:s26], [sflag:$0x3], $0x80, s5, s18, $0xb8;
	[tilespmem:$0x1C400] =	vst v63  }
0x5c: {  	s5 =	sand.u32 $0x100, s28  }
0x5d: {  	[tilespmem:s5], [sflag:$0x5] =	stream.linear.gather [hbm4b:s0+s3], $0x100, $0x38;
	[tilespmem:$0x1C400] =	vst v63  }
0x5e: {  	_ =	swait.ge [sflag:s16], $0x100  }
0x5f: {  	[sflag:s16] =	ssyncset.done $0x0  }
0x60: {  	s28 =	sor.u32 $0x200, s5;
	[sflag:s16] =	ssyncadd.s32 $0xFFFFFF00  }
0x61: {  	[tilespmem:s28], [sflag:$0x5] =	stream.linear.gather [hbm4b:s1+s3], $0x100, $0x38;
	[tilespmem:$0x1C400] =	vst v63  }
0x62: {  	_ =	swait.ge [sflag:s16], $0x100  }
0x63: {  	[sflag:s16] =	ssyncset.done $0x0  }
0x64: {  	[sflag:s16] =	ssyncadd.s32 $0xFFFFFF00  }
0x65: {  	_ =	swait.ge [sflag:s22], $0x4000  }
0x66: {  	[sflag:s22] =	ssyncset.done $0x0  }
.Ltmp0:
0x67: {  	[sflag:s22] =	ssyncadd.s32 $0xFFFFC000;
	(pc) =	sbr.rel @p0 .LBB2_2-.Ltmp0, $4  }
0x68: {  	[tilespmem:s26], [sflag:$0x1] =	stream.indirect.gather [hbm4b:s4+s18], $0x80, s5, s18, $0xb8;
	[tilespmem:$0x1C400] =	vst v63  }
0x69: {  	_ =	swait.ge [sflag:s23], $0x4000  }
0x6a: {  	s0 =	sadd.s32 $0x20, s0;
	s1 =	sadd.s32 $0x20, s1;
	[sflag:s23] =	ssyncset.done $0x0  }
0x6b: {  	s24 =	sadd.s32 $0x400, s24;
	s28 =	sor.u32 $0x280, s29;
	[sflag:s23] =	ssyncadd.s32 $0xFFFFC000  }
0x6c: {  	[spmem:s2] =	stream.indirect.scatter.add.f32 [tilespmem:s19], [sflag:$0x4], $0x80, s28, s18, $0xb8;
	[tilespmem:$0x1C400] =	vst v63  }
0x6d: {  	_ =	swait.ge [sflag:s25], $0x4000  }
0x6e: {  	[sflag:s25] =	ssyncset.done $0x0  }
0x6f: {  	s0 =	simm.s32 $0x180;
	[sflag:s25] =	ssyncadd.s32 $0xFFFFC000  }
0x70: {  	[tilespmem:s19], [sflag:$0x2] =	stream.indirect.gather [hbm4b:s4+s18], $0x80, s0, s18, $0xb8;
	[tilespmem:$0x1C400] =	vst v63  }
0x71: {  	_ =	swait.ge [sflag:s20], $0x4000  }
0x72: {  	[sflag:s20] =	ssyncset.done $0x0  }
0x73: {  	[sflag:s20] =	ssyncadd.s32 $0xFFFFC000  }
0x74: {  	[spmem:s2] =	stream.indirect.scatter.add.f32 [tilespmem:s26], [sflag:$0x3], $0x80, s21, s18, $0xb8;
	[tilespmem:$0x1C400] =	vst v63  }
0x75: {  	_ =	swait.ge [sflag:s23], $0x4000  }
0x76: {  	[sflag:s23] =	ssyncset.done $0x0  }
0x77: {  	s31 =	simm.s32 $0x380;
	[sflag:s23] =	ssyncadd.s32 $0xFFFFC000  }
0x78: {  	[spmem:s2] =	stream.indirect.scatter.add.f32 [tilespmem:s19], [sflag:$0x4], $0x80, s31, s18, $0xb8;
	[tilespmem:$0x1C400] =	vst v63  }
0x79: {  	_ =	swait.ge [sflag:s22], $0x4000  }
0x7a: {  	[sflag:s22] =	ssyncset.done $0x0  }
0x7b: {  	[sflag:s22] =	ssyncadd.s32 $0xFFFFC000  }
0x7c: {  	_ =	swait.ge [sflag:s25], $0x4000  }
0x7d: {  	s30 =	sadd.s32 $0x1, s30;
	[sflag:s25] =	ssyncset.done $0x0  }
0x7e: {  	p0 =	sne.s32 s30, s10;
	[sflag:s25] =	ssyncadd.s32 $0xFFFFC000  }
.Ltmp1:
0x7f: {  	[bflag:$0x0] =	sbarrier.arrive $0xFFFF;
	(pc) =	sbr.rel @p0 .LBB2_1-.Ltmp1, $4  }
0x80: {  	[hbm:s9], [sflag:s6] =	dma.local [spmem:s15], $0x2800  }
0x81: {  	_ =	swait.ge [sflag:s16], $0x2800  }
0x82: {  	[sflag:s16] =	ssyncset.done $0x0  }
0x83: {  	[sflag:s16] =	ssyncadd.s32 $0xFFFFD800  }
0x84: {  	_ =	sfence.sel $0x180000  }
0x85: {  	[bflag:$0x0] =	sbarrier.arrive $0xFFFF  }
0x86: {  	_ =	strace $0x9000004D  }
0x87: {  	s0 =	stileid.u32;
	[bflag:$0x2] =	sbarrier.arrive $0xFFFF  }
0x88: {  	p0 =	sne.s32 s0, $0x0;
	s0 =	rddreg [dreg:$0x2]  }
0x89: {  	s0 =	sadd.s32 @!p0 $0x100000, s0  }
0x8a: {  	[sflag:s0] =	ssyncadd.tile.s32 @!p0 $0x1;
	_ =	shalt  }
.Lfunc_end2:
_tile_overlayer_lowered:
.L_overlay_start_2:
0x8b: {  	(tag) =	ssettag $0x2  }
0x8c: {  	s0 =	rddreg [dreg:$0x0];
	s2 =	stileid.u32  }
0x8d: {  	s1 =	rddreg [dreg:$0x1];
	p0 =	sne.s32 s2, $0x0  }
0x8e: {  	s3 =	rddreg [dreg:$0x2];
	[bflag:$0x3] =	sbarrier.arrive $0xFFFF;
	s2 =	simm.s32 @!p0 $0x1C05  }
0x8f: {  	[timem:s3], [sflag:s2] =	dma.local @!p0 [hbm:s0], s1  }
0x90: {  	s0 =	simm.s32 @!p0 $0x5  }
0x91: {  	_ =	swait.ge @!p0 [sflag:s0], s1  }
0x92: {  	s1 =	ssub.s32 @!p0 $0x0, s1;
	[sflag:s0] =	ssyncset.done @!p0 $0x0  }
0x93: {  	[sflag:s0] =	ssyncadd.s32 @!p0 s1  }
0x94: {  	[bflag:$0x3] =	sbarrier.arrive $0xFFFF  }
0x95: {  	_ =	shalt  }

// kernel: kernel.8.cloned.1.call-start
scs
__scs_entry_jumppad:
0x0: {  	(pc) =	sbr.rel $0x88, $3  }
0x1: {  	(tag) =	ssettag $0x0;
	lr =	simm.s32 $0x1  }
0x2: {  	[smem:$0x3F97] =	sst lr;
	_ =	strace $0xD0000000  }
0x3: {  	_ = 	snop  }
0x4: {  	_ = 	snop  }
0x5: {  	_ = 	snop  }
0x6: {  	_ = 	snop  }
0x7: {  	_ = 	snop  }
__scs_overlays_trampoline_lowered:
0x8: {  	[smem:$0x3FA6] =	sst s0  }
0x9: {  	[smem:$0x3FA7] =	sst s1  }
0xa: {  	[smem:$0x3FA8] =	sst s2  }
0xb: {  	[smem:$0x3FA9] =	sst s3  }
0xc: {  	[smem:$0x3FAA] =	sst s4  }
0xd: {  	[smem:$0x3FAB] =	sst s5  }
0xe: {  	[smem:$0x3FAC] =	sst s6  }
0xf: {  	[smem:$0x3FAD] =	sst s7  }
0x10: {  	[smem:$0x3FAE] =	sst s8  }
0x11: {  	[smem:$0x3FAF] =	sst s9;
	s0 =	simm.s32 @!p0 $0x0  }
0x12: {  	s1 =	sld [smem:$0x3F95];
	s0 =	simm.s32 @p0 $0x1  }
0x13: {  	[smem:$0x3FB0] =	sst s0;
	s0 =	simm.s32 @!p1 $0x0  }
0x14: {  	s2 =	sld [smem:$0x3F94];
	s0 =	simm.s32 @p1 $0x1  }
0x15: {  	[smem:$0x3FB1] =	sst s0;
	s0 =	simm.s32 @!p2 $0x0  }
0x16: {  	s3 =	sld [smem:$0x3FDB];
	s0 =	simm.s32 @p2 $0x1  }
0x17: {  	s4 =	simm.s32 $0x1BF5;
	[smem:$0x3FB3] =	sst s0  }
0x18: {  	s0 =	sld [smem:$0x3F96];
	_ =	swait.ge [sflag:s4], $0x0  }
0x19: {  	s7 =	sld [smem:$0x3F97]  }
0x1a: {  	s8 =	sadd.s32 $0xFFFFE003, lr  }
0x1b: {  	s9 =	sadd.s32 $0xFFFFFEF7, lr;
	s5 =	simm.s32 $0xFFFFFFFF;
	p2 =	slt.u32 s8, $0xFFFFF086  }
0x1c: {  	p1 =	slt.u32 s9, $0xF7A;
	s5 =	simm.s32 @!p2 $0x0  }
0x1d: {  	s5 =	simm.s32 @p1 $0x1;
	p0 =	seq.s32 s7, s2  }
0x1e: {  	s7 =	smul.u32 @!p0 $0xF7A, s2;
	p2 =	seq.s32 @!p0 s5, $0x0  }
0x1f: {  	s9 =	smul.u32 $0xF7A, s1;
	s8 =	simm.s32 @!p0 $0x1BF5;
	p2 =	por !p2, p0  }
0x20: {  	[sflag:s8] =	ssyncset.s32 @!p0 $0xFFFFF086;
	s6 =	sadd.s32 @!p0 s3, s7;
	s7 =	simm.s32 @!p0 $0x108  }
0x21: {  	s3 =	sadd.s32 s3, s9;
	s6 =	sadd.s32 @!p0 $0x88, s6;
	s7 =	simm.s32 @p2 $0x1082  }
0x22: {  	[simem:s7], [sflag:s8] =	dma.local @!p0 [hbm:s6], $0xF7A  }
0x23: {  	s9 =	sor.u32 $0xD0000000, s2;
	s6 =	simm.s32 $0x108;
	_ =	swait.ge @!p0 [sflag:s8], $0x0  }
0x24: {  	s3 =	sadd.s32 $0x88, s3;
	s6 =	simm.s32 @!p1 $0x1082;
	[sflag:s4] =	ssyncset.s32 $0xFFFFF086  }
0x25: {  	[simem:s6], [sflag:s4] =	dma.local [hbm:s3], $0xF7A  }
0x26: {  	[smem:$0x3F97] =	sst s1;
	(tag) =	ssettag s2;
	_ =	strace s9  }
0x27: {  	s1 =	sld [smem:$0x3FA7]  }
0x28: {  	s2 =	sld [smem:$0x3FA8]  }
0x29: {  	s4 =	sld [smem:$0x3FAA]  }
0x2a: {  	p0 =	seq.s32 s5, $0x0;
	s5 =	sld [smem:$0x3FAB]  }
0x2b: {  	s6 =	sld [smem:$0x3FAC]  }
0x2c: {  	s7 =	sld [smem:$0x3FAD]  }
0x2d: {  	s3 =	simm.s32 $0x108;
	s8 =	sld [smem:$0x3FAE]  }
0x2e: {  	s3 =	simm.s32 @!p0 $0x1082;
	s9 =	sld [smem:$0x3FAF]  }
0x2f: {  	lr =	sadd.s32 s0, s3;
	s0 =	sld [smem:$0x3FA6]  }
0x30: {  	s3 =	sld [smem:$0x3FA9]  }
0x31: {  	[smem:$0x3FB2] =	sst s10  }
0x32: {  	s10 =	sld [smem:$0x3FB0];
	_ =	sdelay $0x3  }
0x33: {  	p0 =	seq.s32 s10, $0x1;
	s10 =	sld [smem:$0x3FB2];
	_ =	sdelay $0x3  }
0x34: {  	[smem:$0x3FB2] =	sst s10  }
0x35: {  	s10 =	sld [smem:$0x3FB1];
	_ =	sdelay $0x3  }
0x36: {  	p1 =	seq.s32 s10, $0x1;
	s10 =	sld [smem:$0x3FB2];
	_ =	sdelay $0x3  }
0x37: {  	[smem:$0x3FB2] =	sst s10  }
0x38: {  	s10 =	sld [smem:$0x3FB3]  }
0x39: {  	_ = 	snop;
	(pc) =	sbr.ind lr, $3  }
0x3a: {  	_ = 	snop  }
0x3b: {  	_ = 	snop  }
0x3c: {  	p2 =	seq.s32 s10, $0x1;
	s10 =	sld [smem:$0x3FB2]  }
0x3d: {  	_ =	shalt  }
0x3e: {  	_ =	shalt  }
0x3f: {  	_ =	shalt  }
0x40: {  	_ =	shalt  }
0x41: {  	_ =	shalt  }
0x42: {  	_ =	shalt  }
0x43: {  	_ =	shalt  }
0x44: {  	_ =	shalt  }
0x45: {  	_ =	shalt  }
0x46: {  	_ =	shalt  }
0x47: {  	_ =	shalt  }
0x48: {  	_ =	shalt  }
0x49: {  	_ =	shalt  }
0x4a: {  	_ =	shalt  }
0x4b: {  	_ =	shalt  }
0x4c: {  	_ =	shalt  }
0x4d: {  	_ =	shalt  }
0x4e: {  	_ =	shalt  }
0x4f: {  	_ =	shalt  }
0x50: {  	_ =	shalt  }
0x51: {  	_ =	shalt  }
0x52: {  	_ =	shalt  }
0x53: {  	_ =	shalt  }
0x54: {  	_ =	shalt  }
0x55: {  	_ =	shalt  }
0x56: {  	_ =	shalt  }
0x57: {  	_ =	shalt  }
0x58: {  	_ =	shalt  }
0x59: {  	_ =	shalt  }
0x5a: {  	_ =	shalt  }
0x5b: {  	_ =	shalt  }
0x5c: {  	_ =	shalt  }
0x5d: {  	_ =	shalt  }
0x5e: {  	_ =	shalt  }
0x5f: {  	_ =	shalt  }
0x60: {  	_ =	shalt  }
0x61: {  	_ =	shalt  }
0x62: {  	_ =	shalt  }
0x63: {  	_ =	shalt  }
0x64: {  	_ =	shalt  }
0x65: {  	_ =	shalt  }
0x66: {  	_ =	shalt  }
0x67: {  	_ =	shalt  }
0x68: {  	_ =	shalt  }
0x69: {  	_ =	shalt  }
0x6a: {  	_ =	shalt  }
0x6b: {  	_ =	shalt  }
0x6c: {  	_ =	shalt  }
0x6d: {  	_ =	shalt  }
0x6e: {  	_ =	shalt  }
0x6f: {  	_ =	shalt  }
0x70: {  	_ =	shalt  }
0x71: {  	_ =	shalt  }
0x72: {  	_ =	shalt  }
0x73: {  	_ =	shalt  }
0x74: {  	_ =	shalt  }
0x75: {  	_ =	shalt  }
0x76: {  	_ =	shalt  }
0x77: {  	_ =	shalt  }
0x78: {  	_ =	shalt  }
0x79: {  	_ =	shalt  }
0x7a: {  	_ =	shalt  }
0x7b: {  	_ =	shalt  }
0x7c: {  	_ =	shalt  }
0x7d: {  	_ =	shalt  }
0x7e: {  	_ =	shalt  }
0x7f: {  	_ =	shalt  }
0x80: {  	_ =	shalt  }
0x81: {  	_ =	shalt  }
0x82: {  	_ =	shalt  }
0x83: {  	_ =	shalt  }
0x84: {  	_ =	shalt  }
0x85: {  	_ =	shalt  }
0x86: {  	_ =	shalt  }
0x87: {  	_ =	shalt  }
.Lfunc_end0:
.L_simem_size_0:
called_computation_lowered:
.L_overlay_start_0:
0x88: {  	s2 =	sld [smem:$0x3FD9]  }
0x89: {  	s3 =	sld [smem:$0x3FFE];
	_ =	sdelay $0x1  }
0x8a: {  	s1 =	srdreg.scid  }
0x8b: {  	s0 =	sand.u32 $0x1, s1  }
0x8c: {  	s16 =	sshll.u32 s0, $0xA;
	s2 =	sadd.s32 s3, s2  }
0x8d: {  	s2 =	sadd.s32 s2, s16  }
0x8e: {  	[smem:$0x3FBE] =	sst s2  }
0x8f: {  	_ = 	snop  }
0x90: {  	(tm) =	ssettm $0x1  }
0x91: {  	s17 =	sld [smem:$0x3FFB];
	_ =	sdelay $0x3  }
0x92: {  	_ =	strace s17  }
0x93: {  	s2 =	sld [smem:$0x3FFC];
	_ =	sdelay $0x3  }
0x94: {  	_ =	strace s2  }
0x95: {  	s2 =	sld [smem:$0x3FFD];
	_ =	sdelay $0x3  }
0x96: {  	_ =	strace s2  }
0x97: {  	_ =	strace $0x8FFFFFFF  }
0x98: {  	s18 =	sld [smem:$0x3FDB];
	_ =	sdelay $0x1  }
0x99: {  	s19 =	simm.s32 $_scs_section_size  }
0x9a: {  	s4 =	simm.s32 $_size__tile_overlayer_lowered;
	s5 =	simm.s32 $_tile_overlayer_lowered  }
0x9b: {  	s22 =	simm.s32 $0x1BFF;
	s21 =	sshll.u32 s5, $0x1;
	s2 =	sadd.s32 s19, s18  }
0x9c: {  	s6 =	simm.s32 $0x0;
	s20 =	sshll.u32 s4, $0x1;
	s4 =	sadd.s32 s21, s2  }
0x9d: {  	[timem:s6], [sflag:s22] =	dma.local [hbm:s4], s20  }
0x9e: {  	_ =	swait.ge [sflag:s22], s20  }
0x9f: {  	s3 =	ssub.s32 $0x0, s20;
	[sflag:s22] =	ssyncset.done $0x0  }
0xa0: {  	[sflag:s22] =	ssyncadd.s32 s3;
	_ =	sdelay $0x1  }
0xa1: {  	s23 =	simm.s32 $0x1B8B  }
0xa2: {  	_ =	swait.ge [sflag:s23], $0x1  }
0xa3: {  	[sflag:s23] =	ssyncset.done $0x0  }
0xa4: {  	s25 =	simm.s32 $0x1B8E;
	s24 =	sld [smem:$0x3FFE];
	[sflag:s23] =	ssyncadd.s32 $0xFFFFFFFF  }
0xa5: {  	s26 =	simm.s32 $execute0_lowered;
	[smem:$0x3FD2] =	sst s25  }
0xa6: {  	s4 =	sshll.u32 s26, $0x1;
	_ =	strace $0x80000046;
	[dreg:$0x1] =	wrdreg $0xFFFFFFFF  }
0xa7: {  	s28 =	simm.s32 $_size_execute0_lowered;
	s2 =	sadd.s32 s2, s4;
	[dreg:$0x0] =	wrdreg $0x0  }
0xa8: {  	s4 =	sshll.u32 s28, $0x1;
	[dreg:$0x2] =	wrdreg s2  }
0xa9: {  	[dreg:$0x3] =	wrdreg s4  }
0xaa: {  	[dreg:$0x4] =	wrdreg $0xC0  }
0xab: {  	_ =	task [dreg:s6], $0x5FFFF  }
0xac: {  	[dreg:$0x1] =	wrdreg $0xFFFFFFFF  }
0xad: {  	[dreg:$0x0] =	wrdreg $0x60  }
0xae: {  	[dreg:$0x2] =	wrdreg s24  }
0xaf: {  	[dreg:$0x3] =	wrdreg $0x44000  }
0xb0: {  	[dreg:$0x4] =	wrdreg $0x9  }
0xb1: {  	_ =	task.clear_ibuf [dreg:s6], $0x5FFFF;
	_ =	strace $0x90000046  }
0xb2: {  	s29 =	simm.s32 $0x9;
	_ =	strace $0x80000048  }
0xb3: {  	_ =	swait.ge [sflag:s29], $0x1  }
0xb4: {  	[sflag:s29] =	ssyncadd.s32 $0xFFFFFFFF  }
0xb5: {  	_ =	strace $0x90000048  }
0xb6: {  	_ =	sfence  }
0xb7: {  	s30 =	sld [smem:$0x0];
	_ =	sdelay $0x2  }
0xb8: {  	s31 =	sshll.u32 s1, $0xD;
	s1 =	sshrl.u32 s1, $0x2  }
0xb9: {  	s3 =	sand.u32 $0x4000, s31;
	s1 =	sadd.s32 s1, s30  }
0xba: {  	s0 =	sor.u32 s3, s0;
	s1 =	sshll.u32 s1, $0x11  }
0xbb: {  	s0 =	sor.u32 s1, s0  }
0xbc: {  	s0 =	sadd.s32 $0x8F2B, s0  }
0xbd: {  	[sflag:s0] =	ssyncadd.remote.s32 $0x1  }
0xbe: {  	_ =	sfence.sel $0xFFFF  }
0xbf: {  	[dreg:$0x0] =	wrdreg $0xFFFFFFFF;
	(pc) =	sbr.abs _section_cstart, $3  }
0xc0: {  	[dreg:$0x1] =	wrdreg $0xFFFFFFFF  }
0xc1: {  	_ =	task.clear_ibuf [dreg:s6], $0x2FFFF;
	_ =	strace $0x9FFFFFFF  }
0xc2: {  	(tm) =	ssettm $0x7FFFFFFF  }
0xc3: {  	_ =	shalt  }
tec
execute0_lowered:
.L_overlay_start_1:
0x0: {  	(tag) =	ssettag $0x1  }
0x1: {  	s6 =	rddreg [dreg:$0x0]  }
0x2: {  	s1 =	rddreg [dreg:$0x1];
	s3 =	simm.s32 $0x0;
	s2 =	srdreg.scid  }
0x3: {  	s14 =	simm.s32 $0x2;
	s16 =	simm.s32 $0x80;
	s17 =	simm.s32 $0x1  }
0x4: {  	s18 =	simm.s32 $0x4200;
	s19 =	simm.s32 $0x4280;
	s20 =	simm.s32 $0x4300  }
0x5: {  	s21 =	simm.s32 $0x4380;
	[smem:$0x7FF] =	sst s3;
	s7 =	sand.u32 $0x1, s2  }
0x6: {  	s22 =	simm.s32 $0x0;
	s2 =	stileid.u32;
	s5 =	smul.u32 $0x28000, s7  }
0x7: {  	s4 =	sadd.s32 $0x2400, s6;
	_ =	strace $0x80000047;
	s8 =	smul.u32 $0x2800, s2  }
0x8: {  	s9 =	sshll.u32 s7, $0x4;
	s10 =	smul.u32 $0x50000, s2;
	s7 =	ssub.s32 $0x2, s7  }
0x9: {  	s9 =	sor.u32 s2, s9;
	s31 =	sshrl.u32 s7, $0x1;
	s5 =	sadd.s32 s8, s5  }
0xa: {  	s29 =	smul.u32 $0x500, s9;
	s10 =	sshrl.u32 s10, $0x2;
	s11 =	ssub.s32 s7, s31  }
0xb: {  	s30 =	sadd.s32 s5, s6;
	s6 =	sadd.s32 s10, s1;
	s9 =	smax.u32 s11, $0x1  }
0xc: {  	s7 =	sadd.s32 s4, s29;
	s8 =	sadd.s32 $0xC400, s30;
	s10 =	sadd.s32 $0x4000, s6  }
0xd: {  	v0 =	vimm.f32 $1.000000000e+00;
	s11 =	sadd.s32 $0x8000, s6;
	s12 =	sadd.s32 $0xC000, s6;
	s13 =	sadd.s32 $0x10000, s6  }
.LBB2_1:
0xe: {  	s23 =	simm.s32 $0x0;
	s24 =	simm.s32 $0x200  }
.LBB2_2:
0xf: {  	p0 =	sne.s32 s24, $0xFE00;
	[tilespmem:s23+$0x70] =	vst v0  }
0x10: {  	[tilespmem:s23+$0x0] =	vst v0  }
0x11: {  	[tilespmem:s23+$0x10] =	vst v0  }
.Ltmp0:
0x12: {  	[tilespmem:s23+$0x20] =	vst v0;
	(pc) =	sbr.rel @p0 .LBB2_2-.Ltmp0, $4  }
0x13: {  	[tilespmem:s23+$0x30] =	vst v0  }
0x14: {  	[tilespmem:s23+$0x40] =	vst v0  }
0x15: {  	[tilespmem:s23+$0x50] =	vst v0  }
0x16: {  	[tilespmem:s23+$0x60] =	vst v0;
	s23 =	sshra.s32 s24, $0x2;
	s24 =	sadd.s32 $0x200, s24  }
0x17: {  	[tilespmem:s23+$0x70] =	vst v0  }
0x18: {  	[tilespmem:s23+$0x0] =	vst v0  }
0x19: {  	[tilespmem:s23+$0x10] =	vst v0  }
0x1a: {  	[tilespmem:s23+$0x20] =	vst v0  }
0x1b: {  	[tilespmem:s23+$0x30] =	vst v0  }
0x1c: {  	[tilespmem:s23+$0x40] =	vst v0  }
0x1d: {  	[tilespmem:s23+$0x50] =	vst v0  }
0x1e: {  	[tilespmem:s23+$0x60] =	vst v0  }
0x1f: {  	[spmem:s6] =	stream.linear.scatter [tilespmem:s3], [sflag:$0x2], $0x4000, $0x38;
	[tilespmem:$0x18400] =	vst v63  }
0x20: {  	_ =	swait.ge [sflag:s14], $0x4000  }
0x21: {  	[sflag:s14] =	ssyncset.done $0x0  }
0x22: {  	[sflag:s14] =	ssyncadd.s32 $0xFFFFC000  }
0x23: {  	[spmem:s10] =	stream.linear.scatter [tilespmem:s3], [sflag:$0x2], $0x4000, $0x38;
	[tilespmem:$0x18400] =	vst v63  }
0x24: {  	_ =	swait.ge [sflag:s14], $0x4000  }
0x25: {  	[sflag:s14] =	ssyncset.done $0x0  }
0x26: {  	[sflag:s14] =	ssyncadd.s32 $0xFFFFC000  }
0x27: {  	[spmem:s11] =	stream.linear.scatter [tilespmem:s3], [sflag:$0x2], $0x4000, $0x38;
	[tilespmem:$0x18400] =	vst v63  }
0x28: {  	_ =	swait.ge [sflag:s14], $0x4000  }
0x29: {  	[sflag:s14] =	ssyncset.done $0x0  }
0x2a: {  	[sflag:s14] =	ssyncadd.s32 $0xFFFFC000  }
0x2b: {  	[spmem:s12] =	stream.linear.scatter [tilespmem:s3], [sflag:$0x2], $0x4000, $0x38;
	[tilespmem:$0x18400] =	vst v63  }
0x2c: {  	_ =	swait.ge [sflag:s14], $0x4000  }
0x2d: {  	[sflag:s14] =	ssyncset.done $0x0  }
0x2e: {  	[sflag:s14] =	ssyncadd.s32 $0xFFFFC000  }
0x2f: {  	[spmem:s13] =	stream.linear.scatter [tilespmem:s3], [sflag:$0x2], $0x4000, $0x38;
	[tilespmem:$0x18400] =	vst v63  }
0x30: {  	_ =	swait.ge [sflag:s14], $0x4000  }
0x31: {  	[sflag:s14] =	ssyncset.done $0x0  }
0x32: {  	[sflag:s14] =	ssyncadd.s32 $0xFFFFC000  }
0x33: {  	s0 =	simm.s32 $0x4000;
	[bflag:$0x0] =	sbarrier.arrive $0xFFFF  }
0x34: {  	[tilespmem:s0], [sflag:$0x2] =	stream.linear.gather [hbm4b:s7+s3], $0x200, $0x38;
	[tilespmem:$0x18400] =	vst v63  }
0x35: {  	s24 =	simm.s32 $0x800;
	s0 =	simm.s32 $0x0;
	_ =	swait.ge [sflag:s14], $0x200  }
0x36: {  	s25 =	simm.s32 $0x200;
	s23 =	sand.u32 $0x200, s0;
	[sflag:s14] =	ssyncset.done $0x0  }
0x37: {  	s28 =	sadd.s32 $0x200, s5;
	s26 =	sor.u32 $0x4000, s23;
	[sflag:s14] =	ssyncadd.s32 $0xFFFFFE00  }
0x38: {  	[spmem:s1] =	stream.indirect.scatter.add.f32 [tilespmem:s3], [sflag:$0x1], $0x80, s26, s16, $0xb8;
	[tilespmem:$0x18400] =	vst v63  }
0x39: {  	s28 =	sand.u32 $0xFFC00, s28;
	s25 =	sand.u32 $0x200, s25;
	s15 =	sor.u32 $0x4080, s23  }
0x3a: {  	[spmem:s1] =	stream.indirect.scatter.add.f32 [tilespmem:s3], [sflag:$0x1], $0x80, s15, s16, $0xb8;
	[tilespmem:$0x18400] =	vst v63  }
0x3b: {  	s24 =	sand.u32 $0x800, s24;
	s25 =	sor.u32 s25, s28;
	s29 =	sor.u32 $0x4100, s23  }
0x3c: {  	[spmem:s1] =	stream.indirect.scatter.add.f32 [tilespmem:s3], [sflag:$0x1], $0x80, s29, s16, $0xb8;
	[tilespmem:$0x18400] =	vst v63  }
0x3d: {  	s24 =	sshrl.u32 s24, $0x2;
	s25 =	sshrl.u32 s25, $0x3;
	s23 =	sor.u32 $0x4180, s23  }
0x3e: {  	[spmem:s1] =	stream.indirect.scatter.add.f32 [tilespmem:s3], [sflag:$0x1], $0x80, s23, s16, $0xb8;
	[tilespmem:$0x18400] =	vst v63  }
0x3f: {  	s30 =	sor.u32 $0x4000, s24;
	s31 =	sadd.s32 s4, s25  }
0x40: {  	[tilespmem:s30], [sflag:$0x2] =	stream.linear.gather [hbm4b:s31+s3], $0x200, $0x38;
	[tilespmem:$0x18400] =	vst v63  }
0x41: {  	_ =	swait.ge [sflag:s14], $0x200  }
0x42: {  	[sflag:s14] =	ssyncset.done $0x0  }
0x43: {  	[sflag:s14] =	ssyncadd.s32 $0xFFFFFE00  }
0x44: {  	_ =	swait.ge [sflag:s17], $0x4000  }
0x45: {  	[sflag:s17] =	ssyncset.done $0x0  }
0x46: {  	s24 =	simm.s32 $0x400;
	s25 =	simm.s32 $0x1800;
	[sflag:s17] =	ssyncadd.s32 $0xFFFFC000  }
0x47: {  	s26 =	simm.s32 $0x200;
	s23 =	simm.s32 $0x1000;
	_ =	swait.ge [sflag:s17], $0x4000  }
.LBB2_4:
0x48: {  	p0 =	sne.s32 s25, $0x9800  }
0x49: {  	s26 =	sand.u32 $0x200, s26;
	[sflag:s17] =	ssyncset.done $0x0;
	s28 =	smov.u32 s25  }
0x4a: {  	s25 =	sadd.s32 $0x800, s25;
	s29 =	sor.u32 $0x4000, s26;
	[sflag:s17] =	ssyncadd.s32 $0xFFFFC000  }
0x4b: {  	_ =	swait.ge [sflag:s17], $0x4000  }
0x4c: {  	[sflag:s17] =	ssyncset.done $0x0  }
0x4d: {  	s30 =	sor.u32 $0x4080, s26;
	[sflag:s17] =	ssyncadd.s32 $0xFFFFC000  }
0x4e: {  	_ =	swait.ge [sflag:s17], $0x4000  }
0x4f: {  	s0 =	sadd.s32 s24, s5;
	s31 =	sor.u32 $0x4100, s26;
	[sflag:s17] =	ssyncset.done $0x0  }
0x50: {  	[sflag:s17] =	ssyncadd.s32 $0xFFFFC000  }
0x51: {  	s15 =	sand.u32 $0x200, s24;
	s26 =	sor.u32 $0x4180, s26;
	s0 =	sand.u32 $0xFFC00, s0  }
0x52: {  	[spmem:s1] =	stream.indirect.scatter.add.f32 [tilespmem:s3], [sflag:$0x1], $0x80, s29, s16, $0xb8;
	[tilespmem:$0x18400] =	vst v63  }
0x53: {  	s0 =	sor.u32 s15, s0  }
0x54: {  	[spmem:s1] =	stream.indirect.scatter.add.f32 [tilespmem:s3], [sflag:$0x1], $0x80, s30, s16, $0xb8;
	[tilespmem:$0x18400] =	vst v63  }
0x55: {  	s15 =	sand.u32 $0x800, s23;
	s23 =	smov.u32 s28;
	s0 =	sshrl.u32 s0, $0x3  }
0x56: {  	[spmem:s1] =	stream.indirect.scatter.add.f32 [tilespmem:s3], [sflag:$0x1], $0x80, s31, s16, $0xb8;
	[tilespmem:$0x18400] =	vst v63  }
0x57: {  	s15 =	sshrl.u32 s15, $0x2  }
0x58: {  	[spmem:s1] =	stream.indirect.scatter.add.f32 [tilespmem:s3], [sflag:$0x1], $0x80, s26, s16, $0xb8;
	[tilespmem:$0x18400] =	vst v63  }
0x59: {  	s15 =	sor.u32 $0x4000, s15;
	s0 =	sadd.s32 s4, s0  }
0x5a: {  	[tilespmem:s15], [sflag:$0x2] =	stream.linear.gather [hbm4b:s0+s3], $0x200, $0x38;
	[tilespmem:$0x18400] =	vst v63  }
0x5b: {  	_ =	swait.ge [sflag:s14], $0x200  }
0x5c: {  	[sflag:s14] =	ssyncset.done $0x0  }
.Ltmp1:
0x5d: {  	[sflag:s14] =	ssyncadd.s32 $0xFFFFFE00;
	(pc) =	sbr.rel @p0 .LBB2_4-.Ltmp1, $4  }
0x5e: {  	_ =	swait.ge [sflag:s17], $0x4000  }
0x5f: {  	[sflag:s17] =	ssyncset.done $0x0  }
0x60: {  	s24 =	sadd.s32 $0x200, s24;
	[sflag:s17] =	ssyncadd.s32 $0xFFFFC000  }
0x61: {  	s26 =	sadd.s32 $0xFFFFFE00, s24;
	_ =	swait.ge [sflag:s17], $0x4000  }
0x62: {  	[sflag:s17] =	ssyncset.done $0x0  }
0x63: {  	[sflag:s17] =	ssyncadd.s32 $0xFFFFC000  }
0x64: {  	_ =	swait.ge [sflag:s17], $0x4000  }
0x65: {  	[sflag:s17] =	ssyncset.done $0x0  }
0x66: {  	[sflag:s17] =	ssyncadd.s32 $0xFFFFC000  }
0x67: {  	_ =	swait.ge [sflag:s17], $0x4000  }
0x68: {  	s0 =	sand.u32 $0x200, s26;
	[sflag:s17] =	ssyncset.done $0x0  }
0x69: {  	s25 =	sadd.s32 s24, s5;
	s15 =	sor.u32 $0x4000, s0;
	[sflag:s17] =	ssyncadd.s32 $0xFFFFC000  }
0x6a: {  	[spmem:s1] =	stream.indirect.scatter.add.f32 [tilespmem:s3], [sflag:$0x1], $0x80, s15, s16, $0xb8;
	[tilespmem:$0x18400] =	vst v63  }
0x6b: {  	s31 =	sand.u32 $0x200, s24;
	s30 =	sor.u32 $0x4080, s0;
	s25 =	sand.u32 $0xFFC00, s25  }
0x6c: {  	[spmem:s1] =	stream.indirect.scatter.add.f32 [tilespmem:s3], [sflag:$0x1], $0x80, s30, s16, $0xb8;
	[tilespmem:$0x18400] =	vst v63  }
0x6d: {  	s23 =	sand.u32 $0x800, s23;
	s26 =	sor.u32 $0x4100, s0;
	s24 =	sor.u32 s31, s25  }
0x6e: {  	[spmem:s1] =	stream.indirect.scatter.add.f32 [tilespmem:s3], [sflag:$0x1], $0x80, s26, s16, $0xb8;
	[tilespmem:$0x18400] =	vst v63  }
0x6f: {  	s0 =	sor.u32 $0x4180, s0;
	s23 =	sshrl.u32 s23, $0x2;
	s28 =	sshrl.u32 s24, $0x3  }
0x70: {  	[spmem:s1] =	stream.indirect.scatter.add.f32 [tilespmem:s3], [sflag:$0x1], $0x80, s0, s16, $0xb8;
	[tilespmem:$0x18400] =	vst v63  }
0x71: {  	s29 =	sor.u32 $0x4000, s23;
	s15 =	sadd.s32 s4, s28  }
0x72: {  	[tilespmem:s29], [sflag:$0x2] =	stream.linear.gather [hbm4b:s15+s3], $0x200, $0x38;
	[tilespmem:$0x18400] =	vst v63  }
0x73: {  	_ =	swait.ge [sflag:s14], $0x200  }
0x74: {  	[sflag:s14] =	ssyncset.done $0x0  }
0x75: {  	[sflag:s14] =	ssyncadd.s32 $0xFFFFFE00  }
0x76: {  	_ =	swait.ge [sflag:s17], $0x4000  }
0x77: {  	[sflag:s17] =	ssyncset.done $0x0  }
0x78: {  	[sflag:s17] =	ssyncadd.s32 $0xFFFFC000  }
0x79: {  	_ =	swait.ge [sflag:s17], $0x4000  }
0x7a: {  	[sflag:s17] =	ssyncset.done $0x0  }
0x7b: {  	[sflag:s17] =	ssyncadd.s32 $0xFFFFC000  }
0x7c: {  	_ =	swait.ge [sflag:s17], $0x4000  }
0x7d: {  	[sflag:s17] =	ssyncset.done $0x0  }
0x7e: {  	[sflag:s17] =	ssyncadd.s32 $0xFFFFC000  }
0x7f: {  	_ =	swait.ge [sflag:s17], $0x4000  }
0x80: {  	[sflag:s17] =	ssyncset.done $0x0  }
0x81: {  	[sflag:s17] =	ssyncadd.s32 $0xFFFFC000  }
0x82: {  	[spmem:s1] =	stream.indirect.scatter.add.f32 [tilespmem:s3], [sflag:$0x1], $0x80, s18, s16, $0xb8;
	[tilespmem:$0x18400] =	vst v63  }
0x83: {  	_ = 	snop  }
0x84: {  	[spmem:s1] =	stream.indirect.scatter.add.f32 [tilespmem:s3], [sflag:$0x1], $0x80, s19, s16, $0xb8;
	[tilespmem:$0x18400] =	vst v63  }
0x85: {  	_ = 	snop  }
0x86: {  	[spmem:s1] =	stream.indirect.scatter.add.f32 [tilespmem:s3], [sflag:$0x1], $0x80, s20, s16, $0xb8;
	[tilespmem:$0x18400] =	vst v63  }
0x87: {  	_ = 	snop  }
0x88: {  	[spmem:s1] =	stream.indirect.scatter.add.f32 [tilespmem:s3], [sflag:$0x1], $0x80, s21, s16, $0xb8;
	[tilespmem:$0x18400] =	vst v63  }
0x89: {  	_ =	swait.ge [sflag:s17], $0x4000  }
0x8a: {  	[sflag:s17] =	ssyncset.done $0x0  }
0x8b: {  	[sflag:s17] =	ssyncadd.s32 $0xFFFFC000  }
0x8c: {  	_ =	swait.ge [sflag:s17], $0x4000  }
0x8d: {  	[sflag:s17] =	ssyncset.done $0x0  }
0x8e: {  	[sflag:s17] =	ssyncadd.s32 $0xFFFFC000  }
0x8f: {  	_ =	swait.ge [sflag:s17], $0x4000  }
0x90: {  	[sflag:s17] =	ssyncset.done $0x0  }
0x91: {  	[sflag:s17] =	ssyncadd.s32 $0xFFFFC000  }
0x92: {  	s22 =	sadd.s32 $0x1, s22;
	_ =	swait.ge [sflag:s17], $0x4000  }
0x93: {  	p0 =	sne.s32 s22, s9;
	[sflag:s17] =	ssyncset.done $0x0  }
0x94: {  	s31 =	sshrl.u32 s6, $0x3;
	s30 =	sshll.u32 s2, $0x6;
	[sflag:s17] =	ssyncadd.s32 $0xFFFFC000  }
.Ltmp2:
0x95: {  	s0 =	sor.u32 $0x1C02, s30;
	[bflag:$0x0] =	sbarrier.arrive $0xFFFF;
	(pc) =	sbr.rel @p0 .LBB2_1-.Ltmp2, $4  }
0x96: {  	[hbm:s8], [sflag:s0] =	dma.local [spmem:s31], $0x2800  }
0x97: {  	_ =	swait.ge [sflag:s14], $0x2800  }
0x98: {  	[sflag:s14] =	ssyncset.done $0x0  }
0x99: {  	[sflag:s14] =	ssyncadd.s32 $0xFFFFD800  }
0x9a: {  	_ =	sfence.sel $0x180000  }
0x9b: {  	[bflag:$0x0] =	sbarrier.arrive $0xFFFF  }
0x9c: {  	_ =	strace $0x90000047  }
0x9d: {  	[bflag:$0x2] =	sbarrier.arrive $0xFFFF  }
0x9e: {  	p0 =	sne.s32 s2, $0x0;
	s0 =	rddreg [dreg:$0x2]  }
0x9f: {  	s0 =	sadd.s32 @!p0 $0x100000, s0  }
0xa0: {  	[sflag:s0] =	ssyncadd.tile.s32 @!p0 $0x1;
	_ =	shalt  }
.Lfunc_end2:
_tile_overlayer_lowered:
.L_overlay_start_2:
0xa1: {  	(tag) =	ssettag $0x2  }
0xa2: {  	s0 =	rddreg [dreg:$0x0];
	s2 =	stileid.u32  }
0xa3: {  	s1 =	rddreg [dreg:$0x1];
	p0 =	sne.s32 s2, $0x0  }
0xa4: {  	s3 =	rddreg [dreg:$0x2];
	[bflag:$0x3] =	sbarrier.arrive $0xFFFF;
	s2 =	simm.s32 @!p0 $0x1C02  }
0xa5: {  	[timem:s3], [sflag:s2] =	dma.local @!p0 [hbm:s0], s1  }
0xa6: {  	s0 =	simm.s32 @!p0 $0x2  }
0xa7: {  	_ =	swait.ge @!p0 [sflag:s0], s1  }
0xa8: {  	s1 =	ssub.s32 @!p0 $0x0, s1;
	[sflag:s0] =	ssyncset.done @!p0 $0x0  }
0xa9: {  	[sflag:s0] =	ssyncadd.s32 @!p0 s1  }
0xaa: {  	[bflag:$0x3] =	sbarrier.arrive $0xFFFF  }
0xab: {  	_ =	shalt  }

</sc_bundles>
